<compile_context>
chip_gen: v7x
topology: tpu7x:2x2x1
jax: 0.10.2.dev20260603
libtpu: 0.0.44.dev20260713+nightly
codegen_flags: <defaults>
</compile_context>

<pallas_src>
import functools

import jax
import jax.numpy as jnp
from jax import lax
from jax.experimental import pallas as pl
from jax.experimental.pallas import tpu as pltpu
from jax.experimental.pallas import tpu_sc as plsc

N, D, E, FF, TOPK = 2048, 1024, 8, 4096, 2
CAP = 320
STRIDE = 352
S = E * STRIDE
LANES = 128
TB = 256
FF_BLK = 512
NJ = FF // FF_BLK
ZROW = 0
PAD_SLOT = CAP
SB = 256

NC, NS = 2, 16
NW = NC * NS
DISP_PER_TILE = S // NW
TOK_PER_TILE = N // NW
CHUNK_TOK = 32



def _route_body(x_ref, gwt_ref,
                src_ref, sw_ref, c0_ref, c1_ref, aux_ref,
                a_s, w_s, ps_s):
    i = pl.program_id(0)
    lib = lax.broadcasted_iota(jnp.int32, (TB, LANES), 1)
    logits = jnp.dot(x_ref[...], gwt_ref[...],
                     preferred_element_type=jnp.float32,
                     precision=lax.Precision.DEFAULT)
    logits = jnp.where(lib < E, logits, -1e30)
    m = jnp.max(logits, axis=1, keepdims=True)
    p = jnp.exp(logits - m)
    p = jnp.where(lib < E, p, 0.0)
    probs = p / jnp.sum(p, axis=1, keepdims=True)
    m1 = jnp.max(probs, axis=1, keepdims=True)
    a1 = jnp.min(jnp.where(probs == m1, lib, LANES), axis=1, keepdims=True)
    probs2 = jnp.where(lib == a1, -1.0, probs)
    m2 = jnp.max(probs2, axis=1, keepdims=True)
    a2 = jnp.min(jnp.where(probs2 == m2, lib, LANES), axis=1, keepdims=True)
    tot = m1 + m2
    a_s[pl.ds(i * TB, TB), :] = jnp.where(lib == 0, a1, a2)
    w_s[pl.ds(i * TB, TB), :] = jnp.where(lib == 0, m1 / tot, m2 / tot)
    psum = jnp.sum(probs, axis=0, keepdims=True)

    @pl.when(i == 0)
    def _():
        ps_s[...] = psum

    @pl.when(i > 0)
    def _():
        ps_s[...] += psum

    @pl.when(i == N // TB - 1)
    def _():
        _rank_and_invert(a_s, w_s, ps_s,
                         src_ref, sw_ref, c0_ref, c1_ref, aux_ref)


def _rank_and_invert(a_ref, w_ref, ps_ref,
                     src_ref, sw_ref, c0_ref, c1_ref, aux_ref):
    li = lax.broadcasted_iota(jnp.int32, (N, LANES), 1)
    A = a_ref[...]
    e0 = A[:, 0:1]
    e1 = A[:, 1:2]
    oh0 = (li == e0).astype(jnp.float32)
    oh1 = (li == e1).astype(jnp.float32)
    msum = oh0 + oh1

    r = lax.broadcasted_iota(jnp.int32, (128, 128), 0)
    c = lax.broadcasted_iota(jnp.int32, (128, 128), 1)
    ls = (r > c).astype(jnp.float32)
    carry = jnp.zeros((1, LANES), jnp.float32)
    parts = []
    for i in range(N // 128):
        ch = msum[128 * i:128 * (i + 1)]
        parts.append(jnp.dot(ls, ch, preferred_element_type=jnp.float32)
                     + carry)
        carry = carry + jnp.sum(ch, axis=0, keepdims=True)
    prefix = jnp.concatenate(parts, axis=0)
    counts = carry

    rank0 = jnp.sum(prefix * oh0, axis=1, keepdims=True) + 1.0
    rank1 = jnp.sum((prefix + oh0) * oh1, axis=1, keepdims=True) + 1.0
    r0i = rank0.astype(jnp.int32)
    r1i = rank1.astype(jnp.int32)
    slot0 = e0 * STRIDE + r0i - 1
    slot1 = e1 * STRIDE + r1i - 1
    v0 = r0i <= CAP
    v1 = r1i <= CAP
    c0_ref[...] = jnp.broadcast_to(jnp.where(v0, slot0, PAD_SLOT), (N, LANES))
    c1_ref[...] = jnp.broadcast_to(jnp.where(v1, slot1, PAD_SLOT), (N, LANES))

    wt = w_ref[...]

    def _split(w):
        hi = w.astype(jnp.bfloat16).astype(jnp.float32)
        return hi, w - hi

    w0h, w0l = _split(wt[:, 0:1])
    w1h, w1l = _split(wt[:, 1:2])
    tok = lax.broadcasted_iota(jnp.int32, (N, 1), 0)
    tokh = (tok // 256).astype(jnp.float32)
    tokl = (tok % 256).astype(jnp.float32)
    sm0 = jnp.where(v0, slot0, -1)
    sm1 = jnp.where(v1, slot1, -1)

    def _cols(wh, wl):
        return jnp.where(
            li == 0, tokh,
            jnp.where(li == 1, tokl,
                      jnp.where(li == 2, 1.0,
                                jnp.where(li == 3, wh,
                                          jnp.where(li == 4, wl, 0.0)))))

    cols0 = _cols(w0h, w0l)
    cols1 = _cols(w1h, w1l)
    dn = (((0,), (0,)), ((), ()))
    for b in range(S // SB):
        sl = lax.broadcasted_iota(jnp.int32, (N, SB), 1) + b * SB
        m0 = (sl == sm0).astype(jnp.float32)
        m1_ = (sl == sm1).astype(jnp.float32)
        res = (lax.dot_general(m0, cols0, dn,
                               preferred_element_type=jnp.float32)
               + lax.dot_general(m1_, cols1, dn,
                                 preferred_element_type=jnp.float32))
        fil = res[:, 2:3]
        src_f = res[:, 0:1] * 256.0 + res[:, 1:2]
        src_v = jnp.where(fil > 0.5, src_f.astype(jnp.int32), ZROW)
        w_v = jnp.where(fil > 0.5, res[:, 3:4] + res[:, 4:5], 0.0)
        src_ref[b * SB:(b + 1) * SB, :] = jnp.broadcast_to(src_v, (SB, LANES))
        sw_ref[b * SB:(b + 1) * SB, :] = jnp.broadcast_to(w_v, (SB, LANES))

    pbar = ps_ref[...] / N
    f = counts / (N * TOPK + 1e-9)
    aux = E * jnp.sum(f * pbar, axis=1, keepdims=True) * 0.01
    aux_ref[...] = jnp.broadcast_to(aux, (8, LANES))


_route_call = pl.pallas_call(
    _route_body,
    grid=(N // TB,),
    in_specs=[pl.BlockSpec((TB, D), lambda i: (i, 0)),
              pl.BlockSpec((D, LANES), lambda i: (0, 0))],
    out_specs=[pl.BlockSpec((S, LANES), lambda i: (0, 0)),
               pl.BlockSpec((S, LANES), lambda i: (0, 0)),
               pl.BlockSpec((N, LANES), lambda i: (0, 0)),
               pl.BlockSpec((N, LANES), lambda i: (0, 0)),
               pl.BlockSpec((8, LANES), lambda i: (0, 0))],
    out_shape=[jax.ShapeDtypeStruct((S, LANES), jnp.int32),
               jax.ShapeDtypeStruct((S, LANES), jnp.float32),
               jax.ShapeDtypeStruct((N, LANES), jnp.int32),
               jax.ShapeDtypeStruct((N, LANES), jnp.int32),
               jax.ShapeDtypeStruct((8, LANES), jnp.float32)],
    scratch_shapes=[pltpu.VMEM((N, LANES), jnp.int32),
                    pltpu.VMEM((N, LANES), jnp.float32),
                    pltpu.VMEM((1, LANES), jnp.float32)],
)



def _ffn_body(x_ref, wg_ref, wu_ref, wd_ref, sw_ref, o_ref, acc_ref):
    j = pl.program_id(1)
    xb = x_ref[...]
    g = jnp.dot(xb, wg_ref[0], preferred_element_type=jnp.float32)
    u = jnp.dot(xb, wu_ref[0], preferred_element_type=jnp.float32)
    h = g * jax.nn.sigmoid(g) * u
    part = jnp.dot(h, wd_ref[0], preferred_element_type=jnp.float32)

    @pl.when(j == 0)
    def _():
        acc_ref[...] = part

    @pl.when(j > 0)
    def _():
        acc_ref[...] += part

    @pl.when(j == NJ - 1)
    def _():
        o_ref[...] = acc_ref[...] * sw_ref[...]


_ffn_call = pl.pallas_call(
    _ffn_body,
    grid=(E, NJ),
    in_specs=[pl.BlockSpec((STRIDE, D), lambda e, j: (e, 0)),
              pl.BlockSpec((1, D, FF_BLK), lambda e, j: (e, 0, j)),
              pl.BlockSpec((1, D, FF_BLK), lambda e, j: (e, 0, j)),
              pl.BlockSpec((1, FF_BLK, D), lambda e, j: (e, j, 0)),
              pl.BlockSpec((STRIDE, 1), lambda e, j: (e, 0))],
    out_specs=pl.BlockSpec((STRIDE, D), lambda e, j: (e, 0)),
    out_shape=jax.ShapeDtypeStruct((S, D), jnp.float32),
    scratch_shapes=[pltpu.VMEM((STRIDE, D), jnp.float32)],
)




@functools.cache
def _sc_kernels():
    mesh = plsc.VectorSubcoreMesh(core_axis_name="c", subcore_axis_name="s",
                                  num_cores=NC, num_subcores=NS)

    @functools.partial(
        pl.kernel,
        out_type=jax.ShapeDtypeStruct((S, D), jnp.float32),
        mesh=mesh,
        scratch_types=[pltpu.VMEM((DISP_PER_TILE,), jnp.int32),
                       pltpu.VMEM((DISP_PER_TILE, D), jnp.float32),
                       pltpu.SemaphoreType.DMA,
                       pltpu.SemaphoreType.DMA],
    )
    def dispatch(x_hbm, idx_hbm, out_hbm, idx_v, rows_v, sem_g, sem_w):
        wid = lax.axis_index("s") * NC + lax.axis_index("c")
        base = wid * DISP_PER_TILE
        pltpu.sync_copy(idx_hbm.at[pl.ds(base, DISP_PER_TILE)], idx_v)
        pltpu.async_copy(x_hbm.at[idx_v], rows_v, sem_g).wait()
        pltpu.async_copy(
            rows_v, out_hbm.at[pl.ds(base, DISP_PER_TILE)], sem_w).wait()

    nv = D // 16
    npass = TOK_PER_TILE // CHUNK_TOK

    @functools.partial(
        pl.kernel,
        out_type=jax.ShapeDtypeStruct((N, D), jnp.float32),
        mesh=mesh,
        scratch_types=[pltpu.VMEM((2 * TOK_PER_TILE,), jnp.int32),
                       pltpu.VMEM((2 * CHUNK_TOK, D), jnp.float32),
                       pltpu.VMEM((CHUNK_TOK, D), jnp.float32),
                       pltpu.SemaphoreType.DMA,
                       pltpu.SemaphoreType.DMA],
    )
    def combine(eo_hbm, idx_hbm, out_hbm, idx_v, g_v, o_v, sem_g, sem_w):
        wid = lax.axis_index("s") * NC + lax.axis_index("c")
        ibase = wid * 2 * TOK_PER_TILE
        obase = wid * TOK_PER_TILE
        pltpu.sync_copy(idx_hbm.at[pl.ds(ibase, 2 * TOK_PER_TILE)], idx_v)
        g = pltpu.async_copy(
            eo_hbm.at[idx_v.at[pl.ds(0, 2 * CHUNK_TOK)]], g_v, sem_g)
        w_prev = None
        for p in range(npass):
            g.wait()
            if w_prev is not None:
                w_prev.wait()

            @plsc.parallel_loop(0, CHUNK_TOK * nv, unroll=8)
            def _(i):
                row = i // nv
                off = (i % nv) * 16
                o_v[row, pl.ds(off, 16)] = (
                    g_v[2 * row, pl.ds(off, 16)]
                    + g_v[2 * row + 1, pl.ds(off, 16)])

            if p + 1 < npass:
                g = pltpu.async_copy(
                    eo_hbm.at[idx_v.at[pl.ds((p + 1) * 2 * CHUNK_TOK,
                                             2 * CHUNK_TOK)]],
                    g_v, sem_g)
            w_prev = pltpu.async_copy(
                o_v, out_hbm.at[pl.ds(obase + p * CHUNK_TOK, CHUNK_TOK)],
                sem_w)
        w_prev.wait()

    return dispatch, combine



def kernel(x, gate_w, w_gate, w_up, w_down):
    x_flat = x.reshape(N, D)
    gwt = jnp.zeros((D, LANES), jnp.float32).at[:, :E].set(gate_w.T)
    src, sw, c0, c1, aux = _route_call(x_flat, gwt)
    dispatch, combine = _sc_kernels()
    disp = dispatch(x_flat, src[:, 0])
    eo = _ffn_call(disp, w_gate, w_up, w_down, sw[:, 0:1])
    c01 = jnp.stack([c0[:, 0], c1[:, 0]], axis=1).reshape(-1)
    out = combine(eo, c01)
    return out.reshape(1, N, D), aux[0, 0]

# --- scband reference (transcript-rebuilt; emitter-appended) ---
"""Pipeline reference for scband-mo-e-58875411694139 (READ-ONLY COPY).

The authoritative reference and input builder live on the scoring server;
editing this copy changes nothing except your own understanding.
"""

import jax, jax.numpy as jnp
import numpy as np

NUM_EXPERTS = 8
TOP_K = 2
EMBED_DIM = 1024
FF_DIM = 4096
CAPACITY_FACTOR = 1.25
AUX_W = 0.01


def setup_inputs(seed: int = 0) -> dict:
    key = jax.random.key(seed)
    k1, k2, k3, k4, k5 = jax.random.split(key, 5)
    x = jax.random.normal(k1, (1, 2048, EMBED_DIM), dtype=jnp.float32)
    gate_w = jax.random.normal(k2, (NUM_EXPERTS, EMBED_DIM), dtype=jnp.float32) * 0.02
    w_gate = jax.random.normal(k3, (NUM_EXPERTS, EMBED_DIM, FF_DIM), dtype=jnp.float32) * 0.02
    w_up = jax.random.normal(k4, (NUM_EXPERTS, EMBED_DIM, FF_DIM), dtype=jnp.float32) * 0.02
    w_down = jax.random.normal(k5, (NUM_EXPERTS, FF_DIM, EMBED_DIM), dtype=jnp.float32) * 0.02
    return {"x": x, "gate_w": gate_w, "w_gate": w_gate, "w_up": w_up, "w_down": w_down}


def reference(x, gate_w, w_gate, w_up, w_down):
    B, S, D = x.shape
    N = B * S
    x_flat = x.reshape(N, D)
    # Router: Linear(embed_dim, num_experts, bias=False)
    logits = x_flat @ gate_w.T
    probs = jax.nn.softmax(logits, axis=-1)
    weights, indices = jax.lax.top_k(probs, TOP_K)
    weights = weights / jnp.sum(weights, axis=-1, keepdims=True)
    capacity = max(int(N / NUM_EXPERTS * CAPACITY_FACTOR), 4)
    total_slots = NUM_EXPERTS * capacity
    indices_flat = indices.reshape(-1)
    x_rep = jnp.repeat(x_flat, TOP_K, axis=0)
    expert_mask = jax.nn.one_hot(indices_flat, NUM_EXPERTS, dtype=jnp.int32)
    token_priority = jnp.cumsum(expert_mask, axis=0) * expert_mask
    token_rank = token_priority.sum(axis=1)
    valid_mask = (token_rank > 0) & (token_rank <= capacity)
    gather_idx = indices_flat * capacity + (token_rank - 1)
    # scatter (index_copy equivalent): drop overflowed tokens
    safe_idx = jnp.where(valid_mask, gather_idx, total_slots)
    dispatched = jnp.zeros((total_slots, D), dtype=x.dtype).at[safe_idx].set(x_rep, mode="drop")
    disp = dispatched.reshape(NUM_EXPERTS, capacity, D)
    # VectorizedExperts via BMM
    gate = jnp.einsum("ecd,edf->ecf", disp, w_gate)
    up = jnp.einsum("ecd,edf->ecf", disp, w_up)
    hidden = jax.nn.silu(gate) * up  # dropout=0.0 (eval)
    expert_out = jnp.einsum("ecf,efd->ecd", hidden, w_down)
    eo_flat = expert_out.reshape(-1, D)
    gathered = eo_flat[jnp.where(valid_mask, gather_idx, 0)]
    combined = jnp.where(valid_mask[:, None], gathered, 0.0)
    combined = combined.reshape(N, TOP_K, D)
    output = jnp.sum(combined * weights[:, :, None], axis=1).reshape(B, S, D)
    # aux load-balancing loss
    mask = jax.nn.one_hot(indices, NUM_EXPERTS, dtype=jnp.float32).sum(axis=1)
    f = mask.sum(axis=0) / (N * TOP_K + 1e-09)
    P = probs.mean(axis=0)
    aux_loss = NUM_EXPERTS * jnp.sum(f * P) * AUX_W
    return (output, aux_loss)

if __name__ == "__main__":
    import jax
    _d = setup_inputs()
    print(jax.jit(kernel)(*tuple(_d.values())))

</pallas_src>

<mosaic_0001>
#map = affine_map<(d0, d1) -> (0, 0)>
#map1 = affine_map<(d0, d1) -> (0)>
module attributes {stable_mosaic.version = 14 : i64} {
  func.func @dispatch(%arg0: i32, %arg1: i32, %arg2: memref<2048x1024xf32, #tpu.memory_space<hbm>>, %arg3: memref<2816xi32, #tpu.memory_space<hbm>>, %arg4: memref<2816x1024xf32, #tpu.memory_space<hbm>>, %arg5: memref<88xi32, #tpu.memory_space<vmem>>, %arg6: memref<88x1024xf32, #tpu.memory_space<vmem>>, %arg7: memref<!tpu.dma_semaphore, #tpu.memory_space<semaphore_mem>>, %arg8: memref<!tpu.dma_semaphore, #tpu.memory_space<semaphore_mem>>) attributes {dimension_semantics = [#tpu.dimension_semantics<core_parallel>, #tpu.dimension_semantics<subcore_parallel>], iteration_bounds = array<i64: 2, 16>, scalar_prefetch = 0 : i64, scratch_operands = 4 : i64, tpu.core_type = #tpu.core_type<sc_vector_subcore>, window_params = [{transform_indices = #map}, {transform_indices = #map1}, {transform_indices = #map}]} {
    %mul3A = arith.constant 2 : i32
    %mul3A_0 = arith.muli %arg1, %mul3A : i32
    %add3A = arith.addi %mul3A_0, %arg0 : i32
    %mul3A_1 = arith.constant 88 : i32
    %mul3A_2 = arith.muli %add3A, %mul3A_1 : i32
    "tpu.region"() ({
      %run_scoped3A = tpu.sem_alloc : memref<!tpu.dma_semaphore, #tpu.memory_space<semaphore_mem>>
      %dma_start3A_15 = tpu.memref_slice %arg3[%mul3A_2] : memref<2816xi32, #tpu.memory_space<hbm>> -> memref<88xi32, #tpu.memory_space<hbm>>
      %dma_start3A_16 = tpu.memref_slice %arg3[%mul3A_2] : memref<2816xi32, #tpu.memory_space<hbm>> -> memref<88xi32, #tpu.memory_space<hbm>>
      tpu.enqueue_dma source(%dma_start3A_16 : memref<88xi32, #tpu.memory_space<hbm>>) target(%arg5 : memref<88xi32, #tpu.memory_space<vmem>>) target_semaphore(%run_scoped3A : memref<!tpu.dma_semaphore, #tpu.memory_space<semaphore_mem>>)
      %dma_wait3A_17 = tpu.memref_slice %arg3[%mul3A_2] : memref<2816xi32, #tpu.memory_space<hbm>> -> memref<88xi32, #tpu.memory_space<hbm>>
      %dma_wait3A_18 = tpu.memref_slice %arg3[%mul3A_2] : memref<2816xi32, #tpu.memory_space<hbm>> -> memref<88xi32, #tpu.memory_space<hbm>>
      tpu.wait_dma2 semaphore(%run_scoped3A : memref<!tpu.dma_semaphore, #tpu.memory_space<semaphore_mem>>) src(%dma_wait3A_18 : memref<88xi32, #tpu.memory_space<hbm>>) dst(%arg5 : memref<88xi32, #tpu.memory_space<vmem>>)
      tpu.yield
    }) : () -> ()
    %dma_start3A = arith.constant 0 : i32
    %dma_start3A_3 = arith.constant 0 : i32
    %dma_start3A_4 = tpu.memref_slice %arg2[%dma_start3A, %dma_start3A_3] : memref<2048x1024xf32, #tpu.memory_space<hbm>> -> memref<2048x1024xf32, #tpu.memory_space<hbm>>
    tpu.enqueue_indirect_dma source(%dma_start3A_4 : memref<2048x1024xf32, #tpu.memory_space<hbm>>) target(%arg6 : memref<88x1024xf32, #tpu.memory_space<vmem>>) offsets(%arg5 : memref<88xi32, #tpu.memory_space<vmem>>) semaphore(%arg7 : memref<!tpu.dma_semaphore, #tpu.memory_space<semaphore_mem>>)
    %dma_wait3A = arith.constant 0 : i32
    %dma_wait3A_5 = arith.constant 0 : i32
    %dma_wait3A_6 = tpu.memref_slice %arg2[%dma_wait3A, %dma_wait3A_5] : memref<2048x1024xf32, #tpu.memory_space<hbm>> -> memref<2048x1024xf32, #tpu.memory_space<hbm>>
    tpu.wait_indirect_dma semaphore(%arg7 : memref<!tpu.dma_semaphore, #tpu.memory_space<semaphore_mem>>) src(%dma_wait3A_6 : memref<2048x1024xf32, #tpu.memory_space<hbm>>) dst(%arg6 : memref<88x1024xf32, #tpu.memory_space<vmem>>)
    %dma_start3A_7 = arith.constant 0 : i32
    %dma_start3A_8 = tpu.memref_slice %arg4[%mul3A_2, %dma_start3A_7] : memref<2816x1024xf32, #tpu.memory_space<hbm>> -> memref<88x1024xf32, #tpu.memory_space<hbm>>
    %dma_start3A_9 = arith.constant 0 : i32
    %dma_start3A_10 = tpu.memref_slice %arg4[%mul3A_2, %dma_start3A_9] : memref<2816x1024xf32, #tpu.memory_space<hbm>> -> memref<88x1024xf32, #tpu.memory_space<hbm>>
    tpu.enqueue_dma source(%arg6 : memref<88x1024xf32, #tpu.memory_space<vmem>>) target(%dma_start3A_10 : memref<88x1024xf32, #tpu.memory_space<hbm>>) target_semaphore(%arg8 : memref<!tpu.dma_semaphore, #tpu.memory_space<semaphore_mem>>)
    %dma_wait3A_11 = arith.constant 0 : i32
    %dma_wait3A_12 = tpu.memref_slice %arg4[%mul3A_2, %dma_wait3A_11] : memref<2816x1024xf32, #tpu.memory_space<hbm>> -> memref<88x1024xf32, #tpu.memory_space<hbm>>
    %dma_wait3A_13 = arith.constant 0 : i32
    %dma_wait3A_14 = tpu.memref_slice %arg4[%mul3A_2, %dma_wait3A_13] : memref<2816x1024xf32, #tpu.memory_space<hbm>> -> memref<88x1024xf32, #tpu.memory_space<hbm>>
    tpu.wait_dma2 semaphore(%arg8 : memref<!tpu.dma_semaphore, #tpu.memory_space<semaphore_mem>>) src(%arg6 : memref<88x1024xf32, #tpu.memory_space<vmem>>) dst(%dma_wait3A_14 : memref<88x1024xf32, #tpu.memory_space<hbm>>)
    return
  }
}

#map = affine_map<(d0, d1) -> (0, 0)>
#map1 = affine_map<(d0, d1) -> (0)>
module attributes {stable_mosaic.version = 14 : i64} {
  func.func @combine(%arg0: i32, %arg1: i32, %arg2: memref<2816x1024xf32, #tpu.memory_space<hbm>>, %arg3: memref<4096xi32, #tpu.memory_space<hbm>>, %arg4: memref<2048x1024xf32, #tpu.memory_space<hbm>>, %arg5: memref<128xi32, #tpu.memory_space<vmem>>, %arg6: memref<64x1024xf32, #tpu.memory_space<vmem>>, %arg7: memref<32x1024xf32, #tpu.memory_space<vmem>>, %arg8: memref<!tpu.dma_semaphore, #tpu.memory_space<semaphore_mem>>, %arg9: memref<!tpu.dma_semaphore, #tpu.memory_space<semaphore_mem>>) attributes {dimension_semantics = [#tpu.dimension_semantics<core_parallel>, #tpu.dimension_semantics<subcore_parallel>], iteration_bounds = array<i64: 2, 16>, scalar_prefetch = 0 : i64, scratch_operands = 5 : i64, tpu.core_type = #tpu.core_type<sc_vector_subcore>, window_params = [{transform_indices = #map}, {transform_indices = #map1}, {transform_indices = #map}]} {
    %mul3A = arith.constant 2 : i32
    %mul3A_0 = arith.muli %arg1, %mul3A : i32
    %add3A = arith.addi %mul3A_0, %arg0 : i32
    %mul3A_1 = arith.constant 2 : i32
    %mul3A_2 = arith.muli %add3A, %mul3A_1 : i32
    %mul3A_3 = arith.constant 64 : i32
    %mul3A_4 = arith.muli %mul3A_2, %mul3A_3 : i32
    %mul3A_5 = arith.constant 64 : i32
    %mul3A_6 = arith.muli %add3A, %mul3A_5 : i32
    "tpu.region"() ({
      %run_scoped3A = tpu.sem_alloc : memref<!tpu.dma_semaphore, #tpu.memory_space<semaphore_mem>>
      %dma_start3A_50 = tpu.memref_slice %arg3[%mul3A_4] : memref<4096xi32, #tpu.memory_space<hbm>> -> memref<128xi32, #tpu.memory_space<hbm>>
      %dma_start3A_51 = tpu.memref_slice %arg3[%mul3A_4] : memref<4096xi32, #tpu.memory_space<hbm>> -> memref<128xi32, #tpu.memory_space<hbm>>
      tpu.enqueue_dma source(%dma_start3A_51 : memref<128xi32, #tpu.memory_space<hbm>>) target(%arg5 : memref<128xi32, #tpu.memory_space<vmem>>) target_semaphore(%run_scoped3A : memref<!tpu.dma_semaphore, #tpu.memory_space<semaphore_mem>>)
      %dma_wait3A_52 = tpu.memref_slice %arg3[%mul3A_4] : memref<4096xi32, #tpu.memory_space<hbm>> -> memref<128xi32, #tpu.memory_space<hbm>>
      %dma_wait3A_53 = tpu.memref_slice %arg3[%mul3A_4] : memref<4096xi32, #tpu.memory_space<hbm>> -> memref<128xi32, #tpu.memory_space<hbm>>
      tpu.wait_dma2 semaphore(%run_scoped3A : memref<!tpu.dma_semaphore, #tpu.memory_space<semaphore_mem>>) src(%dma_wait3A_53 : memref<128xi32, #tpu.memory_space<hbm>>) dst(%arg5 : memref<128xi32, #tpu.memory_space<vmem>>)
      tpu.yield
    }) : () -> ()
    %dma_start3A = arith.constant 0 : i32
    %dma_start3A_7 = tpu.memref_slice %arg5[%dma_start3A] : memref<128xi32, #tpu.memory_space<vmem>> -> memref<64xi32, #tpu.memory_space<vmem>>
    %dma_start3A_8 = arith.constant 0 : i32
    %dma_start3A_9 = arith.constant 0 : i32
    %dma_start3A_10 = tpu.memref_slice %arg2[%dma_start3A_8, %dma_start3A_9] : memref<2816x1024xf32, #tpu.memory_space<hbm>> -> memref<2816x1024xf32, #tpu.memory_space<hbm>>
    tpu.enqueue_indirect_dma source(%dma_start3A_10 : memref<2816x1024xf32, #tpu.memory_space<hbm>>) target(%arg6 : memref<64x1024xf32, #tpu.memory_space<vmem>>) offsets(%dma_start3A_7 : memref<64xi32, #tpu.memory_space<vmem>>) semaphore(%arg8 : memref<!tpu.dma_semaphore, #tpu.memory_space<semaphore_mem>>)
    %dma_wait3A = arith.constant 0 : i32
    %dma_wait3A_11 = tpu.memref_slice %arg5[%dma_wait3A] : memref<128xi32, #tpu.memory_space<vmem>> -> memref<64xi32, #tpu.memory_space<vmem>>
    %dma_wait3A_12 = arith.constant 0 : i32
    %dma_wait3A_13 = arith.constant 0 : i32
    %dma_wait3A_14 = tpu.memref_slice %arg2[%dma_wait3A_12, %dma_wait3A_13] : memref<2816x1024xf32, #tpu.memory_space<hbm>> -> memref<2816x1024xf32, #tpu.memory_space<hbm>>
    tpu.wait_indirect_dma semaphore(%arg8 : memref<!tpu.dma_semaphore, #tpu.memory_space<semaphore_mem>>) src(%dma_wait3A_14 : memref<2816x1024xf32, #tpu.memory_space<hbm>>) dst(%arg6 : memref<64x1024xf32, #tpu.memory_space<vmem>>)
    %parallel_loop3A = arith.constant 0 : i32
    %parallel_loop3A_15 = arith.constant 2048 : i32
    %parallel_loop3A_16 = arith.constant 1 : i32
    scf.for %parallel_loop3A_50 = %parallel_loop3A to %parallel_loop3A_15 step %parallel_loop3A_16  : i32 {
      %parallel_loop3A_51 = arith.constant 64 : i32
      %parallel_loop3A_52 = arith.divsi %parallel_loop3A_50, %parallel_loop3A_51 : i32
      %parallel_loop3A_53 = arith.constant 0 : i32
      %parallel_loop3A_54 = arith.cmpi sgt, %parallel_loop3A_50, %parallel_loop3A_53 : i32
      %parallel_loop3A_55 = arith.extui %parallel_loop3A_54 : i1 to i32
      %parallel_loop3A_56 = arith.constant 0 : i32
      %parallel_loop3A_57 = arith.cmpi slt, %parallel_loop3A_50, %parallel_loop3A_56 : i32
      %parallel_loop3A_58 = arith.extui %parallel_loop3A_57 : i1 to i32
      %parallel_loop3A_59 = arith.subi %parallel_loop3A_55, %parallel_loop3A_58 : i32
      %parallel_loop3A_60 = arith.constant 0 : i32
      %parallel_loop3A_61 = arith.cmpi sgt, %parallel_loop3A_51, %parallel_loop3A_60 : i32
      %parallel_loop3A_62 = arith.extui %parallel_loop3A_61 : i1 to i32
      %parallel_loop3A_63 = arith.constant 0 : i32
      %parallel_loop3A_64 = arith.cmpi slt, %parallel_loop3A_51, %parallel_loop3A_63 : i32
      %parallel_loop3A_65 = arith.extui %parallel_loop3A_64 : i1 to i32
      %parallel_loop3A_66 = arith.subi %parallel_loop3A_62, %parallel_loop3A_65 : i32
      %parallel_loop3A_67 = arith.cmpi ne, %parallel_loop3A_59, %parallel_loop3A_66 : i32
      %parallel_loop3A_68 = arith.remsi %parallel_loop3A_50, %parallel_loop3A_51 : i32
      %parallel_loop3A_69 = arith.constant 0 : i32
      %parallel_loop3A_70 = arith.cmpi ne, %parallel_loop3A_68, %parallel_loop3A_69 : i32
      %parallel_loop3A_71 = arith.andi %parallel_loop3A_67, %parallel_loop3A_70 : i1
      %parallel_loop3A_72 = arith.constant 1 : i32
      %parallel_loop3A_73 = arith.subi %parallel_loop3A_52, %parallel_loop3A_72 : i32
      %parallel_loop3A_74 = arith.select %parallel_loop3A_71, %parallel_loop3A_73, %parallel_loop3A_52 : i32
      %parallel_loop3A_75 = arith.constant 64 : i32
      %parallel_loop3A_76 = arith.constant 0 : i32
      %parallel_loop3A_77 = arith.cmpi eq, %parallel_loop3A_75, %parallel_loop3A_76 : i32
      %parallel_loop3A_78 = arith.constant 1 : i32
      %parallel_loop3A_79 = arith.select %parallel_loop3A_77, %parallel_loop3A_78, %parallel_loop3A_75 : i32
      %parallel_loop3A_80 = arith.remsi %parallel_loop3A_50, %parallel_loop3A_79 : i32
      %parallel_loop3A_81 = arith.constant 0 : i32
      %parallel_loop3A_82 = arith.cmpi ne, %parallel_loop3A_80, %parallel_loop3A_81 : i32
      %parallel_loop3A_83 = arith.constant 0 : i32
      %parallel_loop3A_84 = arith.cmpi slt, %parallel_loop3A_80, %parallel_loop3A_83 : i32
      %parallel_loop3A_85 = arith.constant 0 : i32
      %parallel_loop3A_86 = arith.cmpi slt, %parallel_loop3A_79, %parallel_loop3A_85 : i32
      %parallel_loop3A_87 = arith.xori %parallel_loop3A_84, %parallel_loop3A_86 : i1
      %parallel_loop3A_88 = arith.andi %parallel_loop3A_87, %parallel_loop3A_82 : i1
      %parallel_loop3A_89 = arith.addi %parallel_loop3A_80, %parallel_loop3A_79 : i32
      %parallel_loop3A_90 = arith.select %parallel_loop3A_88, %parallel_loop3A_89, %parallel_loop3A_80 : i32
      %parallel_loop3A_91 = arith.constant 16 : i32
      %parallel_loop3A_92 = arith.muli %parallel_loop3A_90, %parallel_loop3A_91 : i32
      %parallel_loop3A_93 = arith.constant 2 : i32
      %parallel_loop3A_94 = arith.muli %parallel_loop3A_93, %parallel_loop3A_74 : i32
      %parallel_loop3A_95 = arith.index_cast %parallel_loop3A_94 : i32 to index
      %parallel_loop3A_96 = arith.index_cast %parallel_loop3A_92 : i32 to index
      %parallel_loop3A_97 = tpu.vector_load %arg6[%parallel_loop3A_95, %parallel_loop3A_96] {strides = array<i32>} : memref<64x1024xf32, #tpu.memory_space<vmem>>, vector<1x16xf32>,
      %parallel_loop3A_98 = vector.shape_cast %parallel_loop3A_97 : vector<1x16xf32> to vector<16xf32>
      %parallel_loop3A_99 = arith.constant 2 : i32
      %parallel_loop3A_100 = arith.muli %parallel_loop3A_99, %parallel_loop3A_74 : i32
      %parallel_loop3A_101 = arith.constant 1 : i32
      %parallel_loop3A_102 = arith.addi %parallel_loop3A_100, %parallel_loop3A_101 : i32
      %parallel_loop3A_103 = arith.index_cast %parallel_loop3A_102 : i32 to index
      %parallel_loop3A_104 = arith.index_cast %parallel_loop3A_92 : i32 to index
      %parallel_loop3A_105 = tpu.vector_load %arg6[%parallel_loop3A_103, %parallel_loop3A_104] {strides = array<i32>} : memref<64x1024xf32, #tpu.memory_space<vmem>>, vector<1x16xf32>,
      %parallel_loop3A_106 = vector.shape_cast %parallel_loop3A_105 : vector<1x16xf32> to vector<16xf32>
      %parallel_loop3A_107 = arith.addf %parallel_loop3A_98, %parallel_loop3A_106 : vector<16xf32>
      %parallel_loop3A_108 = arith.index_cast %parallel_loop3A_74 : i32 to index
      %parallel_loop3A_109 = arith.index_cast %parallel_loop3A_92 : i32 to index
      %parallel_loop3A_110 = tpu.vector_load %arg7[%parallel_loop3A_108, %parallel_loop3A_109] {strides = array<i32>} : memref<32x1024xf32, #tpu.memory_space<vmem>>, vector<1x16xf32>,
      %parallel_loop3A_111 = vector.shape_cast %parallel_loop3A_110 : vector<1x16xf32> to vector<16xf32>
      %parallel_loop3A_112 = vector.shape_cast %parallel_loop3A_107 : vector<16xf32> to vector<1x16xf32>
      tpu.vector_store %arg7[%parallel_loop3A_108, %parallel_loop3A_109], %parallel_loop3A_112 {strides = array<i32>} : memref<32x1024xf32, #tpu.memory_space<vmem>>, vector<1x16xf32>,
    } {sc.loop_unroll_factor = 8 : i64, sc.parallel_access}
    %dma_start3A_17 = arith.constant 64 : i32
    %dma_start3A_18 = tpu.memref_slice %arg5[%dma_start3A_17] : memref<128xi32, #tpu.memory_space<vmem>> -> memref<64xi32, #tpu.memory_space<vmem>>
    %dma_start3A_19 = arith.constant 0 : i32
    %dma_start3A_20 = arith.constant 0 : i32
    %dma_start3A_21 = tpu.memref_slice %arg2[%dma_start3A_19, %dma_start3A_20] : memref<2816x1024xf32, #tpu.memory_space<hbm>> -> memref<2816x1024xf32, #tpu.memory_space<hbm>>
    tpu.enqueue_indirect_dma source(%dma_start3A_21 : memref<2816x1024xf32, #tpu.memory_space<hbm>>) target(%arg6 : memref<64x1024xf32, #tpu.memory_space<vmem>>) offsets(%dma_start3A_18 : memref<64xi32, #tpu.memory_space<vmem>>) semaphore(%arg8 : memref<!tpu.dma_semaphore, #tpu.memory_space<semaphore_mem>>)
    %add3A_22 = arith.constant 0 : i32
    %add3A_23 = arith.addi %mul3A_6, %add3A_22 : i32
    %dma_start3A_24 = arith.constant 0 : i32
    %dma_start3A_25 = tpu.memref_slice %arg4[%add3A_23, %dma_start3A_24] : memref<2048x1024xf32, #tpu.memory_space<hbm>> -> memref<32x1024xf32, #tpu.memory_space<hbm>>
    %dma_start3A_26 = arith.constant 0 : i32
    %dma_start3A_27 = tpu.memref_slice %arg4[%add3A_23, %dma_start3A_26] : memref<2048x1024xf32, #tpu.memory_space<hbm>> -> memref<32x1024xf32, #tpu.memory_space<hbm>>
    tpu.enqueue_dma source(%arg7 : memref<32x1024xf32, #tpu.memory_space<vmem>>) target(%dma_start3A_27 : memref<32x1024xf32, #tpu.memory_space<hbm>>) target_semaphore(%arg9 : memref<!tpu.dma_semaphore, #tpu.memory_space<semaphore_mem>>)
    %dma_wait3A_28 = arith.constant 64 : i32
    %dma_wait3A_29 = tpu.memref_slice %arg5[%dma_wait3A_28] : memref<128xi32, #tpu.memory_space<vmem>> -> memref<64xi32, #tpu.memory_space<vmem>>
    %dma_wait3A_30 = arith.constant 0 : i32
    %dma_wait3A_31 = arith.constant 0 : i32
    %dma_wait3A_32 = tpu.memref_slice %arg2[%dma_wait3A_30, %dma_wait3A_31] : memref<2816x1024xf32, #tpu.memory_space<hbm>> -> memref<2816x1024xf32, #tpu.memory_space<hbm>>
    tpu.wait_indirect_dma semaphore(%arg8 : memref<!tpu.dma_semaphore, #tpu.memory_space<semaphore_mem>>) src(%dma_wait3A_32 : memref<2816x1024xf32, #tpu.memory_space<hbm>>) dst(%arg6 : memref<64x1024xf32, #tpu.memory_space<vmem>>)
    %dma_wait3A_33 = arith.constant 0 : i32
    %dma_wait3A_34 = tpu.memref_slice %arg4[%add3A_23, %dma_wait3A_33] : memref<2048x1024xf32, #tpu.memory_space<hbm>> -> memref<32x1024xf32, #tpu.memory_space<hbm>>
    %dma_wait3A_35 = arith.constant 0 : i32
    %dma_wait3A_36 = tpu.memref_slice %arg4[%add3A_23, %dma_wait3A_35] : memref<2048x1024xf32, #tpu.memory_space<hbm>> -> memref<32x1024xf32, #tpu.memory_space<hbm>>
    tpu.wait_dma2 semaphore(%arg9 : memref<!tpu.dma_semaphore, #tpu.memory_space<semaphore_mem>>) src(%arg7 : memref<32x1024xf32, #tpu.memory_space<vmem>>) dst(%dma_wait3A_36 : memref<32x1024xf32, #tpu.memory_space<hbm>>)
    %parallel_loop3A_37 = arith.constant 0 : i32
    %parallel_loop3A_38 = arith.constant 2048 : i32
    %parallel_loop3A_39 = arith.constant 1 : i32
    scf.for %parallel_loop3A_50 = %parallel_loop3A_37 to %parallel_loop3A_38 step %parallel_loop3A_39  : i32 {
      %parallel_loop3A_51 = arith.constant 64 : i32
      %parallel_loop3A_52 = arith.divsi %parallel_loop3A_50, %parallel_loop3A_51 : i32
      %parallel_loop3A_53 = arith.constant 0 : i32
      %parallel_loop3A_54 = arith.cmpi sgt, %parallel_loop3A_50, %parallel_loop3A_53 : i32
      %parallel_loop3A_55 = arith.extui %parallel_loop3A_54 : i1 to i32
      %parallel_loop3A_56 = arith.constant 0 : i32
      %parallel_loop3A_57 = arith.cmpi slt, %parallel_loop3A_50, %parallel_loop3A_56 : i32
      %parallel_loop3A_58 = arith.extui %parallel_loop3A_57 : i1 to i32
      %parallel_loop3A_59 = arith.subi %parallel_loop3A_55, %parallel_loop3A_58 : i32
      %parallel_loop3A_60 = arith.constant 0 : i32
      %parallel_loop3A_61 = arith.cmpi sgt, %parallel_loop3A_51, %parallel_loop3A_60 : i32
      %parallel_loop3A_62 = arith.extui %parallel_loop3A_61 : i1 to i32
      %parallel_loop3A_63 = arith.constant 0 : i32
      %parallel_loop3A_64 = arith.cmpi slt, %parallel_loop3A_51, %parallel_loop3A_63 : i32
      %parallel_loop3A_65 = arith.extui %parallel_loop3A_64 : i1 to i32
      %parallel_loop3A_66 = arith.subi %parallel_loop3A_62, %parallel_loop3A_65 : i32
      %parallel_loop3A_67 = arith.cmpi ne, %parallel_loop3A_59, %parallel_loop3A_66 : i32
      %parallel_loop3A_68 = arith.remsi %parallel_loop3A_50, %parallel_loop3A_51 : i32
      %parallel_loop3A_69 = arith.constant 0 : i32
      %parallel_loop3A_70 = arith.cmpi ne, %parallel_loop3A_68, %parallel_loop3A_69 : i32
      %parallel_loop3A_71 = arith.andi %parallel_loop3A_67, %parallel_loop3A_70 : i1
      %parallel_loop3A_72 = arith.constant 1 : i32
      %parallel_loop3A_73 = arith.subi %parallel_loop3A_52, %parallel_loop3A_72 : i32
      %parallel_loop3A_74 = arith.select %parallel_loop3A_71, %parallel_loop3A_73, %parallel_loop3A_52 : i32
      %parallel_loop3A_75 = arith.constant 64 : i32
      %parallel_loop3A_76 = arith.constant 0 : i32
      %parallel_loop3A_77 = arith.cmpi eq, %parallel_loop3A_75, %parallel_loop3A_76 : i32
      %parallel_loop3A_78 = arith.constant 1 : i32
      %parallel_loop3A_79 = arith.select %parallel_loop3A_77, %parallel_loop3A_78, %parallel_loop3A_75 : i32
      %parallel_loop3A_80 = arith.remsi %parallel_loop3A_50, %parallel_loop3A_79 : i32
      %parallel_loop3A_81 = arith.constant 0 : i32
      %parallel_loop3A_82 = arith.cmpi ne, %parallel_loop3A_80, %parallel_loop3A_81 : i32
      %parallel_loop3A_83 = arith.constant 0 : i32
      %parallel_loop3A_84 = arith.cmpi slt, %parallel_loop3A_80, %parallel_loop3A_83 : i32
      %parallel_loop3A_85 = arith.constant 0 : i32
      %parallel_loop3A_86 = arith.cmpi slt, %parallel_loop3A_79, %parallel_loop3A_85 : i32
      %parallel_loop3A_87 = arith.xori %parallel_loop3A_84, %parallel_loop3A_86 : i1
      %parallel_loop3A_88 = arith.andi %parallel_loop3A_87, %parallel_loop3A_82 : i1
      %parallel_loop3A_89 = arith.addi %parallel_loop3A_80, %parallel_loop3A_79 : i32
      %parallel_loop3A_90 = arith.select %parallel_loop3A_88, %parallel_loop3A_89, %parallel_loop3A_80 : i32
      %parallel_loop3A_91 = arith.constant 16 : i32
      %parallel_loop3A_92 = arith.muli %parallel_loop3A_90, %parallel_loop3A_91 : i32
      %parallel_loop3A_93 = arith.constant 2 : i32
      %parallel_loop3A_94 = arith.muli %parallel_loop3A_93, %parallel_loop3A_74 : i32
      %parallel_loop3A_95 = arith.index_cast %parallel_loop3A_94 : i32 to index
      %parallel_loop3A_96 = arith.index_cast %parallel_loop3A_92 : i32 to index
      %parallel_loop3A_97 = tpu.vector_load %arg6[%parallel_loop3A_95, %parallel_loop3A_96] {strides = array<i32>} : memref<64x1024xf32, #tpu.memory_space<vmem>>, vector<1x16xf32>,
      %parallel_loop3A_98 = vector.shape_cast %parallel_loop3A_97 : vector<1x16xf32> to vector<16xf32>
      %parallel_loop3A_99 = arith.constant 2 : i32
      %parallel_loop3A_100 = arith.muli %parallel_loop3A_99, %parallel_loop3A_74 : i32
      %parallel_loop3A_101 = arith.constant 1 : i32
      %parallel_loop3A_102 = arith.addi %parallel_loop3A_100, %parallel_loop3A_101 : i32
      %parallel_loop3A_103 = arith.index_cast %parallel_loop3A_102 : i32 to index
      %parallel_loop3A_104 = arith.index_cast %parallel_loop3A_92 : i32 to index
      %parallel_loop3A_105 = tpu.vector_load %arg6[%parallel_loop3A_103, %parallel_loop3A_104] {strides = array<i32>} : memref<64x1024xf32, #tpu.memory_space<vmem>>, vector<1x16xf32>,
      %parallel_loop3A_106 = vector.shape_cast %parallel_loop3A_105 : vector<1x16xf32> to vector<16xf32>
      %parallel_loop3A_107 = arith.addf %parallel_loop3A_98, %parallel_loop3A_106 : vector<16xf32>
      %parallel_loop3A_108 = arith.index_cast %parallel_loop3A_74 : i32 to index
      %parallel_loop3A_109 = arith.index_cast %parallel_loop3A_92 : i32 to index
      %parallel_loop3A_110 = tpu.vector_load %arg7[%parallel_loop3A_108, %parallel_loop3A_109] {strides = array<i32>} : memref<32x1024xf32, #tpu.memory_space<vmem>>, vector<1x16xf32>,
      %parallel_loop3A_111 = vector.shape_cast %parallel_loop3A_110 : vector<1x16xf32> to vector<16xf32>
      %parallel_loop3A_112 = vector.shape_cast %parallel_loop3A_107 : vector<16xf32> to vector<1x16xf32>
      tpu.vector_store %arg7[%parallel_loop3A_108, %parallel_loop3A_109], %parallel_loop3A_112 {strides = array<i32>} : memref<32x1024xf32, #tpu.memory_space<vmem>>, vector<1x16xf32>,
    } {sc.loop_unroll_factor = 8 : i64, sc.parallel_access}
    %add3A_40 = arith.constant 32 : i32
    %add3A_41 = arith.addi %mul3A_6, %add3A_40 : i32
    %dma_start3A_42 = arith.constant 0 : i32
    %dma_start3A_43 = tpu.memref_slice %arg4[%add3A_41, %dma_start3A_42] : memref<2048x1024xf32, #tpu.memory_space<hbm>> -> memref<32x1024xf32, #tpu.memory_space<hbm>>
    %dma_start3A_44 = arith.constant 0 : i32
    %dma_start3A_45 = tpu.memref_slice %arg4[%add3A_41, %dma_start3A_44] : memref<2048x1024xf32, #tpu.memory_space<hbm>> -> memref<32x1024xf32, #tpu.memory_space<hbm>>
    tpu.enqueue_dma source(%arg7 : memref<32x1024xf32, #tpu.memory_space<vmem>>) target(%dma_start3A_45 : memref<32x1024xf32, #tpu.memory_space<hbm>>) target_semaphore(%arg9 : memref<!tpu.dma_semaphore, #tpu.memory_space<semaphore_mem>>)
    %dma_wait3A_46 = arith.constant 0 : i32
    %dma_wait3A_47 = tpu.memref_slice %arg4[%add3A_41, %dma_wait3A_46] : memref<2048x1024xf32, #tpu.memory_space<hbm>> -> memref<32x1024xf32, #tpu.memory_space<hbm>>
    %dma_wait3A_48 = arith.constant 0 : i32
    %dma_wait3A_49 = tpu.memref_slice %arg4[%add3A_41, %dma_wait3A_48] : memref<2048x1024xf32, #tpu.memory_space<hbm>> -> memref<32x1024xf32, #tpu.memory_space<hbm>>
    tpu.wait_dma2 semaphore(%arg9 : memref<!tpu.dma_semaphore, #tpu.memory_space<semaphore_mem>>) src(%arg7 : memref<32x1024xf32, #tpu.memory_space<vmem>>) dst(%dma_wait3A_49 : memref<32x1024xf32, #tpu.memory_space<hbm>>)
    return
  }
}

module attributes {stable_mosaic.version = 14 : i64} {
  func.func @_route_body(%arg0: i32, %arg1: memref<256x1024xf32, #tpu.memory_space<vmem>>, %arg2: memref<1024x128xf32, #tpu.memory_space<vmem>>, %arg3: memref<2816x128xi32, #tpu.memory_space<vmem>>, %arg4: memref<2816x128xf32, #tpu.memory_space<vmem>>, %arg5: memref<2048x128xi32, #tpu.memory_space<vmem>>, %arg6: memref<2048x128xi32, #tpu.memory_space<vmem>>, %arg7: memref<8x128xf32, #tpu.memory_space<vmem>>, %arg8: memref<2048x128xi32, #tpu.memory_space<vmem>>, %arg9: memref<2048x128xf32, #tpu.memory_space<vmem>>, %arg10: memref<1x128xf32, #tpu.memory_space<vmem>>) attributes {dimension_semantics = [#tpu.dimension_semantics<arbitrary>], iteration_bounds = array<i64: 8>, scalar_prefetch = 0 : i64, scratch_operands = 3 : i64, tpu.core_type = #tpu.core_type<tc>, window_params = [{transform_indices = @transform_0, window_bounds = array<i64: 256, 1024>}, {pipeline_mode = #tpu.pipeline_mode<synchronous>, transform_indices = @transform_1, window_bounds = array<i64: 1024, 128>}, {pipeline_mode = #tpu.pipeline_mode<synchronous>, transform_indices = @transform_2, window_bounds = array<i64: 2816, 128>}, {pipeline_mode = #tpu.pipeline_mode<synchronous>, transform_indices = @transform_3, window_bounds = array<i64: 2816, 128>}, {pipeline_mode = #tpu.pipeline_mode<synchronous>, transform_indices = @transform_4, window_bounds = array<i64: 2048, 128>}, {pipeline_mode = #tpu.pipeline_mode<synchronous>, transform_indices = @transform_5, window_bounds = array<i64: 2048, 128>}, {pipeline_mode = #tpu.pipeline_mode<synchronous>, transform_indices = @transform_6, window_bounds = array<i64: 8, 128>}]} {
    %iota3A = tpu.iota {dimensions = array<i32: 1>} : vector<256x128xi32>
    %get3A = arith.constant 0 : index
    %get3A_0 = arith.constant 0 : index
    %get3A_1 = vector.load %arg1[%get3A, %get3A_0] : memref<256x1024xf32, #tpu.memory_space<vmem>>, vector<256x1024xf32>
    %get3A_2 = arith.constant 0 : index
    %get3A_3 = arith.constant 0 : index
    %get3A_4 = vector.load %arg2[%get3A_2, %get3A_3] : memref<1024x128xf32, #tpu.memory_space<vmem>>, vector<1024x128xf32>
    %dot_general3A = arith.constant dense<0.000000e+00> : vector<256x128xf32>
    %dot_general3A_5 = tpu.matmul %get3A_1, %get3A_4, %dot_general3A {dimension_numbers = #tpu.dot_dimension_numbers<[1], [0], [0], [1], [0, 0, 1, 1], [], []>, transpose_lhs_hint = false} : vector<256x1024xf32>, vector<1024x128xf32>, vector<256x128xf32> -> vector<256x128xf32>
    %lt3A = arith.constant 8 : i32
    %lt3A_6 = vector.broadcast %lt3A : i32 to vector<256x128xi32>
    %lt3A_7 = arith.cmpi slt, %iota3A, %lt3A_6 : vector<256x128xi32>
    %jit3A = arith.constant -1.000000e+30 : f32
    %broadcast_in_dim3A = vector.broadcast %jit3A : f32 to vector<256x128xf32>
    %select_n3A = arith.select %lt3A_7, %dot_general3A_5, %broadcast_in_dim3A : vector<256x128xi1>, vector<256x128xf32>
    %reduce_max3A = arith.constant dense<0xFF800000> : vector<256xf32>
    %reduce_max3A_8 = vector.multi_reduction <maximumf>, %select_n3A, %reduce_max3A [1] : vector<256x128xf32> to vector<256xf32>
    %broadcast_in_dim3A_9 = vector.shape_cast %reduce_max3A_8 : vector<256xf32> to vector<256x1xf32>
    %sub3A = vector.broadcast %broadcast_in_dim3A_9 : vector<256x1xf32> to vector<256x128xf32>
    %sub3A_10 = arith.subf %select_n3A, %sub3A : vector<256x128xf32>
    %exp3A = math.exp %sub3A_10 : vector<256x128xf32>
    %lt3A_11 = arith.constant 8 : i32
    %lt3A_12 = vector.broadcast %lt3A_11 : i32 to vector<256x128xi32>
    %lt3A_13 = arith.cmpi slt, %iota3A, %lt3A_12 : vector<256x128xi32>
    %jit3A_14 = arith.constant 0.000000e+00 : f32
    %broadcast_in_dim3A_15 = vector.broadcast %jit3A_14 : f32 to vector<256x128xf32>
    %select_n3A_16 = arith.select %lt3A_13, %exp3A, %broadcast_in_dim3A_15 : vector<256x128xi1>, vector<256x128xf32>
    %reduce_sum3A = arith.constant dense<0.000000e+00> : vector<256xf32>
    %reduce_sum3A_17 = vector.multi_reduction <add>, %select_n3A_16, %reduce_sum3A [1] : vector<256x128xf32> to vector<256xf32>
    %broadcast_in_dim3A_18 = vector.shape_cast %reduce_sum3A_17 : vector<256xf32> to vector<256x1xf32>
    %div3A = vector.broadcast %broadcast_in_dim3A_18 : vector<256x1xf32> to vector<256x128xf32>
    %div3A_19 = arith.divf %select_n3A_16, %div3A : vector<256x128xf32>
    %reduce_max3A_20 = arith.constant dense<0xFF800000> : vector<256xf32>
    %reduce_max3A_21 = vector.multi_reduction <maximumf>, %div3A_19, %reduce_max3A_20 [1] : vector<256x128xf32> to vector<256xf32>
    %broadcast_in_dim3A_22 = vector.shape_cast %reduce_max3A_21 : vector<256xf32> to vector<256x1xf32>
    %eq3A = vector.broadcast %broadcast_in_dim3A_22 : vector<256x1xf32> to vector<256x128xf32>
    %eq3A_23 = arith.cmpf oeq, %div3A_19, %eq3A : vector<256x128xf32>
    %jit3A_24 = arith.constant 128 : i32
    %broadcast_in_dim3A_25 = vector.broadcast %jit3A_24 : i32 to vector<256x128xi32>
    %select_n3A_26 = arith.select %eq3A_23, %iota3A, %broadcast_in_dim3A_25 : vector<256x128xi1>, vector<256x128xi32>
    %reduce_min3A = arith.constant dense<2147483647> : vector<256xi32>
    %reduce_min3A_27 = vector.multi_reduction <minsi>, %select_n3A_26, %reduce_min3A [1] : vector<256x128xi32> to vector<256xi32>
    %broadcast_in_dim3A_28 = vector.shape_cast %reduce_min3A_27 : vector<256xi32> to vector<256x1xi32>
    %eq3A_29 = vector.broadcast %broadcast_in_dim3A_28 : vector<256x1xi32> to vector<256x128xi32>
    %eq3A_30 = arith.cmpi eq, %iota3A, %eq3A_29 : vector<256x128xi32>
    %jit3A_31 = arith.constant -1.000000e+00 : f32
    %broadcast_in_dim3A_32 = vector.broadcast %jit3A_31 : f32 to vector<256x128xf32>
    %select_n3A_33 = arith.select %eq3A_30, %broadcast_in_dim3A_32, %div3A_19 : vector<256x128xi1>, vector<256x128xf32>
    %reduce_max3A_34 = arith.constant dense<0xFF800000> : vector<256xf32>
    %reduce_max3A_35 = vector.multi_reduction <maximumf>, %select_n3A_33, %reduce_max3A_34 [1] : vector<256x128xf32> to vector<256xf32>
    %broadcast_in_dim3A_36 = vector.shape_cast %reduce_max3A_35 : vector<256xf32> to vector<256x1xf32>
    %eq3A_37 = vector.broadcast %broadcast_in_dim3A_36 : vector<256x1xf32> to vector<256x128xf32>
    %eq3A_38 = arith.cmpf oeq, %select_n3A_33, %eq3A_37 : vector<256x128xf32>
    %jit3A_39 = arith.constant 128 : i32
    %broadcast_in_dim3A_40 = vector.broadcast %jit3A_39 : i32 to vector<256x128xi32>
    %select_n3A_41 = arith.select %eq3A_38, %iota3A, %broadcast_in_dim3A_40 : vector<256x128xi1>, vector<256x128xi32>
    %reduce_min3A_42 = arith.constant dense<2147483647> : vector<256xi32>
    %reduce_min3A_43 = vector.multi_reduction <minsi>, %select_n3A_41, %reduce_min3A_42 [1] : vector<256x128xi32> to vector<256xi32>
    %broadcast_in_dim3A_44 = vector.shape_cast %reduce_min3A_43 : vector<256xi32> to vector<256x1xi32>
    %add3A = arith.addf %broadcast_in_dim3A_22, %broadcast_in_dim3A_36 : vector<256x1xf32>
    %eq3A_45 = arith.constant 0 : i32
    %eq3A_46 = vector.broadcast %eq3A_45 : i32 to vector<256x128xi32>
    %eq3A_47 = arith.cmpi eq, %iota3A, %eq3A_46 : vector<256x128xi32>
    %broadcast_in_dim3A_48 = vector.shape_cast %broadcast_in_dim3A_28 : vector<256x1xi32> to vector<256x1xi32>
    %broadcast_in_dim3A_49 = vector.broadcast %broadcast_in_dim3A_48 : vector<256x1xi32> to vector<256x128xi32>
    %broadcast_in_dim3A_50 = vector.shape_cast %broadcast_in_dim3A_44 : vector<256x1xi32> to vector<256x1xi32>
    %broadcast_in_dim3A_51 = vector.broadcast %broadcast_in_dim3A_50 : vector<256x1xi32> to vector<256x128xi32>
    %select_n3A_52 = arith.select %eq3A_47, %broadcast_in_dim3A_49, %broadcast_in_dim3A_51 : vector<256x128xi1>, vector<256x128xi32>
    %mul3A = arith.constant 256 : i32
    %mul3A_53 = arith.muli %arg0, %mul3A : i32
    %swap3A = arith.index_cast %mul3A_53 : i32 to index
    %swap3A_54 = arith.constant 0 : index
    %swap3A_55 = vector.load %arg8[%swap3A, %swap3A_54] : memref<2048x128xi32, #tpu.memory_space<vmem>>, vector<256x128xi32>
    tpu.vector_store %arg8[%swap3A, %swap3A_54], %select_n3A_52 {strides = array<i32>} : memref<2048x128xi32, #tpu.memory_space<vmem>>, vector<256x128xi32>,
    %eq3A_56 = arith.constant 0 : i32
    %eq3A_57 = vector.broadcast %eq3A_56 : i32 to vector<256x128xi32>
    %eq3A_58 = arith.cmpi eq, %iota3A, %eq3A_57 : vector<256x128xi32>
    %div3A_59 = arith.divf %broadcast_in_dim3A_22, %add3A : vector<256x1xf32>
    %div3A_60 = arith.divf %broadcast_in_dim3A_36, %add3A : vector<256x1xf32>
    %broadcast_in_dim3A_61 = vector.shape_cast %div3A_59 : vector<256x1xf32> to vector<256x1xf32>
    %broadcast_in_dim3A_62 = vector.broadcast %broadcast_in_dim3A_61 : vector<256x1xf32> to vector<256x128xf32>
    %broadcast_in_dim3A_63 = vector.shape_cast %div3A_60 : vector<256x1xf32> to vector<256x1xf32>
    %broadcast_in_dim3A_64 = vector.broadcast %broadcast_in_dim3A_63 : vector<256x1xf32> to vector<256x128xf32>
    %select_n3A_65 = arith.select %eq3A_58, %broadcast_in_dim3A_62, %broadcast_in_dim3A_64 : vector<256x128xi1>, vector<256x128xf32>
    %mul3A_66 = arith.constant 256 : i32
    %mul3A_67 = arith.muli %arg0, %mul3A_66 : i32
    %swap3A_68 = arith.index_cast %mul3A_67 : i32 to index
    %swap3A_69 = arith.constant 0 : index
    %swap3A_70 = vector.load %arg9[%swap3A_68, %swap3A_69] : memref<2048x128xf32, #tpu.memory_space<vmem>>, vector<256x128xf32>
    tpu.vector_store %arg9[%swap3A_68, %swap3A_69], %select_n3A_65 {strides = array<i32>} : memref<2048x128xf32, #tpu.memory_space<vmem>>, vector<256x128xf32>,
    %reduce_sum3A_71 = arith.constant dense<0.000000e+00> : vector<128xf32>
    %reduce_sum3A_72 = vector.multi_reduction <add>, %div3A_19, %reduce_sum3A_71 [0] : vector<256x128xf32> to vector<128xf32>
    %broadcast_in_dim3A_73 = vector.shape_cast %reduce_sum3A_72 : vector<128xf32> to vector<1x128xf32>
    %eq3A_74 = arith.constant 0 : i32
    %eq3A_75 = arith.cmpi eq, %arg0, %eq3A_74 : i32
    %convert_element_type3A = arith.extui %eq3A_75 : i1 to i32
    %cond3A = arith.constant 0 : i32
    %cond3A_76 = arith.cmpi ne, %convert_element_type3A, %cond3A : i32
    scf.if %cond3A_76 {
      %swap3A_86 = arith.constant 0 : index
      %swap3A_87 = arith.constant 0 : index
      %swap3A_88 = vector.load %arg10[%swap3A_86, %swap3A_87] : memref<1x128xf32, #tpu.memory_space<vmem>>, vector<1x128xf32>
      tpu.vector_store %arg10[%swap3A_86, %swap3A_87], %broadcast_in_dim3A_73 {strides = array<i32>} : memref<1x128xf32, #tpu.memory_space<vmem>>, vector<1x128xf32>,
    } else {
    }
    %gt3A = arith.constant 0 : i32
    %gt3A_77 = arith.cmpi sgt, %arg0, %gt3A : i32
    %convert_element_type3A_78 = arith.extui %gt3A_77 : i1 to i32
    %cond3A_79 = arith.constant 0 : i32
    %cond3A_80 = arith.cmpi ne, %convert_element_type3A_78, %cond3A_79 : i32
    scf.if %cond3A_80 {
      %get3A_86 = arith.constant 0 : index
      %get3A_87 = arith.constant 0 : index
      %get3A_88 = vector.load %arg10[%get3A_86, %get3A_87] : memref<1x128xf32, #tpu.memory_space<vmem>>, vector<1x128xf32>
      %add3A_89 = arith.addf %get3A_88, %broadcast_in_dim3A_73 : vector<1x128xf32>
      %swap3A_90 = arith.constant 0 : index
      %swap3A_91 = arith.constant 0 : index
      %swap3A_92 = vector.load %arg10[%swap3A_90, %swap3A_91] : memref<1x128xf32, #tpu.memory_space<vmem>>, vector<1x128xf32>
      tpu.vector_store %arg10[%swap3A_90, %swap3A_91], %add3A_89 {strides = array<i32>} : memref<1x128xf32, #tpu.memory_space<vmem>>, vector<1x128xf32>,
    } else {
    }
    %eq3A_81 = arith.constant 7 : i32
    %eq3A_82 = arith.cmpi eq, %arg0, %eq3A_81 : i32
    %convert_element_type3A_83 = arith.extui %eq3A_82 : i1 to i32
    %cond3A_84 = arith.constant 0 : i32
    %cond3A_85 = arith.cmpi ne, %convert_element_type3A_83, %cond3A_84 : i32
    scf.if %cond3A_85 {
      %iota3A_86 = tpu.iota {dimensions = array<i32: 1>} : vector<2048x128xi32>
      %get3A_87 = arith.constant 0 : index
      %get3A_88 = arith.constant 0 : index
      %get3A_89 = vector.load %arg8[%get3A_87, %get3A_88] : memref<2048x128xi32, #tpu.memory_space<vmem>>, vector<2048x128xi32>
      %slice3A = vector.extract_strided_slice %get3A_89 {offsets = [0, 0], sizes = [2048, 1], strides = [1, 1]} : vector<2048x128xi32> to vector<2048x1xi32>
      %slice3A_90 = vector.extract_strided_slice %get3A_89 {offsets = [0, 1], sizes = [2048, 1], strides = [1, 1]} : vector<2048x128xi32> to vector<2048x1xi32>
      %eq3A_91 = vector.broadcast %slice3A : vector<2048x1xi32> to vector<2048x128xi32>
      %eq3A_92 = arith.cmpi eq, %iota3A_86, %eq3A_91 : vector<2048x128xi32>
      %convert_element_type3A_93 = arith.extui %eq3A_92 : vector<2048x128xi1> to vector<2048x128xi32>
      %convert_element_type3A_94 = arith.sitofp %convert_element_type3A_93 : vector<2048x128xi32> to vector<2048x128xf32>
      %eq3A_95 = vector.broadcast %slice3A_90 : vector<2048x1xi32> to vector<2048x128xi32>
      %eq3A_96 = arith.cmpi eq, %iota3A_86, %eq3A_95 : vector<2048x128xi32>
      %convert_element_type3A_97 = arith.extui %eq3A_96 : vector<2048x128xi1> to vector<2048x128xi32>
      %convert_element_type3A_98 = arith.sitofp %convert_element_type3A_97 : vector<2048x128xi32> to vector<2048x128xf32>
      %add3A_99 = arith.addf %convert_element_type3A_94, %convert_element_type3A_98 : vector<2048x128xf32>
      %iota3A_100 = tpu.iota {dimensions = array<i32: 0>} : vector<128x128xi32>
      %iota3A_101 = tpu.iota {dimensions = array<i32: 1>} : vector<128x128xi32>
      %gt3A_102 = arith.cmpi sgt, %iota3A_100, %iota3A_101 : vector<128x128xi32>
      %convert_element_type3A_103 = arith.extui %gt3A_102 : vector<128x128xi1> to vector<128x128xi32>
      %convert_element_type3A_104 = arith.sitofp %convert_element_type3A_103 : vector<128x128xi32> to vector<128x128xf32>
      %broadcast_in_dim3A_105 = arith.constant 0.000000e+00 : f32
      %broadcast_in_dim3A_106 = vector.broadcast %broadcast_in_dim3A_105 : f32 to vector<1x128xf32>
      %slice3A_107 = vector.extract_strided_slice %add3A_99 {offsets = [0, 0], sizes = [128, 128], strides = [1, 1]} : vector<2048x128xf32> to vector<128x128xf32>
      %dot_general3A_108 = arith.constant dense<0.000000e+00> : vector<128x128xf32>
      %dot_general3A_109 = tpu.matmul %convert_element_type3A_104, %slice3A_107, %dot_general3A_108 {dimension_numbers = #tpu.dot_dimension_numbers<[1], [0], [0], [1], [0, 0, 1, 1], [], []>, transpose_lhs_hint = false} : vector<128x128xf32>, vector<128x128xf32>, vector<128x128xf32> -> vector<128x128xf32>
      %add3A_110 = vector.broadcast %broadcast_in_dim3A_106 : vector<1x128xf32> to vector<128x128xf32>
      %add3A_111 = arith.addf %dot_general3A_109, %add3A_110 : vector<128x128xf32>
      %reduce_sum3A_112 = arith.constant dense<0.000000e+00> : vector<128xf32>
      %reduce_sum3A_113 = vector.multi_reduction <add>, %slice3A_107, %reduce_sum3A_112 [0] : vector<128x128xf32> to vector<128xf32>
      %broadcast_in_dim3A_114 = vector.shape_cast %reduce_sum3A_113 : vector<128xf32> to vector<1x128xf32>
      %add3A_115 = arith.addf %broadcast_in_dim3A_106, %broadcast_in_dim3A_114 : vector<1x128xf32>
      %slice3A_116 = vector.extract_strided_slice %add3A_99 {offsets = [128, 0], sizes = [128, 128], strides = [1, 1]} : vector<2048x128xf32> to vector<128x128xf32>
      %dot_general3A_117 = arith.constant dense<0.000000e+00> : vector<128x128xf32>
      %dot_general3A_118 = tpu.matmul %convert_element_type3A_104, %slice3A_116, %dot_general3A_117 {dimension_numbers = #tpu.dot_dimension_numbers<[1], [0], [0], [1], [0, 0, 1, 1], [], []>, transpose_lhs_hint = false} : vector<128x128xf32>, vector<128x128xf32>, vector<128x128xf32> -> vector<128x128xf32>
      %add3A_119 = vector.broadcast %add3A_115 : vector<1x128xf32> to vector<128x128xf32>
      %add3A_120 = arith.addf %dot_general3A_118, %add3A_119 : vector<128x128xf32>
      %reduce_sum3A_121 = arith.constant dense<0.000000e+00> : vector<128xf32>
      %reduce_sum3A_122 = vector.multi_reduction <add>, %slice3A_116, %reduce_sum3A_121 [0] : vector<128x128xf32> to vector<128xf32>
      %broadcast_in_dim3A_123 = vector.shape_cast %reduce_sum3A_122 : vector<128xf32> to vector<1x128xf32>
      %add3A_124 = arith.addf %add3A_115, %broadcast_in_dim3A_123 : vector<1x128xf32>
      %slice3A_125 = vector.extract_strided_slice %add3A_99 {offsets = [256, 0], sizes = [128, 128], strides = [1, 1]} : vector<2048x128xf32> to vector<128x128xf32>
      %dot_general3A_126 = arith.constant dense<0.000000e+00> : vector<128x128xf32>
      %dot_general3A_127 = tpu.matmul %convert_element_type3A_104, %slice3A_125, %dot_general3A_126 {dimension_numbers = #tpu.dot_dimension_numbers<[1], [0], [0], [1], [0, 0, 1, 1], [], []>, transpose_lhs_hint = false} : vector<128x128xf32>, vector<128x128xf32>, vector<128x128xf32> -> vector<128x128xf32>
      %add3A_128 = vector.broadcast %add3A_124 : vector<1x128xf32> to vector<128x128xf32>
      %add3A_129 = arith.addf %dot_general3A_127, %add3A_128 : vector<128x128xf32>
      %reduce_sum3A_130 = arith.constant dense<0.000000e+00> : vector<128xf32>
      %reduce_sum3A_131 = vector.multi_reduction <add>, %slice3A_125, %reduce_sum3A_130 [0] : vector<128x128xf32> to vector<128xf32>
      %broadcast_in_dim3A_132 = vector.shape_cast %reduce_sum3A_131 : vector<128xf32> to vector<1x128xf32>
      %add3A_133 = arith.addf %add3A_124, %broadcast_in_dim3A_132 : vector<1x128xf32>
      %slice3A_134 = vector.extract_strided_slice %add3A_99 {offsets = [384, 0], sizes = [128, 128], strides = [1, 1]} : vector<2048x128xf32> to vector<128x128xf32>
      %dot_general3A_135 = arith.constant dense<0.000000e+00> : vector<128x128xf32>
      %dot_general3A_136 = tpu.matmul %convert_element_type3A_104, %slice3A_134, %dot_general3A_135 {dimension_numbers = #tpu.dot_dimension_numbers<[1], [0], [0], [1], [0, 0, 1, 1], [], []>, transpose_lhs_hint = false} : vector<128x128xf32>, vector<128x128xf32>, vector<128x128xf32> -> vector<128x128xf32>
      %add3A_137 = vector.broadcast %add3A_133 : vector<1x128xf32> to vector<128x128xf32>
      %add3A_138 = arith.addf %dot_general3A_136, %add3A_137 : vector<128x128xf32>
      %reduce_sum3A_139 = arith.constant dense<0.000000e+00> : vector<128xf32>
      %reduce_sum3A_140 = vector.multi_reduction <add>, %slice3A_134, %reduce_sum3A_139 [0] : vector<128x128xf32> to vector<128xf32>
      %broadcast_in_dim3A_141 = vector.shape_cast %reduce_sum3A_140 : vector<128xf32> to vector<1x128xf32>
      %add3A_142 = arith.addf %add3A_133, %broadcast_in_dim3A_141 : vector<1x128xf32>
      %slice3A_143 = vector.extract_strided_slice %add3A_99 {offsets = [512, 0], sizes = [128, 128], strides = [1, 1]} : vector<2048x128xf32> to vector<128x128xf32>
      %dot_general3A_144 = arith.constant dense<0.000000e+00> : vector<128x128xf32>
      %dot_general3A_145 = tpu.matmul %convert_element_type3A_104, %slice3A_143, %dot_general3A_144 {dimension_numbers = #tpu.dot_dimension_numbers<[1], [0], [0], [1], [0, 0, 1, 1], [], []>, transpose_lhs_hint = false} : vector<128x128xf32>, vector<128x128xf32>, vector<128x128xf32> -> vector<128x128xf32>
      %add3A_146 = vector.broadcast %add3A_142 : vector<1x128xf32> to vector<128x128xf32>
      %add3A_147 = arith.addf %dot_general3A_145, %add3A_146 : vector<128x128xf32>
      %reduce_sum3A_148 = arith.constant dense<0.000000e+00> : vector<128xf32>
      %reduce_sum3A_149 = vector.multi_reduction <add>, %slice3A_143, %reduce_sum3A_148 [0] : vector<128x128xf32> to vector<128xf32>
      %broadcast_in_dim3A_150 = vector.shape_cast %reduce_sum3A_149 : vector<128xf32> to vector<1x128xf32>
      %add3A_151 = arith.addf %add3A_142, %broadcast_in_dim3A_150 : vector<1x128xf32>
      %slice3A_152 = vector.extract_strided_slice %add3A_99 {offsets = [640, 0], sizes = [128, 128], strides = [1, 1]} : vector<2048x128xf32> to vector<128x128xf32>
      %dot_general3A_153 = arith.constant dense<0.000000e+00> : vector<128x128xf32>
      %dot_general3A_154 = tpu.matmul %convert_element_type3A_104, %slice3A_152, %dot_general3A_153 {dimension_numbers = #tpu.dot_dimension_numbers<[1], [0], [0], [1], [0, 0, 1, 1], [], []>, transpose_lhs_hint = false} : vector<128x128xf32>, vector<128x128xf32>, vector<128x128xf32> -> vector<128x128xf32>
      %add3A_155 = vector.broadcast %add3A_151 : vector<1x128xf32> to vector<128x128xf32>
      %add3A_156 = arith.addf %dot_general3A_154, %add3A_155 : vector<128x128xf32>
      %reduce_sum3A_157 = arith.constant dense<0.000000e+00> : vector<128xf32>
      %reduce_sum3A_158 = vector.multi_reduction <add>, %slice3A_152, %reduce_sum3A_157 [0] : vector<128x128xf32> to vector<128xf32>
      %broadcast_in_dim3A_159 = vector.shape_cast %reduce_sum3A_158 : vector<128xf32> to vector<1x128xf32>
      %add3A_160 = arith.addf %add3A_151, %broadcast_in_dim3A_159 : vector<1x128xf32>
      %slice3A_161 = vector.extract_strided_slice %add3A_99 {offsets = [768, 0], sizes = [128, 128], strides = [1, 1]} : vector<2048x128xf32> to vector<128x128xf32>
      %dot_general3A_162 = arith.constant dense<0.000000e+00> : vector<128x128xf32>
      %dot_general3A_163 = tpu.matmul %convert_element_type3A_104, %slice3A_161, %dot_general3A_162 {dimension_numbers = #tpu.dot_dimension_numbers<[1], [0], [0], [1], [0, 0, 1, 1], [], []>, transpose_lhs_hint = false} : vector<128x128xf32>, vector<128x128xf32>, vector<128x128xf32> -> vector<128x128xf32>
      %add3A_164 = vector.broadcast %add3A_160 : vector<1x128xf32> to vector<128x128xf32>
      %add3A_165 = arith.addf %dot_general3A_163, %add3A_164 : vector<128x128xf32>
      %reduce_sum3A_166 = arith.constant dense<0.000000e+00> : vector<128xf32>
      %reduce_sum3A_167 = vector.multi_reduction <add>, %slice3A_161, %reduce_sum3A_166 [0] : vector<128x128xf32> to vector<128xf32>
      %broadcast_in_dim3A_168 = vector.shape_cast %reduce_sum3A_167 : vector<128xf32> to vector<1x128xf32>
      %add3A_169 = arith.addf %add3A_160, %broadcast_in_dim3A_168 : vector<1x128xf32>
      %slice3A_170 = vector.extract_strided_slice %add3A_99 {offsets = [896, 0], sizes = [128, 128], strides = [1, 1]} : vector<2048x128xf32> to vector<128x128xf32>
      %dot_general3A_171 = arith.constant dense<0.000000e+00> : vector<128x128xf32>
      %dot_general3A_172 = tpu.matmul %convert_element_type3A_104, %slice3A_170, %dot_general3A_171 {dimension_numbers = #tpu.dot_dimension_numbers<[1], [0], [0], [1], [0, 0, 1, 1], [], []>, transpose_lhs_hint = false} : vector<128x128xf32>, vector<128x128xf32>, vector<128x128xf32> -> vector<128x128xf32>
      %add3A_173 = vector.broadcast %add3A_169 : vector<1x128xf32> to vector<128x128xf32>
      %add3A_174 = arith.addf %dot_general3A_172, %add3A_173 : vector<128x128xf32>
      %reduce_sum3A_175 = arith.constant dense<0.000000e+00> : vector<128xf32>
      %reduce_sum3A_176 = vector.multi_reduction <add>, %slice3A_170, %reduce_sum3A_175 [0] : vector<128x128xf32> to vector<128xf32>
      %broadcast_in_dim3A_177 = vector.shape_cast %reduce_sum3A_176 : vector<128xf32> to vector<1x128xf32>
      %add3A_178 = arith.addf %add3A_169, %broadcast_in_dim3A_177 : vector<1x128xf32>
      %slice3A_179 = vector.extract_strided_slice %add3A_99 {offsets = [1024, 0], sizes = [128, 128], strides = [1, 1]} : vector<2048x128xf32> to vector<128x128xf32>
      %dot_general3A_180 = arith.constant dense<0.000000e+00> : vector<128x128xf32>
      %dot_general3A_181 = tpu.matmul %convert_element_type3A_104, %slice3A_179, %dot_general3A_180 {dimension_numbers = #tpu.dot_dimension_numbers<[1], [0], [0], [1], [0, 0, 1, 1], [], []>, transpose_lhs_hint = false} : vector<128x128xf32>, vector<128x128xf32>, vector<128x128xf32> -> vector<128x128xf32>
      %add3A_182 = vector.broadcast %add3A_178 : vector<1x128xf32> to vector<128x128xf32>
      %add3A_183 = arith.addf %dot_general3A_181, %add3A_182 : vector<128x128xf32>
      %reduce_sum3A_184 = arith.constant dense<0.000000e+00> : vector<128xf32>
      %reduce_sum3A_185 = vector.multi_reduction <add>, %slice3A_179, %reduce_sum3A_184 [0] : vector<128x128xf32> to vector<128xf32>
      %broadcast_in_dim3A_186 = vector.shape_cast %reduce_sum3A_185 : vector<128xf32> to vector<1x128xf32>
      %add3A_187 = arith.addf %add3A_178, %broadcast_in_dim3A_186 : vector<1x128xf32>
      %slice3A_188 = vector.extract_strided_slice %add3A_99 {offsets = [1152, 0], sizes = [128, 128], strides = [1, 1]} : vector<2048x128xf32> to vector<128x128xf32>
      %dot_general3A_189 = arith.constant dense<0.000000e+00> : vector<128x128xf32>
      %dot_general3A_190 = tpu.matmul %convert_element_type3A_104, %slice3A_188, %dot_general3A_189 {dimension_numbers = #tpu.dot_dimension_numbers<[1], [0], [0], [1], [0, 0, 1, 1], [], []>, transpose_lhs_hint = false} : vector<128x128xf32>, vector<128x128xf32>, vector<128x128xf32> -> vector<128x128xf32>
      %add3A_191 = vector.broadcast %add3A_187 : vector<1x128xf32> to vector<128x128xf32>
      %add3A_192 = arith.addf %dot_general3A_190, %add3A_191 : vector<128x128xf32>
      %reduce_sum3A_193 = arith.constant dense<0.000000e+00> : vector<128xf32>
      %reduce_sum3A_194 = vector.multi_reduction <add>, %slice3A_188, %reduce_sum3A_193 [0] : vector<128x128xf32> to vector<128xf32>
      %broadcast_in_dim3A_195 = vector.shape_cast %reduce_sum3A_194 : vector<128xf32> to vector<1x128xf32>
      %add3A_196 = arith.addf %add3A_187, %broadcast_in_dim3A_195 : vector<1x128xf32>
      %slice3A_197 = vector.extract_strided_slice %add3A_99 {offsets = [1280, 0], sizes = [128, 128], strides = [1, 1]} : vector<2048x128xf32> to vector<128x128xf32>
      %dot_general3A_198 = arith.constant dense<0.000000e+00> : vector<128x128xf32>
      %dot_general3A_199 = tpu.matmul %convert_element_type3A_104, %slice3A_197, %dot_general3A_198 {dimension_numbers = #tpu.dot_dimension_numbers<[1], [0], [0], [1], [0, 0, 1, 1], [], []>, transpose_lhs_hint = false} : vector<128x128xf32>, vector<128x128xf32>, vector<128x128xf32> -> vector<128x128xf32>
      %add3A_200 = vector.broadcast %add3A_196 : vector<1x128xf32> to vector<128x128xf32>
      %add3A_201 = arith.addf %dot_general3A_199, %add3A_200 : vector<128x128xf32>
      %reduce_sum3A_202 = arith.constant dense<0.000000e+00> : vector<128xf32>
      %reduce_sum3A_203 = vector.multi_reduction <add>, %slice3A_197, %reduce_sum3A_202 [0] : vector<128x128xf32> to vector<128xf32>
      %broadcast_in_dim3A_204 = vector.shape_cast %reduce_sum3A_203 : vector<128xf32> to vector<1x128xf32>
      %add3A_205 = arith.addf %add3A_196, %broadcast_in_dim3A_204 : vector<1x128xf32>
      %slice3A_206 = vector.extract_strided_slice %add3A_99 {offsets = [1408, 0], sizes = [128, 128], strides = [1, 1]} : vector<2048x128xf32> to vector<128x128xf32>
      %dot_general3A_207 = arith.constant dense<0.000000e+00> : vector<128x128xf32>
      %dot_general3A_208 = tpu.matmul %convert_element_type3A_104, %slice3A_206, %dot_general3A_207 {dimension_numbers = #tpu.dot_dimension_numbers<[1], [0], [0], [1], [0, 0, 1, 1], [], []>, transpose_lhs_hint = false} : vector<128x128xf32>, vector<128x128xf32>, vector<128x128xf32> -> vector<128x128xf32>
      %add3A_209 = vector.broadcast %add3A_205 : vector<1x128xf32> to vector<128x128xf32>
      %add3A_210 = arith.addf %dot_general3A_208, %add3A_209 : vector<128x128xf32>
      %reduce_sum3A_211 = arith.constant dense<0.000000e+00> : vector<128xf32>
      %reduce_sum3A_212 = vector.multi_reduction <add>, %slice3A_206, %reduce_sum3A_211 [0] : vector<128x128xf32> to vector<128xf32>
      %broadcast_in_dim3A_213 = vector.shape_cast %reduce_sum3A_212 : vector<128xf32> to vector<1x128xf32>
      %add3A_214 = arith.addf %add3A_205, %broadcast_in_dim3A_213 : vector<1x128xf32>
      %slice3A_215 = vector.extract_strided_slice %add3A_99 {offsets = [1536, 0], sizes = [128, 128], strides = [1, 1]} : vector<2048x128xf32> to vector<128x128xf32>
      %dot_general3A_216 = arith.constant dense<0.000000e+00> : vector<128x128xf32>
      %dot_general3A_217 = tpu.matmul %convert_element_type3A_104, %slice3A_215, %dot_general3A_216 {dimension_numbers = #tpu.dot_dimension_numbers<[1], [0], [0], [1], [0, 0, 1, 1], [], []>, transpose_lhs_hint = false} : vector<128x128xf32>, vector<128x128xf32>, vector<128x128xf32> -> vector<128x128xf32>
      %add3A_218 = vector.broadcast %add3A_214 : vector<1x128xf32> to vector<128x128xf32>
      %add3A_219 = arith.addf %dot_general3A_217, %add3A_218 : vector<128x128xf32>
      %reduce_sum3A_220 = arith.constant dense<0.000000e+00> : vector<128xf32>
      %reduce_sum3A_221 = vector.multi_reduction <add>, %slice3A_215, %reduce_sum3A_220 [0] : vector<128x128xf32> to vector<128xf32>
      %broadcast_in_dim3A_222 = vector.shape_cast %reduce_sum3A_221 : vector<128xf32> to vector<1x128xf32>
      %add3A_223 = arith.addf %add3A_214, %broadcast_in_dim3A_222 : vector<1x128xf32>
      %slice3A_224 = vector.extract_strided_slice %add3A_99 {offsets = [1664, 0], sizes = [128, 128], strides = [1, 1]} : vector<2048x128xf32> to vector<128x128xf32>
      %dot_general3A_225 = arith.constant dense<0.000000e+00> : vector<128x128xf32>
      %dot_general3A_226 = tpu.matmul %convert_element_type3A_104, %slice3A_224, %dot_general3A_225 {dimension_numbers = #tpu.dot_dimension_numbers<[1], [0], [0], [1], [0, 0, 1, 1], [], []>, transpose_lhs_hint = false} : vector<128x128xf32>, vector<128x128xf32>, vector<128x128xf32> -> vector<128x128xf32>
      %add3A_227 = vector.broadcast %add3A_223 : vector<1x128xf32> to vector<128x128xf32>
      %add3A_228 = arith.addf %dot_general3A_226, %add3A_227 : vector<128x128xf32>
      %reduce_sum3A_229 = arith.constant dense<0.000000e+00> : vector<128xf32>
      %reduce_sum3A_230 = vector.multi_reduction <add>, %slice3A_224, %reduce_sum3A_229 [0] : vector<128x128xf32> to vector<128xf32>
      %broadcast_in_dim3A_231 = vector.shape_cast %reduce_sum3A_230 : vector<128xf32> to vector<1x128xf32>
      %add3A_232 = arith.addf %add3A_223, %broadcast_in_dim3A_231 : vector<1x128xf32>
      %slice3A_233 = vector.extract_strided_slice %add3A_99 {offsets = [1792, 0], sizes = [128, 128], strides = [1, 1]} : vector<2048x128xf32> to vector<128x128xf32>
      %dot_general3A_234 = arith.constant dense<0.000000e+00> : vector<128x128xf32>
      %dot_general3A_235 = tpu.matmul %convert_element_type3A_104, %slice3A_233, %dot_general3A_234 {dimension_numbers = #tpu.dot_dimension_numbers<[1], [0], [0], [1], [0, 0, 1, 1], [], []>, transpose_lhs_hint = false} : vector<128x128xf32>, vector<128x128xf32>, vector<128x128xf32> -> vector<128x128xf32>
      %add3A_236 = vector.broadcast %add3A_232 : vector<1x128xf32> to vector<128x128xf32>
      %add3A_237 = arith.addf %dot_general3A_235, %add3A_236 : vector<128x128xf32>
      %reduce_sum3A_238 = arith.constant dense<0.000000e+00> : vector<128xf32>
      %reduce_sum3A_239 = vector.multi_reduction <add>, %slice3A_233, %reduce_sum3A_238 [0] : vector<128x128xf32> to vector<128xf32>
      %broadcast_in_dim3A_240 = vector.shape_cast %reduce_sum3A_239 : vector<128xf32> to vector<1x128xf32>
      %add3A_241 = arith.addf %add3A_232, %broadcast_in_dim3A_240 : vector<1x128xf32>
      %slice3A_242 = vector.extract_strided_slice %add3A_99 {offsets = [1920, 0], sizes = [128, 128], strides = [1, 1]} : vector<2048x128xf32> to vector<128x128xf32>
      %dot_general3A_243 = arith.constant dense<0.000000e+00> : vector<128x128xf32>
      %dot_general3A_244 = tpu.matmul %convert_element_type3A_104, %slice3A_242, %dot_general3A_243 {dimension_numbers = #tpu.dot_dimension_numbers<[1], [0], [0], [1], [0, 0, 1, 1], [], []>, transpose_lhs_hint = false} : vector<128x128xf32>, vector<128x128xf32>, vector<128x128xf32> -> vector<128x128xf32>
      %add3A_245 = vector.broadcast %add3A_241 : vector<1x128xf32> to vector<128x128xf32>
      %add3A_246 = arith.addf %dot_general3A_244, %add3A_245 : vector<128x128xf32>
      %reduce_sum3A_247 = arith.constant dense<0.000000e+00> : vector<128xf32>
      %reduce_sum3A_248 = vector.multi_reduction <add>, %slice3A_242, %reduce_sum3A_247 [0] : vector<128x128xf32> to vector<128xf32>
      %broadcast_in_dim3A_249 = vector.shape_cast %reduce_sum3A_248 : vector<128xf32> to vector<1x128xf32>
      %add3A_250 = arith.addf %add3A_241, %broadcast_in_dim3A_249 : vector<1x128xf32>
      %concatenate3A = tpu.concatenate %add3A_111, %add3A_120, %add3A_129, %add3A_138, %add3A_147, %add3A_156, %add3A_165, %add3A_174, %add3A_183, %add3A_192, %add3A_201, %add3A_210, %add3A_219, %add3A_228, %add3A_237, %add3A_246 in 0 : vector<128x128xf32>, vector<128x128xf32>, vector<128x128xf32>, vector<128x128xf32>, vector<128x128xf32>, vector<128x128xf32>, vector<128x128xf32>, vector<128x128xf32>, vector<128x128xf32>, vector<128x128xf32>, vector<128x128xf32>, vector<128x128xf32>, vector<128x128xf32>, vector<128x128xf32>, vector<128x128xf32>, vector<128x128xf32> -> vector<2048x128xf32>
      %mul3A_251 = arith.mulf %concatenate3A, %convert_element_type3A_94 : vector<2048x128xf32>
      %reduce_sum3A_252 = arith.constant dense<0.000000e+00> : vector<2048xf32>
      %reduce_sum3A_253 = vector.multi_reduction <add>, %mul3A_251, %reduce_sum3A_252 [1] : vector<2048x128xf32> to vector<2048xf32>
      %broadcast_in_dim3A_254 = vector.shape_cast %reduce_sum3A_253 : vector<2048xf32> to vector<2048x1xf32>
      %add3A_255 = arith.constant 1.000000e+00 : f32
      %add3A_256 = vector.broadcast %add3A_255 : f32 to vector<2048x1xf32>
      %add3A_257 = arith.addf %broadcast_in_dim3A_254, %add3A_256 : vector<2048x1xf32>
      %add3A_258 = arith.addf %concatenate3A, %convert_element_type3A_94 : vector<2048x128xf32>
      %mul3A_259 = arith.mulf %add3A_258, %convert_element_type3A_98 : vector<2048x128xf32>
      %reduce_sum3A_260 = arith.constant dense<0.000000e+00> : vector<2048xf32>
      %reduce_sum3A_261 = vector.multi_reduction <add>, %mul3A_259, %reduce_sum3A_260 [1] : vector<2048x128xf32> to vector<2048xf32>
      %broadcast_in_dim3A_262 = vector.shape_cast %reduce_sum3A_261 : vector<2048xf32> to vector<2048x1xf32>
      %add3A_263 = arith.constant 1.000000e+00 : f32
      %add3A_264 = vector.broadcast %add3A_263 : f32 to vector<2048x1xf32>
      %add3A_265 = arith.addf %broadcast_in_dim3A_262, %add3A_264 : vector<2048x1xf32>
      %convert_element_type3A_266 = arith.fptosi %add3A_257 : vector<2048x1xf32> to vector<2048x1xi32>
      %convert_element_type3A_267 = arith.fptosi %add3A_265 : vector<2048x1xf32> to vector<2048x1xi32>
      %mul3A_268 = arith.constant 352 : i32
      %mul3A_269 = vector.broadcast %mul3A_268 : i32 to vector<2048x1xi32>
      %mul3A_270 = arith.muli %slice3A, %mul3A_269 : vector<2048x1xi32>
      %add3A_271 = arith.addi %mul3A_270, %convert_element_type3A_266 : vector<2048x1xi32>
      %sub3A_272 = arith.constant 1 : i32
      %sub3A_273 = vector.broadcast %sub3A_272 : i32 to vector<2048x1xi32>
      %sub3A_274 = arith.subi %add3A_271, %sub3A_273 : vector<2048x1xi32>
      %mul3A_275 = arith.constant 352 : i32
      %mul3A_276 = vector.broadcast %mul3A_275 : i32 to vector<2048x1xi32>
      %mul3A_277 = arith.muli %slice3A_90, %mul3A_276 : vector<2048x1xi32>
      %add3A_278 = arith.addi %mul3A_277, %convert_element_type3A_267 : vector<2048x1xi32>
      %sub3A_279 = arith.constant 1 : i32
      %sub3A_280 = vector.broadcast %sub3A_279 : i32 to vector<2048x1xi32>
      %sub3A_281 = arith.subi %add3A_278, %sub3A_280 : vector<2048x1xi32>
      %le3A = arith.constant 320 : i32
      %le3A_282 = vector.broadcast %le3A : i32 to vector<2048x1xi32>
      %le3A_283 = arith.cmpi sle, %convert_element_type3A_266, %le3A_282 : vector<2048x1xi32>
      %le3A_284 = arith.constant 320 : i32
      %le3A_285 = vector.broadcast %le3A_284 : i32 to vector<2048x1xi32>
      %le3A_286 = arith.cmpi sle, %convert_element_type3A_267, %le3A_285 : vector<2048x1xi32>
      %jit3A_287 = arith.constant 320 : i32
      %broadcast_in_dim3A_288 = vector.broadcast %jit3A_287 : i32 to vector<2048x1xi32>
      %select_n3A_289 = arith.select %le3A_283, %sub3A_274, %broadcast_in_dim3A_288 : vector<2048x1xi1>, vector<2048x1xi32>
      %broadcast_in_dim3A_290 = vector.shape_cast %select_n3A_289 : vector<2048x1xi32> to vector<2048x1xi32>
      %broadcast_in_dim3A_291 = vector.broadcast %broadcast_in_dim3A_290 : vector<2048x1xi32> to vector<2048x128xi32>
      %swap3A_292 = arith.constant 0 : index
      %swap3A_293 = arith.constant 0 : index
      %swap3A_294 = vector.load %arg5[%swap3A_292, %swap3A_293] : memref<2048x128xi32, #tpu.memory_space<vmem>>, vector<2048x128xi32>
      tpu.vector_store %arg5[%swap3A_292, %swap3A_293], %broadcast_in_dim3A_291 {strides = array<i32>} : memref<2048x128xi32, #tpu.memory_space<vmem>>, vector<2048x128xi32>,
      %jit3A_295 = arith.constant 320 : i32
      %broadcast_in_dim3A_296 = vector.broadcast %jit3A_295 : i32 to vector<2048x1xi32>
      %select_n3A_297 = arith.select %le3A_286, %sub3A_281, %broadcast_in_dim3A_296 : vector<2048x1xi1>, vector<2048x1xi32>
      %broadcast_in_dim3A_298 = vector.shape_cast %select_n3A_297 : vector<2048x1xi32> to vector<2048x1xi32>
      %broadcast_in_dim3A_299 = vector.broadcast %broadcast_in_dim3A_298 : vector<2048x1xi32> to vector<2048x128xi32>
      %swap3A_300 = arith.constant 0 : index
      %swap3A_301 = arith.constant 0 : index
      %swap3A_302 = vector.load %arg6[%swap3A_300, %swap3A_301] : memref<2048x128xi32, #tpu.memory_space<vmem>>, vector<2048x128xi32>
      tpu.vector_store %arg6[%swap3A_300, %swap3A_301], %broadcast_in_dim3A_299 {strides = array<i32>} : memref<2048x128xi32, #tpu.memory_space<vmem>>, vector<2048x128xi32>,
      %get3A_303 = arith.constant 0 : index
      %get3A_304 = arith.constant 0 : index
      %get3A_305 = vector.load %arg9[%get3A_303, %get3A_304] : memref<2048x128xf32, #tpu.memory_space<vmem>>, vector<2048x128xf32>
      %slice3A_306 = vector.extract_strided_slice %get3A_305 {offsets = [0, 0], sizes = [2048, 1], strides = [1, 1]} : vector<2048x128xf32> to vector<2048x1xf32>
      %convert_element_type3A_307 = arith.truncf %slice3A_306 : vector<2048x1xf32> to vector<2048x1xbf16>
      %convert_element_type3A_308 = arith.extf %convert_element_type3A_307 : vector<2048x1xbf16> to vector<2048x1xf32>
      %sub3A_309 = arith.subf %slice3A_306, %convert_element_type3A_308 : vector<2048x1xf32>
      %slice3A_310 = vector.extract_strided_slice %get3A_305 {offsets = [0, 1], sizes = [2048, 1], strides = [1, 1]} : vector<2048x128xf32> to vector<2048x1xf32>
      %convert_element_type3A_311 = arith.truncf %slice3A_310 : vector<2048x1xf32> to vector<2048x1xbf16>
      %convert_element_type3A_312 = arith.extf %convert_element_type3A_311 : vector<2048x1xbf16> to vector<2048x1xf32>
      %sub3A_313 = arith.subf %slice3A_310, %convert_element_type3A_312 : vector<2048x1xf32>
      %iota3A_314 = tpu.iota {dimensions = array<i32: 0>} : vector<2048x1xi32>
      %jit3A_315 = arith.constant 256 : i32
      %div3A_316 = vector.broadcast %jit3A_315 : i32 to vector<2048x1xi32>
      %div3A_317 = arith.divsi %iota3A_314, %div3A_316 : vector<2048x1xi32>
      %sign3A = arith.constant 0 : i32
      %sign3A_318 = vector.broadcast %sign3A : i32 to vector<2048x1xi32>
      %sign3A_319 = arith.cmpi sgt, %iota3A_314, %sign3A_318 : vector<2048x1xi32>
      %sign3A_320 = arith.extui %sign3A_319 : vector<2048x1xi1> to vector<2048x1xi32>
      %sign3A_321 = arith.constant 0 : i32
      %sign3A_322 = vector.broadcast %sign3A_321 : i32 to vector<2048x1xi32>
      %sign3A_323 = arith.cmpi slt, %iota3A_314, %sign3A_322 : vector<2048x1xi32>
      %sign3A_324 = arith.extui %sign3A_323 : vector<2048x1xi1> to vector<2048x1xi32>
      %sign3A_325 = arith.subi %sign3A_320, %sign3A_324 : vector<2048x1xi32>
      %sign3A_326 = arith.constant 0 : i32
      %sign3A_327 = arith.cmpi sgt, %jit3A_315, %sign3A_326 : i32
      %sign3A_328 = arith.extui %sign3A_327 : i1 to i32
      %sign3A_329 = arith.constant 0 : i32
      %sign3A_330 = arith.cmpi slt, %jit3A_315, %sign3A_329 : i32
      %sign3A_331 = arith.extui %sign3A_330 : i1 to i32
      %sign3A_332 = arith.subi %sign3A_328, %sign3A_331 : i32
      %ne3A = vector.broadcast %sign3A_332 : i32 to vector<2048x1xi32>
      %ne3A_333 = arith.cmpi ne, %sign3A_325, %ne3A : vector<2048x1xi32>
      %rem3A = vector.broadcast %jit3A_315 : i32 to vector<2048x1xi32>
      %rem3A_334 = arith.remsi %iota3A_314, %rem3A : vector<2048x1xi32>
      %ne3A_335 = arith.constant 0 : i32
      %ne3A_336 = vector.broadcast %ne3A_335 : i32 to vector<2048x1xi32>
      %ne3A_337 = arith.cmpi ne, %rem3A_334, %ne3A_336 : vector<2048x1xi32>
      %and3A = arith.andi %ne3A_333, %ne3A_337 : vector<2048x1xi1>
      %sub3A_338 = arith.constant 1 : i32
      %sub3A_339 = vector.broadcast %sub3A_338 : i32 to vector<2048x1xi32>
      %sub3A_340 = arith.subi %div3A_317, %sub3A_339 : vector<2048x1xi32>
      %select_n3A_341 = arith.select %and3A, %sub3A_340, %div3A_317 : vector<2048x1xi1>, vector<2048x1xi32>
      %convert_element_type3A_342 = arith.sitofp %select_n3A_341 : vector<2048x1xi32> to vector<2048x1xf32>
      %jit3A_343 = arith.constant 256 : i32
      %eq3A_344 = arith.constant 0 : i32
      %eq3A_345 = arith.cmpi eq, %jit3A_343, %eq3A_344 : i32
      %jit3A_346 = arith.constant 1 : i32
      %select_n3A_347 = arith.select %eq3A_345, %jit3A_346, %jit3A_343 : i32
      %rem3A_348 = vector.broadcast %select_n3A_347 : i32 to vector<2048x1xi32>
      %rem3A_349 = arith.remsi %iota3A_314, %rem3A_348 : vector<2048x1xi32>
      %ne3A_350 = arith.constant 0 : i32
      %ne3A_351 = vector.broadcast %ne3A_350 : i32 to vector<2048x1xi32>
      %ne3A_352 = arith.cmpi ne, %rem3A_349, %ne3A_351 : vector<2048x1xi32>
      %lt3A_353 = arith.constant 0 : i32
      %lt3A_354 = vector.broadcast %lt3A_353 : i32 to vector<2048x1xi32>
      %lt3A_355 = arith.cmpi slt, %rem3A_349, %lt3A_354 : vector<2048x1xi32>
      %lt3A_356 = arith.constant 0 : i32
      %lt3A_357 = arith.cmpi slt, %select_n3A_347, %lt3A_356 : i32
      %ne3A_358 = vector.broadcast %lt3A_357 : i1 to vector<2048x1xi1>
      %ne3A_359 = vector.broadcast %ne3A_358 : vector<2048x1xi1> to vector<2048x1xi1>
      %ne3A_360 = arith.xori %lt3A_355, %ne3A_359 : vector<2048x1xi1>
      %and3A_361 = arith.andi %ne3A_360, %ne3A_352 : vector<2048x1xi1>
      %add3A_362 = vector.broadcast %select_n3A_347 : i32 to vector<2048x1xi32>
      %add3A_363 = arith.addi %rem3A_349, %add3A_362 : vector<2048x1xi32>
      %select_n3A_364 = arith.select %and3A_361, %add3A_363, %rem3A_349 : vector<2048x1xi1>, vector<2048x1xi32>
      %convert_element_type3A_365 = arith.sitofp %select_n3A_364 : vector<2048x1xi32> to vector<2048x1xf32>
      %jit3A_366 = arith.constant -1 : i32
      %broadcast_in_dim3A_367 = vector.broadcast %jit3A_366 : i32 to vector<2048x1xi32>
      %select_n3A_368 = arith.select %le3A_283, %sub3A_274, %broadcast_in_dim3A_367 : vector<2048x1xi1>, vector<2048x1xi32>
      %jit3A_369 = arith.constant -1 : i32
      %broadcast_in_dim3A_370 = vector.broadcast %jit3A_369 : i32 to vector<2048x1xi32>
      %select_n3A_371 = arith.select %le3A_286, %sub3A_281, %broadcast_in_dim3A_370 : vector<2048x1xi1>, vector<2048x1xi32>
      %eq3A_372 = arith.constant 0 : i32
      %eq3A_373 = vector.broadcast %eq3A_372 : i32 to vector<2048x128xi32>
      %eq3A_374 = arith.cmpi eq, %iota3A_86, %eq3A_373 : vector<2048x128xi32>
      %eq3A_375 = arith.constant 1 : i32
      %eq3A_376 = vector.broadcast %eq3A_375 : i32 to vector<2048x128xi32>
      %eq3A_377 = arith.cmpi eq, %iota3A_86, %eq3A_376 : vector<2048x128xi32>
      %eq3A_378 = arith.constant 2 : i32
      %eq3A_379 = vector.broadcast %eq3A_378 : i32 to vector<2048x128xi32>
      %eq3A_380 = arith.cmpi eq, %iota3A_86, %eq3A_379 : vector<2048x128xi32>
      %eq3A_381 = arith.constant 3 : i32
      %eq3A_382 = vector.broadcast %eq3A_381 : i32 to vector<2048x128xi32>
      %eq3A_383 = arith.cmpi eq, %iota3A_86, %eq3A_382 : vector<2048x128xi32>
      %eq3A_384 = arith.constant 4 : i32
      %eq3A_385 = vector.broadcast %eq3A_384 : i32 to vector<2048x128xi32>
      %eq3A_386 = arith.cmpi eq, %iota3A_86, %eq3A_385 : vector<2048x128xi32>
      %jit3A_387 = arith.constant 0.000000e+00 : f32
      %broadcast_in_dim3A_388 = vector.shape_cast %sub3A_309 : vector<2048x1xf32> to vector<2048x1xf32>
      %broadcast_in_dim3A_389 = vector.broadcast %broadcast_in_dim3A_388 : vector<2048x1xf32> to vector<2048x128xf32>
      %broadcast_in_dim3A_390 = vector.broadcast %jit3A_387 : f32 to vector<2048x128xf32>
      %select_n3A_391 = arith.select %eq3A_386, %broadcast_in_dim3A_389, %broadcast_in_dim3A_390 : vector<2048x128xi1>, vector<2048x128xf32>
      %broadcast_in_dim3A_392 = vector.shape_cast %convert_element_type3A_308 : vector<2048x1xf32> to vector<2048x1xf32>
      %broadcast_in_dim3A_393 = vector.broadcast %broadcast_in_dim3A_392 : vector<2048x1xf32> to vector<2048x128xf32>
      %select_n3A_394 = arith.select %eq3A_383, %broadcast_in_dim3A_393, %select_n3A_391 : vector<2048x128xi1>, vector<2048x128xf32>
      %jit3A_395 = arith.constant 1.000000e+00 : f32
      %broadcast_in_dim3A_396 = vector.broadcast %jit3A_395 : f32 to vector<2048x128xf32>
      %select_n3A_397 = arith.select %eq3A_380, %broadcast_in_dim3A_396, %select_n3A_394 : vector<2048x128xi1>, vector<2048x128xf32>
      %broadcast_in_dim3A_398 = vector.shape_cast %convert_element_type3A_365 : vector<2048x1xf32> to vector<2048x1xf32>
      %broadcast_in_dim3A_399 = vector.broadcast %broadcast_in_dim3A_398 : vector<2048x1xf32> to vector<2048x128xf32>
      %select_n3A_400 = arith.select %eq3A_377, %broadcast_in_dim3A_399, %select_n3A_397 : vector<2048x128xi1>, vector<2048x128xf32>
      %broadcast_in_dim3A_401 = vector.shape_cast %convert_element_type3A_342 : vector<2048x1xf32> to vector<2048x1xf32>
      %broadcast_in_dim3A_402 = vector.broadcast %broadcast_in_dim3A_401 : vector<2048x1xf32> to vector<2048x128xf32>
      %select_n3A_403 = arith.select %eq3A_374, %broadcast_in_dim3A_402, %select_n3A_400 : vector<2048x128xi1>, vector<2048x128xf32>
      %eq3A_404 = arith.constant 0 : i32
      %eq3A_405 = vector.broadcast %eq3A_404 : i32 to vector<2048x128xi32>
      %eq3A_406 = arith.cmpi eq, %iota3A_86, %eq3A_405 : vector<2048x128xi32>
      %eq3A_407 = arith.constant 1 : i32
      %eq3A_408 = vector.broadcast %eq3A_407 : i32 to vector<2048x128xi32>
      %eq3A_409 = arith.cmpi eq, %iota3A_86, %eq3A_408 : vector<2048x128xi32>
      %eq3A_410 = arith.constant 2 : i32
      %eq3A_411 = vector.broadcast %eq3A_410 : i32 to vector<2048x128xi32>
      %eq3A_412 = arith.cmpi eq, %iota3A_86, %eq3A_411 : vector<2048x128xi32>
      %eq3A_413 = arith.constant 3 : i32
      %eq3A_414 = vector.broadcast %eq3A_413 : i32 to vector<2048x128xi32>
      %eq3A_415 = arith.cmpi eq, %iota3A_86, %eq3A_414 : vector<2048x128xi32>
      %eq3A_416 = arith.constant 4 : i32
      %eq3A_417 = vector.broadcast %eq3A_416 : i32 to vector<2048x128xi32>
      %eq3A_418 = arith.cmpi eq, %iota3A_86, %eq3A_417 : vector<2048x128xi32>
      %jit3A_419 = arith.constant 0.000000e+00 : f32
      %broadcast_in_dim3A_420 = vector.shape_cast %sub3A_313 : vector<2048x1xf32> to vector<2048x1xf32>
      %broadcast_in_dim3A_421 = vector.broadcast %broadcast_in_dim3A_420 : vector<2048x1xf32> to vector<2048x128xf32>
      %broadcast_in_dim3A_422 = vector.broadcast %jit3A_419 : f32 to vector<2048x128xf32>
      %select_n3A_423 = arith.select %eq3A_418, %broadcast_in_dim3A_421, %broadcast_in_dim3A_422 : vector<2048x128xi1>, vector<2048x128xf32>
      %broadcast_in_dim3A_424 = vector.shape_cast %convert_element_type3A_312 : vector<2048x1xf32> to vector<2048x1xf32>
      %broadcast_in_dim3A_425 = vector.broadcast %broadcast_in_dim3A_424 : vector<2048x1xf32> to vector<2048x128xf32>
      %select_n3A_426 = arith.select %eq3A_415, %broadcast_in_dim3A_425, %select_n3A_423 : vector<2048x128xi1>, vector<2048x128xf32>
      %jit3A_427 = arith.constant 1.000000e+00 : f32
      %broadcast_in_dim3A_428 = vector.broadcast %jit3A_427 : f32 to vector<2048x128xf32>
      %select_n3A_429 = arith.select %eq3A_412, %broadcast_in_dim3A_428, %select_n3A_426 : vector<2048x128xi1>, vector<2048x128xf32>
      %broadcast_in_dim3A_430 = vector.shape_cast %convert_element_type3A_365 : vector<2048x1xf32> to vector<2048x1xf32>
      %broadcast_in_dim3A_431 = vector.broadcast %broadcast_in_dim3A_430 : vector<2048x1xf32> to vector<2048x128xf32>
      %select_n3A_432 = arith.select %eq3A_409, %broadcast_in_dim3A_431, %select_n3A_429 : vector<2048x128xi1>, vector<2048x128xf32>
      %broadcast_in_dim3A_433 = vector.shape_cast %convert_element_type3A_342 : vector<2048x1xf32> to vector<2048x1xf32>
      %broadcast_in_dim3A_434 = vector.broadcast %broadcast_in_dim3A_433 : vector<2048x1xf32> to vector<2048x128xf32>
      %select_n3A_435 = arith.select %eq3A_406, %broadcast_in_dim3A_434, %select_n3A_432 : vector<2048x128xi1>, vector<2048x128xf32>
      %iota3A_436 = tpu.iota {dimensions = array<i32: 1>} : vector<2048x256xi32>
      %add3A_437 = arith.constant 0 : i32
      %add3A_438 = vector.broadcast %add3A_437 : i32 to vector<2048x256xi32>
      %add3A_439 = arith.addi %iota3A_436, %add3A_438 : vector<2048x256xi32>
      %eq3A_440 = vector.broadcast %select_n3A_368 : vector<2048x1xi32> to vector<2048x256xi32>
      %eq3A_441 = arith.cmpi eq, %add3A_439, %eq3A_440 : vector<2048x256xi32>
      %convert_element_type3A_442 = arith.extui %eq3A_441 : vector<2048x256xi1> to vector<2048x256xi32>
      %convert_element_type3A_443 = arith.sitofp %convert_element_type3A_442 : vector<2048x256xi32> to vector<2048x256xf32>
      %eq3A_444 = vector.broadcast %select_n3A_371 : vector<2048x1xi32> to vector<2048x256xi32>
      %eq3A_445 = arith.cmpi eq, %add3A_439, %eq3A_444 : vector<2048x256xi32>
      %convert_element_type3A_446 = arith.extui %eq3A_445 : vector<2048x256xi1> to vector<2048x256xi32>
      %convert_element_type3A_447 = arith.sitofp %convert_element_type3A_446 : vector<2048x256xi32> to vector<2048x256xf32>
      %dot_general3A_448 = arith.constant dense<0.000000e+00> : vector<256x128xf32>
      %dot_general3A_449 = tpu.matmul %convert_element_type3A_443, %select_n3A_403, %dot_general3A_448 {dimension_numbers = #tpu.dot_dimension_numbers<[0], [0], [1], [1], [0, 1, 1, 1], [], []>, transpose_lhs_hint = false} : vector<2048x256xf32>, vector<2048x128xf32>, vector<256x128xf32> -> vector<256x128xf32>
      %dot_general3A_450 = arith.constant dense<0.000000e+00> : vector<256x128xf32>
      %dot_general3A_451 = tpu.matmul %convert_element_type3A_447, %select_n3A_435, %dot_general3A_450 {dimension_numbers = #tpu.dot_dimension_numbers<[0], [0], [1], [1], [0, 1, 1, 1], [], []>, transpose_lhs_hint = false} : vector<2048x256xf32>, vector<2048x128xf32>, vector<256x128xf32> -> vector<256x128xf32>
      %add3A_452 = arith.addf %dot_general3A_449, %dot_general3A_451 : vector<256x128xf32>
      %slice3A_453 = vector.extract_strided_slice %add3A_452 {offsets = [0, 2], sizes = [256, 1], strides = [1, 1]} : vector<256x128xf32> to vector<256x1xf32>
      %slice3A_454 = vector.extract_strided_slice %add3A_452 {offsets = [0, 0], sizes = [256, 1], strides = [1, 1]} : vector<256x128xf32> to vector<256x1xf32>
      %mul3A_455 = arith.constant 2.560000e+02 : f32
      %mul3A_456 = vector.broadcast %mul3A_455 : f32 to vector<256x1xf32>
      %mul3A_457 = arith.mulf %slice3A_454, %mul3A_456 : vector<256x1xf32>
      %slice3A_458 = vector.extract_strided_slice %add3A_452 {offsets = [0, 1], sizes = [256, 1], strides = [1, 1]} : vector<256x128xf32> to vector<256x1xf32>
      %add3A_459 = arith.addf %mul3A_457, %slice3A_458 : vector<256x1xf32>
      %gt3A_460 = arith.constant 5.000000e-01 : f32
      %gt3A_461 = vector.broadcast %gt3A_460 : f32 to vector<256x1xf32>
      %gt3A_462 = arith.cmpf ogt, %slice3A_453, %gt3A_461 : vector<256x1xf32>
      %convert_element_type3A_463 = arith.fptosi %add3A_459 : vector<256x1xf32> to vector<256x1xi32>
      %jit3A_464 = arith.constant 0 : i32
      %broadcast_in_dim3A_465 = vector.broadcast %jit3A_464 : i32 to vector<256x1xi32>
      %select_n3A_466 = arith.select %gt3A_462, %convert_element_type3A_463, %broadcast_in_dim3A_465 : vector<256x1xi1>, vector<256x1xi32>
      %gt3A_467 = arith.constant 5.000000e-01 : f32
      %gt3A_468 = vector.broadcast %gt3A_467 : f32 to vector<256x1xf32>
      %gt3A_469 = arith.cmpf ogt, %slice3A_453, %gt3A_468 : vector<256x1xf32>
      %slice3A_470 = vector.extract_strided_slice %add3A_452 {offsets = [0, 3], sizes = [256, 1], strides = [1, 1]} : vector<256x128xf32> to vector<256x1xf32>
      %slice3A_471 = vector.extract_strided_slice %add3A_452 {offsets = [0, 4], sizes = [256, 1], strides = [1, 1]} : vector<256x128xf32> to vector<256x1xf32>
      %add3A_472 = arith.addf %slice3A_470, %slice3A_471 : vector<256x1xf32>
      %jit3A_473 = arith.constant 0.000000e+00 : f32
      %broadcast_in_dim3A_474 = vector.broadcast %jit3A_473 : f32 to vector<256x1xf32>
      %select_n3A_475 = arith.select %gt3A_469, %add3A_472, %broadcast_in_dim3A_474 : vector<256x1xi1>, vector<256x1xf32>
      %broadcast_in_dim3A_476 = vector.shape_cast %select_n3A_466 : vector<256x1xi32> to vector<256x1xi32>
      %broadcast_in_dim3A_477 = vector.broadcast %broadcast_in_dim3A_476 : vector<256x1xi32> to vector<256x128xi32>
      %swap3A_478 = arith.constant 0 : index
      %swap3A_479 = arith.constant 0 : index
      %swap3A_480 = vector.load %arg3[%swap3A_478, %swap3A_479] : memref<2816x128xi32, #tpu.memory_space<vmem>>, vector<256x128xi32>
      tpu.vector_store %arg3[%swap3A_478, %swap3A_479], %broadcast_in_dim3A_477 {strides = array<i32>} : memref<2816x128xi32, #tpu.memory_space<vmem>>, vector<256x128xi32>,
      %broadcast_in_dim3A_481 = vector.shape_cast %select_n3A_475 : vector<256x1xf32> to vector<256x1xf32>
      %broadcast_in_dim3A_482 = vector.broadcast %broadcast_in_dim3A_481 : vector<256x1xf32> to vector<256x128xf32>
      %swap3A_483 = arith.constant 0 : index
      %swap3A_484 = arith.constant 0 : index
      %swap3A_485 = vector.load %arg4[%swap3A_483, %swap3A_484] : memref<2816x128xf32, #tpu.memory_space<vmem>>, vector<256x128xf32>
      tpu.vector_store %arg4[%swap3A_483, %swap3A_484], %broadcast_in_dim3A_482 {strides = array<i32>} : memref<2816x128xf32, #tpu.memory_space<vmem>>, vector<256x128xf32>,
      %iota3A_486 = tpu.iota {dimensions = array<i32: 1>} : vector<2048x256xi32>
      %add3A_487 = arith.constant 256 : i32
      %add3A_488 = vector.broadcast %add3A_487 : i32 to vector<2048x256xi32>
      %add3A_489 = arith.addi %iota3A_486, %add3A_488 : vector<2048x256xi32>
      %eq3A_490 = vector.broadcast %select_n3A_368 : vector<2048x1xi32> to vector<2048x256xi32>
      %eq3A_491 = arith.cmpi eq, %add3A_489, %eq3A_490 : vector<2048x256xi32>
      %convert_element_type3A_492 = arith.extui %eq3A_491 : vector<2048x256xi1> to vector<2048x256xi32>
      %convert_element_type3A_493 = arith.sitofp %convert_element_type3A_492 : vector<2048x256xi32> to vector<2048x256xf32>
      %eq3A_494 = vector.broadcast %select_n3A_371 : vector<2048x1xi32> to vector<2048x256xi32>
      %eq3A_495 = arith.cmpi eq, %add3A_489, %eq3A_494 : vector<2048x256xi32>
      %convert_element_type3A_496 = arith.extui %eq3A_495 : vector<2048x256xi1> to vector<2048x256xi32>
      %convert_element_type3A_497 = arith.sitofp %convert_element_type3A_496 : vector<2048x256xi32> to vector<2048x256xf32>
      %dot_general3A_498 = arith.constant dense<0.000000e+00> : vector<256x128xf32>
      %dot_general3A_499 = tpu.matmul %convert_element_type3A_493, %select_n3A_403, %dot_general3A_498 {dimension_numbers = #tpu.dot_dimension_numbers<[0], [0], [1], [1], [0, 1, 1, 1], [], []>, transpose_lhs_hint = false} : vector<2048x256xf32>, vector<2048x128xf32>, vector<256x128xf32> -> vector<256x128xf32>
      %dot_general3A_500 = arith.constant dense<0.000000e+00> : vector<256x128xf32>
      %dot_general3A_501 = tpu.matmul %convert_element_type3A_497, %select_n3A_435, %dot_general3A_500 {dimension_numbers = #tpu.dot_dimension_numbers<[0], [0], [1], [1], [0, 1, 1, 1], [], []>, transpose_lhs_hint = false} : vector<2048x256xf32>, vector<2048x128xf32>, vector<256x128xf32> -> vector<256x128xf32>
      %add3A_502 = arith.addf %dot_general3A_499, %dot_general3A_501 : vector<256x128xf32>
      %slice3A_503 = vector.extract_strided_slice %add3A_502 {offsets = [0, 2], sizes = [256, 1], strides = [1, 1]} : vector<256x128xf32> to vector<256x1xf32>
      %slice3A_504 = vector.extract_strided_slice %add3A_502 {offsets = [0, 0], sizes = [256, 1], strides = [1, 1]} : vector<256x128xf32> to vector<256x1xf32>
      %mul3A_505 = arith.constant 2.560000e+02 : f32
      %mul3A_506 = vector.broadcast %mul3A_505 : f32 to vector<256x1xf32>
      %mul3A_507 = arith.mulf %slice3A_504, %mul3A_506 : vector<256x1xf32>
      %slice3A_508 = vector.extract_strided_slice %add3A_502 {offsets = [0, 1], sizes = [256, 1], strides = [1, 1]} : vector<256x128xf32> to vector<256x1xf32>
      %add3A_509 = arith.addf %mul3A_507, %slice3A_508 : vector<256x1xf32>
      %gt3A_510 = arith.constant 5.000000e-01 : f32
      %gt3A_511 = vector.broadcast %gt3A_510 : f32 to vector<256x1xf32>
      %gt3A_512 = arith.cmpf ogt, %slice3A_503, %gt3A_511 : vector<256x1xf32>
      %convert_element_type3A_513 = arith.fptosi %add3A_509 : vector<256x1xf32> to vector<256x1xi32>
      %jit3A_514 = arith.constant 0 : i32
      %broadcast_in_dim3A_515 = vector.broadcast %jit3A_514 : i32 to vector<256x1xi32>
      %select_n3A_516 = arith.select %gt3A_512, %convert_element_type3A_513, %broadcast_in_dim3A_515 : vector<256x1xi1>, vector<256x1xi32>
      %gt3A_517 = arith.constant 5.000000e-01 : f32
      %gt3A_518 = vector.broadcast %gt3A_517 : f32 to vector<256x1xf32>
      %gt3A_519 = arith.cmpf ogt, %slice3A_503, %gt3A_518 : vector<256x1xf32>
      %slice3A_520 = vector.extract_strided_slice %add3A_502 {offsets = [0, 3], sizes = [256, 1], strides = [1, 1]} : vector<256x128xf32> to vector<256x1xf32>
      %slice3A_521 = vector.extract_strided_slice %add3A_502 {offsets = [0, 4], sizes = [256, 1], strides = [1, 1]} : vector<256x128xf32> to vector<256x1xf32>
      %add3A_522 = arith.addf %slice3A_520, %slice3A_521 : vector<256x1xf32>
      %jit3A_523 = arith.constant 0.000000e+00 : f32
      %broadcast_in_dim3A_524 = vector.broadcast %jit3A_523 : f32 to vector<256x1xf32>
      %select_n3A_525 = arith.select %gt3A_519, %add3A_522, %broadcast_in_dim3A_524 : vector<256x1xi1>, vector<256x1xf32>
      %broadcast_in_dim3A_526 = vector.shape_cast %select_n3A_516 : vector<256x1xi32> to vector<256x1xi32>
      %broadcast_in_dim3A_527 = vector.broadcast %broadcast_in_dim3A_526 : vector<256x1xi32> to vector<256x128xi32>
      %swap3A_528 = arith.constant 256 : index
      %swap3A_529 = arith.constant 0 : index
      %swap3A_530 = vector.load %arg3[%swap3A_528, %swap3A_529] : memref<2816x128xi32, #tpu.memory_space<vmem>>, vector<256x128xi32>
      tpu.vector_store %arg3[%swap3A_528, %swap3A_529], %broadcast_in_dim3A_527 {strides = array<i32>} : memref<2816x128xi32, #tpu.memory_space<vmem>>, vector<256x128xi32>,
      %broadcast_in_dim3A_531 = vector.shape_cast %select_n3A_525 : vector<256x1xf32> to vector<256x1xf32>
      %broadcast_in_dim3A_532 = vector.broadcast %broadcast_in_dim3A_531 : vector<256x1xf32> to vector<256x128xf32>
      %swap3A_533 = arith.constant 256 : index
      %swap3A_534 = arith.constant 0 : index
      %swap3A_535 = vector.load %arg4[%swap3A_533, %swap3A_534] : memref<2816x128xf32, #tpu.memory_space<vmem>>, vector<256x128xf32>
      tpu.vector_store %arg4[%swap3A_533, %swap3A_534], %broadcast_in_dim3A_532 {strides = array<i32>} : memref<2816x128xf32, #tpu.memory_space<vmem>>, vector<256x128xf32>,
      %iota3A_536 = tpu.iota {dimensions = array<i32: 1>} : vector<2048x256xi32>
      %add3A_537 = arith.constant 512 : i32
      %add3A_538 = vector.broadcast %add3A_537 : i32 to vector<2048x256xi32>
      %add3A_539 = arith.addi %iota3A_536, %add3A_538 : vector<2048x256xi32>
      %eq3A_540 = vector.broadcast %select_n3A_368 : vector<2048x1xi32> to vector<2048x256xi32>
      %eq3A_541 = arith.cmpi eq, %add3A_539, %eq3A_540 : vector<2048x256xi32>
      %convert_element_type3A_542 = arith.extui %eq3A_541 : vector<2048x256xi1> to vector<2048x256xi32>
      %convert_element_type3A_543 = arith.sitofp %convert_element_type3A_542 : vector<2048x256xi32> to vector<2048x256xf32>
      %eq3A_544 = vector.broadcast %select_n3A_371 : vector<2048x1xi32> to vector<2048x256xi32>
      %eq3A_545 = arith.cmpi eq, %add3A_539, %eq3A_544 : vector<2048x256xi32>
      %convert_element_type3A_546 = arith.extui %eq3A_545 : vector<2048x256xi1> to vector<2048x256xi32>
      %convert_element_type3A_547 = arith.sitofp %convert_element_type3A_546 : vector<2048x256xi32> to vector<2048x256xf32>
      %dot_general3A_548 = arith.constant dense<0.000000e+00> : vector<256x128xf32>
      %dot_general3A_549 = tpu.matmul %convert_element_type3A_543, %select_n3A_403, %dot_general3A_548 {dimension_numbers = #tpu.dot_dimension_numbers<[0], [0], [1], [1], [0, 1, 1, 1], [], []>, transpose_lhs_hint = false} : vector<2048x256xf32>, vector<2048x128xf32>, vector<256x128xf32> -> vector<256x128xf32>
      %dot_general3A_550 = arith.constant dense<0.000000e+00> : vector<256x128xf32>
      %dot_general3A_551 = tpu.matmul %convert_element_type3A_547, %select_n3A_435, %dot_general3A_550 {dimension_numbers = #tpu.dot_dimension_numbers<[0], [0], [1], [1], [0, 1, 1, 1], [], []>, transpose_lhs_hint = false} : vector<2048x256xf32>, vector<2048x128xf32>, vector<256x128xf32> -> vector<256x128xf32>
      %add3A_552 = arith.addf %dot_general3A_549, %dot_general3A_551 : vector<256x128xf32>
      %slice3A_553 = vector.extract_strided_slice %add3A_552 {offsets = [0, 2], sizes = [256, 1], strides = [1, 1]} : vector<256x128xf32> to vector<256x1xf32>
      %slice3A_554 = vector.extract_strided_slice %add3A_552 {offsets = [0, 0], sizes = [256, 1], strides = [1, 1]} : vector<256x128xf32> to vector<256x1xf32>
      %mul3A_555 = arith.constant 2.560000e+02 : f32
      %mul3A_556 = vector.broadcast %mul3A_555 : f32 to vector<256x1xf32>
      %mul3A_557 = arith.mulf %slice3A_554, %mul3A_556 : vector<256x1xf32>
      %slice3A_558 = vector.extract_strided_slice %add3A_552 {offsets = [0, 1], sizes = [256, 1], strides = [1, 1]} : vector<256x128xf32> to vector<256x1xf32>
      %add3A_559 = arith.addf %mul3A_557, %slice3A_558 : vector<256x1xf32>
      %gt3A_560 = arith.constant 5.000000e-01 : f32
      %gt3A_561 = vector.broadcast %gt3A_560 : f32 to vector<256x1xf32>
      %gt3A_562 = arith.cmpf ogt, %slice3A_553, %gt3A_561 : vector<256x1xf32>
      %convert_element_type3A_563 = arith.fptosi %add3A_559 : vector<256x1xf32> to vector<256x1xi32>
      %jit3A_564 = arith.constant 0 : i32
      %broadcast_in_dim3A_565 = vector.broadcast %jit3A_564 : i32 to vector<256x1xi32>
      %select_n3A_566 = arith.select %gt3A_562, %convert_element_type3A_563, %broadcast_in_dim3A_565 : vector<256x1xi1>, vector<256x1xi32>
      %gt3A_567 = arith.constant 5.000000e-01 : f32
      %gt3A_568 = vector.broadcast %gt3A_567 : f32 to vector<256x1xf32>
      %gt3A_569 = arith.cmpf ogt, %slice3A_553, %gt3A_568 : vector<256x1xf32>
      %slice3A_570 = vector.extract_strided_slice %add3A_552 {offsets = [0, 3], sizes = [256, 1], strides = [1, 1]} : vector<256x128xf32> to vector<256x1xf32>
      %slice3A_571 = vector.extract_strided_slice %add3A_552 {offsets = [0, 4], sizes = [256, 1], strides = [1, 1]} : vector<256x128xf32> to vector<256x1xf32>
      %add3A_572 = arith.addf %slice3A_570, %slice3A_571 : vector<256x1xf32>
      %jit3A_573 = arith.constant 0.000000e+00 : f32
      %broadcast_in_dim3A_574 = vector.broadcast %jit3A_573 : f32 to vector<256x1xf32>
      %select_n3A_575 = arith.select %gt3A_569, %add3A_572, %broadcast_in_dim3A_574 : vector<256x1xi1>, vector<256x1xf32>
      %broadcast_in_dim3A_576 = vector.shape_cast %select_n3A_566 : vector<256x1xi32> to vector<256x1xi32>
      %broadcast_in_dim3A_577 = vector.broadcast %broadcast_in_dim3A_576 : vector<256x1xi32> to vector<256x128xi32>
      %swap3A_578 = arith.constant 512 : index
      %swap3A_579 = arith.constant 0 : index
      %swap3A_580 = vector.load %arg3[%swap3A_578, %swap3A_579] : memref<2816x128xi32, #tpu.memory_space<vmem>>, vector<256x128xi32>
      tpu.vector_store %arg3[%swap3A_578, %swap3A_579], %broadcast_in_dim3A_577 {strides = array<i32>} : memref<2816x128xi32, #tpu.memory_space<vmem>>, vector<256x128xi32>,
      %broadcast_in_dim3A_581 = vector.shape_cast %select_n3A_575 : vector<256x1xf32> to vector<256x1xf32>
      %broadcast_in_dim3A_582 = vector.broadcast %broadcast_in_dim3A_581 : vector<256x1xf32> to vector<256x128xf32>
      %swap3A_583 = arith.constant 512 : index
      %swap3A_584 = arith.constant 0 : index
      %swap3A_585 = vector.load %arg4[%swap3A_583, %swap3A_584] : memref<2816x128xf32, #tpu.memory_space<vmem>>, vector<256x128xf32>
      tpu.vector_store %arg4[%swap3A_583, %swap3A_584], %broadcast_in_dim3A_582 {strides = array<i32>} : memref<2816x128xf32, #tpu.memory_space<vmem>>, vector<256x128xf32>,
      %iota3A_586 = tpu.iota {dimensions = array<i32: 1>} : vector<2048x256xi32>
      %add3A_587 = arith.constant 768 : i32
      %add3A_588 = vector.broadcast %add3A_587 : i32 to vector<2048x256xi32>
      %add3A_589 = arith.addi %iota3A_586, %add3A_588 : vector<2048x256xi32>
      %eq3A_590 = vector.broadcast %select_n3A_368 : vector<2048x1xi32> to vector<2048x256xi32>
      %eq3A_591 = arith.cmpi eq, %add3A_589, %eq3A_590 : vector<2048x256xi32>
      %convert_element_type3A_592 = arith.extui %eq3A_591 : vector<2048x256xi1> to vector<2048x256xi32>
      %convert_element_type3A_593 = arith.sitofp %convert_element_type3A_592 : vector<2048x256xi32> to vector<2048x256xf32>
      %eq3A_594 = vector.broadcast %select_n3A_371 : vector<2048x1xi32> to vector<2048x256xi32>
      %eq3A_595 = arith.cmpi eq, %add3A_589, %eq3A_594 : vector<2048x256xi32>
      %convert_element_type3A_596 = arith.extui %eq3A_595 : vector<2048x256xi1> to vector<2048x256xi32>
      %convert_element_type3A_597 = arith.sitofp %convert_element_type3A_596 : vector<2048x256xi32> to vector<2048x256xf32>
      %dot_general3A_598 = arith.constant dense<0.000000e+00> : vector<256x128xf32>
      %dot_general3A_599 = tpu.matmul %convert_element_type3A_593, %select_n3A_403, %dot_general3A_598 {dimension_numbers = #tpu.dot_dimension_numbers<[0], [0], [1], [1], [0, 1, 1, 1], [], []>, transpose_lhs_hint = false} : vector<2048x256xf32>, vector<2048x128xf32>, vector<256x128xf32> -> vector<256x128xf32>
      %dot_general3A_600 = arith.constant dense<0.000000e+00> : vector<256x128xf32>
      %dot_general3A_601 = tpu.matmul %convert_element_type3A_597, %select_n3A_435, %dot_general3A_600 {dimension_numbers = #tpu.dot_dimension_numbers<[0], [0], [1], [1], [0, 1, 1, 1], [], []>, transpose_lhs_hint = false} : vector<2048x256xf32>, vector<2048x128xf32>, vector<256x128xf32> -> vector<256x128xf32>
      %add3A_602 = arith.addf %dot_general3A_599, %dot_general3A_601 : vector<256x128xf32>
      %slice3A_603 = vector.extract_strided_slice %add3A_602 {offsets = [0, 2], sizes = [256, 1], strides = [1, 1]} : vector<256x128xf32> to vector<256x1xf32>
      %slice3A_604 = vector.extract_strided_slice %add3A_602 {offsets = [0, 0], sizes = [256, 1], strides = [1, 1]} : vector<256x128xf32> to vector<256x1xf32>
      %mul3A_605 = arith.constant 2.560000e+02 : f32
      %mul3A_606 = vector.broadcast %mul3A_605 : f32 to vector<256x1xf32>
      %mul3A_607 = arith.mulf %slice3A_604, %mul3A_606 : vector<256x1xf32>
      %slice3A_608 = vector.extract_strided_slice %add3A_602 {offsets = [0, 1], sizes = [256, 1], strides = [1, 1]} : vector<256x128xf32> to vector<256x1xf32>
      %add3A_609 = arith.addf %mul3A_607, %slice3A_608 : vector<256x1xf32>
      %gt3A_610 = arith.constant 5.000000e-01 : f32
      %gt3A_611 = vector.broadcast %gt3A_610 : f32 to vector<256x1xf32>
      %gt3A_612 = arith.cmpf ogt, %slice3A_603, %gt3A_611 : vector<256x1xf32>
      %convert_element_type3A_613 = arith.fptosi %add3A_609 : vector<256x1xf32> to vector<256x1xi32>
      %jit3A_614 = arith.constant 0 : i32
      %broadcast_in_dim3A_615 = vector.broadcast %jit3A_614 : i32 to vector<256x1xi32>
      %select_n3A_616 = arith.select %gt3A_612, %convert_element_type3A_613, %broadcast_in_dim3A_615 : vector<256x1xi1>, vector<256x1xi32>
      %gt3A_617 = arith.constant 5.000000e-01 : f32
      %gt3A_618 = vector.broadcast %gt3A_617 : f32 to vector<256x1xf32>
      %gt3A_619 = arith.cmpf ogt, %slice3A_603, %gt3A_618 : vector<256x1xf32>
      %slice3A_620 = vector.extract_strided_slice %add3A_602 {offsets = [0, 3], sizes = [256, 1], strides = [1, 1]} : vector<256x128xf32> to vector<256x1xf32>
      %slice3A_621 = vector.extract_strided_slice %add3A_602 {offsets = [0, 4], sizes = [256, 1], strides = [1, 1]} : vector<256x128xf32> to vector<256x1xf32>
      %add3A_622 = arith.addf %slice3A_620, %slice3A_621 : vector<256x1xf32>
      %jit3A_623 = arith.constant 0.000000e+00 : f32
      %broadcast_in_dim3A_624 = vector.broadcast %jit3A_623 : f32 to vector<256x1xf32>
      %select_n3A_625 = arith.select %gt3A_619, %add3A_622, %broadcast_in_dim3A_624 : vector<256x1xi1>, vector<256x1xf32>
      %broadcast_in_dim3A_626 = vector.shape_cast %select_n3A_616 : vector<256x1xi32> to vector<256x1xi32>
      %broadcast_in_dim3A_627 = vector.broadcast %broadcast_in_dim3A_626 : vector<256x1xi32> to vector<256x128xi32>
      %swap3A_628 = arith.constant 768 : index
      %swap3A_629 = arith.constant 0 : index
      %swap3A_630 = vector.load %arg3[%swap3A_628, %swap3A_629] : memref<2816x128xi32, #tpu.memory_space<vmem>>, vector<256x128xi32>
      tpu.vector_store %arg3[%swap3A_628, %swap3A_629], %broadcast_in_dim3A_627 {strides = array<i32>} : memref<2816x128xi32, #tpu.memory_space<vmem>>, vector<256x128xi32>,
      %broadcast_in_dim3A_631 = vector.shape_cast %select_n3A_625 : vector<256x1xf32> to vector<256x1xf32>
      %broadcast_in_dim3A_632 = vector.broadcast %broadcast_in_dim3A_631 : vector<256x1xf32> to vector<256x128xf32>
      %swap3A_633 = arith.constant 768 : index
      %swap3A_634 = arith.constant 0 : index
      %swap3A_635 = vector.load %arg4[%swap3A_633, %swap3A_634] : memref<2816x128xf32, #tpu.memory_space<vmem>>, vector<256x128xf32>
      tpu.vector_store %arg4[%swap3A_633, %swap3A_634], %broadcast_in_dim3A_632 {strides = array<i32>} : memref<2816x128xf32, #tpu.memory_space<vmem>>, vector<256x128xf32>,
      %iota3A_636 = tpu.iota {dimensions = array<i32: 1>} : vector<2048x256xi32>
      %add3A_637 = arith.constant 1024 : i32
      %add3A_638 = vector.broadcast %add3A_637 : i32 to vector<2048x256xi32>
      %add3A_639 = arith.addi %iota3A_636, %add3A_638 : vector<2048x256xi32>
      %eq3A_640 = vector.broadcast %select_n3A_368 : vector<2048x1xi32> to vector<2048x256xi32>
      %eq3A_641 = arith.cmpi eq, %add3A_639, %eq3A_640 : vector<2048x256xi32>
      %convert_element_type3A_642 = arith.extui %eq3A_641 : vector<2048x256xi1> to vector<2048x256xi32>
      %convert_element_type3A_643 = arith.sitofp %convert_element_type3A_642 : vector<2048x256xi32> to vector<2048x256xf32>
      %eq3A_644 = vector.broadcast %select_n3A_371 : vector<2048x1xi32> to vector<2048x256xi32>
      %eq3A_645 = arith.cmpi eq, %add3A_639, %eq3A_644 : vector<2048x256xi32>
      %convert_element_type3A_646 = arith.extui %eq3A_645 : vector<2048x256xi1> to vector<2048x256xi32>
      %convert_element_type3A_647 = arith.sitofp %convert_element_type3A_646 : vector<2048x256xi32> to vector<2048x256xf32>
      %dot_general3A_648 = arith.constant dense<0.000000e+00> : vector<256x128xf32>
      %dot_general3A_649 = tpu.matmul %convert_element_type3A_643, %select_n3A_403, %dot_general3A_648 {dimension_numbers = #tpu.dot_dimension_numbers<[0], [0], [1], [1], [0, 1, 1, 1], [], []>, transpose_lhs_hint = false} : vector<2048x256xf32>, vector<2048x128xf32>, vector<256x128xf32> -> vector<256x128xf32>
      %dot_general3A_650 = arith.constant dense<0.000000e+00> : vector<256x128xf32>
      %dot_general3A_651 = tpu.matmul %convert_element_type3A_647, %select_n3A_435, %dot_general3A_650 {dimension_numbers = #tpu.dot_dimension_numbers<[0], [0], [1], [1], [0, 1, 1, 1], [], []>, transpose_lhs_hint = false} : vector<2048x256xf32>, vector<2048x128xf32>, vector<256x128xf32> -> vector<256x128xf32>
      %add3A_652 = arith.addf %dot_general3A_649, %dot_general3A_651 : vector<256x128xf32>
      %slice3A_653 = vector.extract_strided_slice %add3A_652 {offsets = [0, 2], sizes = [256, 1], strides = [1, 1]} : vector<256x128xf32> to vector<256x1xf32>
      %slice3A_654 = vector.extract_strided_slice %add3A_652 {offsets = [0, 0], sizes = [256, 1], strides = [1, 1]} : vector<256x128xf32> to vector<256x1xf32>
      %mul3A_655 = arith.constant 2.560000e+02 : f32
      %mul3A_656 = vector.broadcast %mul3A_655 : f32 to vector<256x1xf32>
      %mul3A_657 = arith.mulf %slice3A_654, %mul3A_656 : vector<256x1xf32>
      %slice3A_658 = vector.extract_strided_slice %add3A_652 {offsets = [0, 1], sizes = [256, 1], strides = [1, 1]} : vector<256x128xf32> to vector<256x1xf32>
      %add3A_659 = arith.addf %mul3A_657, %slice3A_658 : vector<256x1xf32>
      %gt3A_660 = arith.constant 5.000000e-01 : f32
      %gt3A_661 = vector.broadcast %gt3A_660 : f32 to vector<256x1xf32>
      %gt3A_662 = arith.cmpf ogt, %slice3A_653, %gt3A_661 : vector<256x1xf32>
      %convert_element_type3A_663 = arith.fptosi %add3A_659 : vector<256x1xf32> to vector<256x1xi32>
      %jit3A_664 = arith.constant 0 : i32
      %broadcast_in_dim3A_665 = vector.broadcast %jit3A_664 : i32 to vector<256x1xi32>
      %select_n3A_666 = arith.select %gt3A_662, %convert_element_type3A_663, %broadcast_in_dim3A_665 : vector<256x1xi1>, vector<256x1xi32>
      %gt3A_667 = arith.constant 5.000000e-01 : f32
      %gt3A_668 = vector.broadcast %gt3A_667 : f32 to vector<256x1xf32>
      %gt3A_669 = arith.cmpf ogt, %slice3A_653, %gt3A_668 : vector<256x1xf32>
      %slice3A_670 = vector.extract_strided_slice %add3A_652 {offsets = [0, 3], sizes = [256, 1], strides = [1, 1]} : vector<256x128xf32> to vector<256x1xf32>
      %slice3A_671 = vector.extract_strided_slice %add3A_652 {offsets = [0, 4], sizes = [256, 1], strides = [1, 1]} : vector<256x128xf32> to vector<256x1xf32>
      %add3A_672 = arith.addf %slice3A_670, %slice3A_671 : vector<256x1xf32>
      %jit3A_673 = arith.constant 0.000000e+00 : f32
      %broadcast_in_dim3A_674 = vector.broadcast %jit3A_673 : f32 to vector<256x1xf32>
      %select_n3A_675 = arith.select %gt3A_669, %add3A_672, %broadcast_in_dim3A_674 : vector<256x1xi1>, vector<256x1xf32>
      %broadcast_in_dim3A_676 = vector.shape_cast %select_n3A_666 : vector<256x1xi32> to vector<256x1xi32>
      %broadcast_in_dim3A_677 = vector.broadcast %broadcast_in_dim3A_676 : vector<256x1xi32> to vector<256x128xi32>
      %swap3A_678 = arith.constant 1024 : index
      %swap3A_679 = arith.constant 0 : index
      %swap3A_680 = vector.load %arg3[%swap3A_678, %swap3A_679] : memref<2816x128xi32, #tpu.memory_space<vmem>>, vector<256x128xi32>
      tpu.vector_store %arg3[%swap3A_678, %swap3A_679], %broadcast_in_dim3A_677 {strides = array<i32>} : memref<2816x128xi32, #tpu.memory_space<vmem>>, vector<256x128xi32>,
      %broadcast_in_dim3A_681 = vector.shape_cast %select_n3A_675 : vector<256x1xf32> to vector<256x1xf32>
      %broadcast_in_dim3A_682 = vector.broadcast %broadcast_in_dim3A_681 : vector<256x1xf32> to vector<256x128xf32>
      %swap3A_683 = arith.constant 1024 : index
      %swap3A_684 = arith.constant 0 : index
      %swap3A_685 = vector.load %arg4[%swap3A_683, %swap3A_684] : memref<2816x128xf32, #tpu.memory_space<vmem>>, vector<256x128xf32>
      tpu.vector_store %arg4[%swap3A_683, %swap3A_684], %broadcast_in_dim3A_682 {strides = array<i32>} : memref<2816x128xf32, #tpu.memory_space<vmem>>, vector<256x128xf32>,
      %iota3A_686 = tpu.iota {dimensions = array<i32: 1>} : vector<2048x256xi32>
      %add3A_687 = arith.constant 1280 : i32
      %add3A_688 = vector.broadcast %add3A_687 : i32 to vector<2048x256xi32>
      %add3A_689 = arith.addi %iota3A_686, %add3A_688 : vector<2048x256xi32>
      %eq3A_690 = vector.broadcast %select_n3A_368 : vector<2048x1xi32> to vector<2048x256xi32>
      %eq3A_691 = arith.cmpi eq, %add3A_689, %eq3A_690 : vector<2048x256xi32>
      %convert_element_type3A_692 = arith.extui %eq3A_691 : vector<2048x256xi1> to vector<2048x256xi32>
      %convert_element_type3A_693 = arith.sitofp %convert_element_type3A_692 : vector<2048x256xi32> to vector<2048x256xf32>
      %eq3A_694 = vector.broadcast %select_n3A_371 : vector<2048x1xi32> to vector<2048x256xi32>
      %eq3A_695 = arith.cmpi eq, %add3A_689, %eq3A_694 : vector<2048x256xi32>
      %convert_element_type3A_696 = arith.extui %eq3A_695 : vector<2048x256xi1> to vector<2048x256xi32>
      %convert_element_type3A_697 = arith.sitofp %convert_element_type3A_696 : vector<2048x256xi32> to vector<2048x256xf32>
      %dot_general3A_698 = arith.constant dense<0.000000e+00> : vector<256x128xf32>
      %dot_general3A_699 = tpu.matmul %convert_element_type3A_693, %select_n3A_403, %dot_general3A_698 {dimension_numbers = #tpu.dot_dimension_numbers<[0], [0], [1], [1], [0, 1, 1, 1], [], []>, transpose_lhs_hint = false} : vector<2048x256xf32>, vector<2048x128xf32>, vector<256x128xf32> -> vector<256x128xf32>
      %dot_general3A_700 = arith.constant dense<0.000000e+00> : vector<256x128xf32>
      %dot_general3A_701 = tpu.matmul %convert_element_type3A_697, %select_n3A_435, %dot_general3A_700 {dimension_numbers = #tpu.dot_dimension_numbers<[0], [0], [1], [1], [0, 1, 1, 1], [], []>, transpose_lhs_hint = false} : vector<2048x256xf32>, vector<2048x128xf32>, vector<256x128xf32> -> vector<256x128xf32>
      %add3A_702 = arith.addf %dot_general3A_699, %dot_general3A_701 : vector<256x128xf32>
      %slice3A_703 = vector.extract_strided_slice %add3A_702 {offsets = [0, 2], sizes = [256, 1], strides = [1, 1]} : vector<256x128xf32> to vector<256x1xf32>
      %slice3A_704 = vector.extract_strided_slice %add3A_702 {offsets = [0, 0], sizes = [256, 1], strides = [1, 1]} : vector<256x128xf32> to vector<256x1xf32>
      %mul3A_705 = arith.constant 2.560000e+02 : f32
      %mul3A_706 = vector.broadcast %mul3A_705 : f32 to vector<256x1xf32>
      %mul3A_707 = arith.mulf %slice3A_704, %mul3A_706 : vector<256x1xf32>
      %slice3A_708 = vector.extract_strided_slice %add3A_702 {offsets = [0, 1], sizes = [256, 1], strides = [1, 1]} : vector<256x128xf32> to vector<256x1xf32>
      %add3A_709 = arith.addf %mul3A_707, %slice3A_708 : vector<256x1xf32>
      %gt3A_710 = arith.constant 5.000000e-01 : f32
      %gt3A_711 = vector.broadcast %gt3A_710 : f32 to vector<256x1xf32>
      %gt3A_712 = arith.cmpf ogt, %slice3A_703, %gt3A_711 : vector<256x1xf32>
      %convert_element_type3A_713 = arith.fptosi %add3A_709 : vector<256x1xf32> to vector<256x1xi32>
      %jit3A_714 = arith.constant 0 : i32
      %broadcast_in_dim3A_715 = vector.broadcast %jit3A_714 : i32 to vector<256x1xi32>
      %select_n3A_716 = arith.select %gt3A_712, %convert_element_type3A_713, %broadcast_in_dim3A_715 : vector<256x1xi1>, vector<256x1xi32>
      %gt3A_717 = arith.constant 5.000000e-01 : f32
      %gt3A_718 = vector.broadcast %gt3A_717 : f32 to vector<256x1xf32>
      %gt3A_719 = arith.cmpf ogt, %slice3A_703, %gt3A_718 : vector<256x1xf32>
      %slice3A_720 = vector.extract_strided_slice %add3A_702 {offsets = [0, 3], sizes = [256, 1], strides = [1, 1]} : vector<256x128xf32> to vector<256x1xf32>
      %slice3A_721 = vector.extract_strided_slice %add3A_702 {offsets = [0, 4], sizes = [256, 1], strides = [1, 1]} : vector<256x128xf32> to vector<256x1xf32>
      %add3A_722 = arith.addf %slice3A_720, %slice3A_721 : vector<256x1xf32>
      %jit3A_723 = arith.constant 0.000000e+00 : f32
      %broadcast_in_dim3A_724 = vector.broadcast %jit3A_723 : f32 to vector<256x1xf32>
      %select_n3A_725 = arith.select %gt3A_719, %add3A_722, %broadcast_in_dim3A_724 : vector<256x1xi1>, vector<256x1xf32>
      %broadcast_in_dim3A_726 = vector.shape_cast %select_n3A_716 : vector<256x1xi32> to vector<256x1xi32>
      %broadcast_in_dim3A_727 = vector.broadcast %broadcast_in_dim3A_726 : vector<256x1xi32> to vector<256x128xi32>
      %swap3A_728 = arith.constant 1280 : index
      %swap3A_729 = arith.constant 0 : index
      %swap3A_730 = vector.load %arg3[%swap3A_728, %swap3A_729] : memref<2816x128xi32, #tpu.memory_space<vmem>>, vector<256x128xi32>
      tpu.vector_store %arg3[%swap3A_728, %swap3A_729], %broadcast_in_dim3A_727 {strides = array<i32>} : memref<2816x128xi32, #tpu.memory_space<vmem>>, vector<256x128xi32>,
      %broadcast_in_dim3A_731 = vector.shape_cast %select_n3A_725 : vector<256x1xf32> to vector<256x1xf32>
      %broadcast_in_dim3A_732 = vector.broadcast %broadcast_in_dim3A_731 : vector<256x1xf32> to vector<256x128xf32>
      %swap3A_733 = arith.constant 1280 : index
      %swap3A_734 = arith.constant 0 : index
      %swap3A_735 = vector.load %arg4[%swap3A_733, %swap3A_734] : memref<2816x128xf32, #tpu.memory_space<vmem>>, vector<256x128xf32>
      tpu.vector_store %arg4[%swap3A_733, %swap3A_734], %broadcast_in_dim3A_732 {strides = array<i32>} : memref<2816x128xf32, #tpu.memory_space<vmem>>, vector<256x128xf32>,
      %iota3A_736 = tpu.iota {dimensions = array<i32: 1>} : vector<2048x256xi32>
      %add3A_737 = arith.constant 1536 : i32
      %add3A_738 = vector.broadcast %add3A_737 : i32 to vector<2048x256xi32>
      %add3A_739 = arith.addi %iota3A_736, %add3A_738 : vector<2048x256xi32>
      %eq3A_740 = vector.broadcast %select_n3A_368 : vector<2048x1xi32> to vector<2048x256xi32>
      %eq3A_741 = arith.cmpi eq, %add3A_739, %eq3A_740 : vector<2048x256xi32>
      %convert_element_type3A_742 = arith.extui %eq3A_741 : vector<2048x256xi1> to vector<2048x256xi32>
      %convert_element_type3A_743 = arith.sitofp %convert_element_type3A_742 : vector<2048x256xi32> to vector<2048x256xf32>
      %eq3A_744 = vector.broadcast %select_n3A_371 : vector<2048x1xi32> to vector<2048x256xi32>
      %eq3A_745 = arith.cmpi eq, %add3A_739, %eq3A_744 : vector<2048x256xi32>
      %convert_element_type3A_746 = arith.extui %eq3A_745 : vector<2048x256xi1> to vector<2048x256xi32>
      %convert_element_type3A_747 = arith.sitofp %convert_element_type3A_746 : vector<2048x256xi32> to vector<2048x256xf32>
      %dot_general3A_748 = arith.constant dense<0.000000e+00> : vector<256x128xf32>
      %dot_general3A_749 = tpu.matmul %convert_element_type3A_743, %select_n3A_403, %dot_general3A_748 {dimension_numbers = #tpu.dot_dimension_numbers<[0], [0], [1], [1], [0, 1, 1, 1], [], []>, transpose_lhs_hint = false} : vector<2048x256xf32>, vector<2048x128xf32>, vector<256x128xf32> -> vector<256x128xf32>
      %dot_general3A_750 = arith.constant dense<0.000000e+00> : vector<256x128xf32>
      %dot_general3A_751 = tpu.matmul %convert_element_type3A_747, %select_n3A_435, %dot_general3A_750 {dimension_numbers = #tpu.dot_dimension_numbers<[0], [0], [1], [1], [0, 1, 1, 1], [], []>, transpose_lhs_hint = false} : vector<2048x256xf32>, vector<2048x128xf32>, vector<256x128xf32> -> vector<256x128xf32>
      %add3A_752 = arith.addf %dot_general3A_749, %dot_general3A_751 : vector<256x128xf32>
      %slice3A_753 = vector.extract_strided_slice %add3A_752 {offsets = [0, 2], sizes = [256, 1], strides = [1, 1]} : vector<256x128xf32> to vector<256x1xf32>
      %slice3A_754 = vector.extract_strided_slice %add3A_752 {offsets = [0, 0], sizes = [256, 1], strides = [1, 1]} : vector<256x128xf32> to vector<256x1xf32>
      %mul3A_755 = arith.constant 2.560000e+02 : f32
      %mul3A_756 = vector.broadcast %mul3A_755 : f32 to vector<256x1xf32>
      %mul3A_757 = arith.mulf %slice3A_754, %mul3A_756 : vector<256x1xf32>
      %slice3A_758 = vector.extract_strided_slice %add3A_752 {offsets = [0, 1], sizes = [256, 1], strides = [1, 1]} : vector<256x128xf32> to vector<256x1xf32>
      %add3A_759 = arith.addf %mul3A_757, %slice3A_758 : vector<256x1xf32>
      %gt3A_760 = arith.constant 5.000000e-01 : f32
      %gt3A_761 = vector.broadcast %gt3A_760 : f32 to vector<256x1xf32>
      %gt3A_762 = arith.cmpf ogt, %slice3A_753, %gt3A_761 : vector<256x1xf32>
      %convert_element_type3A_763 = arith.fptosi %add3A_759 : vector<256x1xf32> to vector<256x1xi32>
      %jit3A_764 = arith.constant 0 : i32
      %broadcast_in_dim3A_765 = vector.broadcast %jit3A_764 : i32 to vector<256x1xi32>
      %select_n3A_766 = arith.select %gt3A_762, %convert_element_type3A_763, %broadcast_in_dim3A_765 : vector<256x1xi1>, vector<256x1xi32>
      %gt3A_767 = arith.constant 5.000000e-01 : f32
      %gt3A_768 = vector.broadcast %gt3A_767 : f32 to vector<256x1xf32>
      %gt3A_769 = arith.cmpf ogt, %slice3A_753, %gt3A_768 : vector<256x1xf32>
      %slice3A_770 = vector.extract_strided_slice %add3A_752 {offsets = [0, 3], sizes = [256, 1], strides = [1, 1]} : vector<256x128xf32> to vector<256x1xf32>
      %slice3A_771 = vector.extract_strided_slice %add3A_752 {offsets = [0, 4], sizes = [256, 1], strides = [1, 1]} : vector<256x128xf32> to vector<256x1xf32>
      %add3A_772 = arith.addf %slice3A_770, %slice3A_771 : vector<256x1xf32>
      %jit3A_773 = arith.constant 0.000000e+00 : f32
      %broadcast_in_dim3A_774 = vector.broadcast %jit3A_773 : f32 to vector<256x1xf32>
      %select_n3A_775 = arith.select %gt3A_769, %add3A_772, %broadcast_in_dim3A_774 : vector<256x1xi1>, vector<256x1xf32>
      %broadcast_in_dim3A_776 = vector.shape_cast %select_n3A_766 : vector<256x1xi32> to vector<256x1xi32>
      %broadcast_in_dim3A_777 = vector.broadcast %broadcast_in_dim3A_776 : vector<256x1xi32> to vector<256x128xi32>
      %swap3A_778 = arith.constant 1536 : index
      %swap3A_779 = arith.constant 0 : index
      %swap3A_780 = vector.load %arg3[%swap3A_778, %swap3A_779] : memref<2816x128xi32, #tpu.memory_space<vmem>>, vector<256x128xi32>
      tpu.vector_store %arg3[%swap3A_778, %swap3A_779], %broadcast_in_dim3A_777 {strides = array<i32>} : memref<2816x128xi32, #tpu.memory_space<vmem>>, vector<256x128xi32>,
      %broadcast_in_dim3A_781 = vector.shape_cast %select_n3A_775 : vector<256x1xf32> to vector<256x1xf32>
      %broadcast_in_dim3A_782 = vector.broadcast %broadcast_in_dim3A_781 : vector<256x1xf32> to vector<256x128xf32>
      %swap3A_783 = arith.constant 1536 : index
      %swap3A_784 = arith.constant 0 : index
      %swap3A_785 = vector.load %arg4[%swap3A_783, %swap3A_784] : memref<2816x128xf32, #tpu.memory_space<vmem>>, vector<256x128xf32>
      tpu.vector_store %arg4[%swap3A_783, %swap3A_784], %broadcast_in_dim3A_782 {strides = array<i32>} : memref<2816x128xf32, #tpu.memory_space<vmem>>, vector<256x128xf32>,
      %iota3A_786 = tpu.iota {dimensions = array<i32: 1>} : vector<2048x256xi32>
      %add3A_787 = arith.constant 1792 : i32
      %add3A_788 = vector.broadcast %add3A_787 : i32 to vector<2048x256xi32>
      %add3A_789 = arith.addi %iota3A_786, %add3A_788 : vector<2048x256xi32>
      %eq3A_790 = vector.broadcast %select_n3A_368 : vector<2048x1xi32> to vector<2048x256xi32>
      %eq3A_791 = arith.cmpi eq, %add3A_789, %eq3A_790 : vector<2048x256xi32>
      %convert_element_type3A_792 = arith.extui %eq3A_791 : vector<2048x256xi1> to vector<2048x256xi32>
      %convert_element_type3A_793 = arith.sitofp %convert_element_type3A_792 : vector<2048x256xi32> to vector<2048x256xf32>
      %eq3A_794 = vector.broadcast %select_n3A_371 : vector<2048x1xi32> to vector<2048x256xi32>
      %eq3A_795 = arith.cmpi eq, %add3A_789, %eq3A_794 : vector<2048x256xi32>
      %convert_element_type3A_796 = arith.extui %eq3A_795 : vector<2048x256xi1> to vector<2048x256xi32>
      %convert_element_type3A_797 = arith.sitofp %convert_element_type3A_796 : vector<2048x256xi32> to vector<2048x256xf32>
      %dot_general3A_798 = arith.constant dense<0.000000e+00> : vector<256x128xf32>
      %dot_general3A_799 = tpu.matmul %convert_element_type3A_793, %select_n3A_403, %dot_general3A_798 {dimension_numbers = #tpu.dot_dimension_numbers<[0], [0], [1], [1], [0, 1, 1, 1], [], []>, transpose_lhs_hint = false} : vector<2048x256xf32>, vector<2048x128xf32>, vector<256x128xf32> -> vector<256x128xf32>
      %dot_general3A_800 = arith.constant dense<0.000000e+00> : vector<256x128xf32>
      %dot_general3A_801 = tpu.matmul %convert_element_type3A_797, %select_n3A_435, %dot_general3A_800 {dimension_numbers = #tpu.dot_dimension_numbers<[0], [0], [1], [1], [0, 1, 1, 1], [], []>, transpose_lhs_hint = false} : vector<2048x256xf32>, vector<2048x128xf32>, vector<256x128xf32> -> vector<256x128xf32>
      %add3A_802 = arith.addf %dot_general3A_799, %dot_general3A_801 : vector<256x128xf32>
      %slice3A_803 = vector.extract_strided_slice %add3A_802 {offsets = [0, 2], sizes = [256, 1], strides = [1, 1]} : vector<256x128xf32> to vector<256x1xf32>
      %slice3A_804 = vector.extract_strided_slice %add3A_802 {offsets = [0, 0], sizes = [256, 1], strides = [1, 1]} : vector<256x128xf32> to vector<256x1xf32>
      %mul3A_805 = arith.constant 2.560000e+02 : f32
      %mul3A_806 = vector.broadcast %mul3A_805 : f32 to vector<256x1xf32>
      %mul3A_807 = arith.mulf %slice3A_804, %mul3A_806 : vector<256x1xf32>
      %slice3A_808 = vector.extract_strided_slice %add3A_802 {offsets = [0, 1], sizes = [256, 1], strides = [1, 1]} : vector<256x128xf32> to vector<256x1xf32>
      %add3A_809 = arith.addf %mul3A_807, %slice3A_808 : vector<256x1xf32>
      %gt3A_810 = arith.constant 5.000000e-01 : f32
      %gt3A_811 = vector.broadcast %gt3A_810 : f32 to vector<256x1xf32>
      %gt3A_812 = arith.cmpf ogt, %slice3A_803, %gt3A_811 : vector<256x1xf32>
      %convert_element_type3A_813 = arith.fptosi %add3A_809 : vector<256x1xf32> to vector<256x1xi32>
      %jit3A_814 = arith.constant 0 : i32
      %broadcast_in_dim3A_815 = vector.broadcast %jit3A_814 : i32 to vector<256x1xi32>
      %select_n3A_816 = arith.select %gt3A_812, %convert_element_type3A_813, %broadcast_in_dim3A_815 : vector<256x1xi1>, vector<256x1xi32>
      %gt3A_817 = arith.constant 5.000000e-01 : f32
      %gt3A_818 = vector.broadcast %gt3A_817 : f32 to vector<256x1xf32>
      %gt3A_819 = arith.cmpf ogt, %slice3A_803, %gt3A_818 : vector<256x1xf32>
      %slice3A_820 = vector.extract_strided_slice %add3A_802 {offsets = [0, 3], sizes = [256, 1], strides = [1, 1]} : vector<256x128xf32> to vector<256x1xf32>
      %slice3A_821 = vector.extract_strided_slice %add3A_802 {offsets = [0, 4], sizes = [256, 1], strides = [1, 1]} : vector<256x128xf32> to vector<256x1xf32>
      %add3A_822 = arith.addf %slice3A_820, %slice3A_821 : vector<256x1xf32>
      %jit3A_823 = arith.constant 0.000000e+00 : f32
      %broadcast_in_dim3A_824 = vector.broadcast %jit3A_823 : f32 to vector<256x1xf32>
      %select_n3A_825 = arith.select %gt3A_819, %add3A_822, %broadcast_in_dim3A_824 : vector<256x1xi1>, vector<256x1xf32>
      %broadcast_in_dim3A_826 = vector.shape_cast %select_n3A_816 : vector<256x1xi32> to vector<256x1xi32>
      %broadcast_in_dim3A_827 = vector.broadcast %broadcast_in_dim3A_826 : vector<256x1xi32> to vector<256x128xi32>
      %swap3A_828 = arith.constant 1792 : index
      %swap3A_829 = arith.constant 0 : index
      %swap3A_830 = vector.load %arg3[%swap3A_828, %swap3A_829] : memref<2816x128xi32, #tpu.memory_space<vmem>>, vector<256x128xi32>
      tpu.vector_store %arg3[%swap3A_828, %swap3A_829], %broadcast_in_dim3A_827 {strides = array<i32>} : memref<2816x128xi32, #tpu.memory_space<vmem>>, vector<256x128xi32>,
      %broadcast_in_dim3A_831 = vector.shape_cast %select_n3A_825 : vector<256x1xf32> to vector<256x1xf32>
      %broadcast_in_dim3A_832 = vector.broadcast %broadcast_in_dim3A_831 : vector<256x1xf32> to vector<256x128xf32>
      %swap3A_833 = arith.constant 1792 : index
      %swap3A_834 = arith.constant 0 : index
      %swap3A_835 = vector.load %arg4[%swap3A_833, %swap3A_834] : memref<2816x128xf32, #tpu.memory_space<vmem>>, vector<256x128xf32>
      tpu.vector_store %arg4[%swap3A_833, %swap3A_834], %broadcast_in_dim3A_832 {strides = array<i32>} : memref<2816x128xf32, #tpu.memory_space<vmem>>, vector<256x128xf32>,
      %iota3A_836 = tpu.iota {dimensions = array<i32: 1>} : vector<2048x256xi32>
      %add3A_837 = arith.constant 2048 : i32
      %add3A_838 = vector.broadcast %add3A_837 : i32 to vector<2048x256xi32>
      %add3A_839 = arith.addi %iota3A_836, %add3A_838 : vector<2048x256xi32>
      %eq3A_840 = vector.broadcast %select_n3A_368 : vector<2048x1xi32> to vector<2048x256xi32>
      %eq3A_841 = arith.cmpi eq, %add3A_839, %eq3A_840 : vector<2048x256xi32>
      %convert_element_type3A_842 = arith.extui %eq3A_841 : vector<2048x256xi1> to vector<2048x256xi32>
      %convert_element_type3A_843 = arith.sitofp %convert_element_type3A_842 : vector<2048x256xi32> to vector<2048x256xf32>
      %eq3A_844 = vector.broadcast %select_n3A_371 : vector<2048x1xi32> to vector<2048x256xi32>
      %eq3A_845 = arith.cmpi eq, %add3A_839, %eq3A_844 : vector<2048x256xi32>
      %convert_element_type3A_846 = arith.extui %eq3A_845 : vector<2048x256xi1> to vector<2048x256xi32>
      %convert_element_type3A_847 = arith.sitofp %convert_element_type3A_846 : vector<2048x256xi32> to vector<2048x256xf32>
      %dot_general3A_848 = arith.constant dense<0.000000e+00> : vector<256x128xf32>
      %dot_general3A_849 = tpu.matmul %convert_element_type3A_843, %select_n3A_403, %dot_general3A_848 {dimension_numbers = #tpu.dot_dimension_numbers<[0], [0], [1], [1], [0, 1, 1, 1], [], []>, transpose_lhs_hint = false} : vector<2048x256xf32>, vector<2048x128xf32>, vector<256x128xf32> -> vector<256x128xf32>
      %dot_general3A_850 = arith.constant dense<0.000000e+00> : vector<256x128xf32>
      %dot_general3A_851 = tpu.matmul %convert_element_type3A_847, %select_n3A_435, %dot_general3A_850 {dimension_numbers = #tpu.dot_dimension_numbers<[0], [0], [1], [1], [0, 1, 1, 1], [], []>, transpose_lhs_hint = false} : vector<2048x256xf32>, vector<2048x128xf32>, vector<256x128xf32> -> vector<256x128xf32>
      %add3A_852 = arith.addf %dot_general3A_849, %dot_general3A_851 : vector<256x128xf32>
      %slice3A_853 = vector.extract_strided_slice %add3A_852 {offsets = [0, 2], sizes = [256, 1], strides = [1, 1]} : vector<256x128xf32> to vector<256x1xf32>
      %slice3A_854 = vector.extract_strided_slice %add3A_852 {offsets = [0, 0], sizes = [256, 1], strides = [1, 1]} : vector<256x128xf32> to vector<256x1xf32>
      %mul3A_855 = arith.constant 2.560000e+02 : f32
      %mul3A_856 = vector.broadcast %mul3A_855 : f32 to vector<256x1xf32>
      %mul3A_857 = arith.mulf %slice3A_854, %mul3A_856 : vector<256x1xf32>
      %slice3A_858 = vector.extract_strided_slice %add3A_852 {offsets = [0, 1], sizes = [256, 1], strides = [1, 1]} : vector<256x128xf32> to vector<256x1xf32>
      %add3A_859 = arith.addf %mul3A_857, %slice3A_858 : vector<256x1xf32>
      %gt3A_860 = arith.constant 5.000000e-01 : f32
      %gt3A_861 = vector.broadcast %gt3A_860 : f32 to vector<256x1xf32>
      %gt3A_862 = arith.cmpf ogt, %slice3A_853, %gt3A_861 : vector<256x1xf32>
      %convert_element_type3A_863 = arith.fptosi %add3A_859 : vector<256x1xf32> to vector<256x1xi32>
      %jit3A_864 = arith.constant 0 : i32
      %broadcast_in_dim3A_865 = vector.broadcast %jit3A_864 : i32 to vector<256x1xi32>
      %select_n3A_866 = arith.select %gt3A_862, %convert_element_type3A_863, %broadcast_in_dim3A_865 : vector<256x1xi1>, vector<256x1xi32>
      %gt3A_867 = arith.constant 5.000000e-01 : f32
      %gt3A_868 = vector.broadcast %gt3A_867 : f32 to vector<256x1xf32>
      %gt3A_869 = arith.cmpf ogt, %slice3A_853, %gt3A_868 : vector<256x1xf32>
      %slice3A_870 = vector.extract_strided_slice %add3A_852 {offsets = [0, 3], sizes = [256, 1], strides = [1, 1]} : vector<256x128xf32> to vector<256x1xf32>
      %slice3A_871 = vector.extract_strided_slice %add3A_852 {offsets = [0, 4], sizes = [256, 1], strides = [1, 1]} : vector<256x128xf32> to vector<256x1xf32>
      %add3A_872 = arith.addf %slice3A_870, %slice3A_871 : vector<256x1xf32>
      %jit3A_873 = arith.constant 0.000000e+00 : f32
      %broadcast_in_dim3A_874 = vector.broadcast %jit3A_873 : f32 to vector<256x1xf32>
      %select_n3A_875 = arith.select %gt3A_869, %add3A_872, %broadcast_in_dim3A_874 : vector<256x1xi1>, vector<256x1xf32>
      %broadcast_in_dim3A_876 = vector.shape_cast %select_n3A_866 : vector<256x1xi32> to vector<256x1xi32>
      %broadcast_in_dim3A_877 = vector.broadcast %broadcast_in_dim3A_876 : vector<256x1xi32> to vector<256x128xi32>
      %swap3A_878 = arith.constant 2048 : index
      %swap3A_879 = arith.constant 0 : index
      %swap3A_880 = vector.load %arg3[%swap3A_878, %swap3A_879] : memref<2816x128xi32, #tpu.memory_space<vmem>>, vector<256x128xi32>
      tpu.vector_store %arg3[%swap3A_878, %swap3A_879], %broadcast_in_dim3A_877 {strides = array<i32>} : memref<2816x128xi32, #tpu.memory_space<vmem>>, vector<256x128xi32>,
      %broadcast_in_dim3A_881 = vector.shape_cast %select_n3A_875 : vector<256x1xf32> to vector<256x1xf32>
      %broadcast_in_dim3A_882 = vector.broadcast %broadcast_in_dim3A_881 : vector<256x1xf32> to vector<256x128xf32>
      %swap3A_883 = arith.constant 2048 : index
      %swap3A_884 = arith.constant 0 : index
      %swap3A_885 = vector.load %arg4[%swap3A_883, %swap3A_884] : memref<2816x128xf32, #tpu.memory_space<vmem>>, vector<256x128xf32>
      tpu.vector_store %arg4[%swap3A_883, %swap3A_884], %broadcast_in_dim3A_882 {strides = array<i32>} : memref<2816x128xf32, #tpu.memory_space<vmem>>, vector<256x128xf32>,
      %iota3A_886 = tpu.iota {dimensions = array<i32: 1>} : vector<2048x256xi32>
      %add3A_887 = arith.constant 2304 : i32
      %add3A_888 = vector.broadcast %add3A_887 : i32 to vector<2048x256xi32>
      %add3A_889 = arith.addi %iota3A_886, %add3A_888 : vector<2048x256xi32>
      %eq3A_890 = vector.broadcast %select_n3A_368 : vector<2048x1xi32> to vector<2048x256xi32>
      %eq3A_891 = arith.cmpi eq, %add3A_889, %eq3A_890 : vector<2048x256xi32>
      %convert_element_type3A_892 = arith.extui %eq3A_891 : vector<2048x256xi1> to vector<2048x256xi32>
      %convert_element_type3A_893 = arith.sitofp %convert_element_type3A_892 : vector<2048x256xi32> to vector<2048x256xf32>
      %eq3A_894 = vector.broadcast %select_n3A_371 : vector<2048x1xi32> to vector<2048x256xi32>
      %eq3A_895 = arith.cmpi eq, %add3A_889, %eq3A_894 : vector<2048x256xi32>
      %convert_element_type3A_896 = arith.extui %eq3A_895 : vector<2048x256xi1> to vector<2048x256xi32>
      %convert_element_type3A_897 = arith.sitofp %convert_element_type3A_896 : vector<2048x256xi32> to vector<2048x256xf32>
      %dot_general3A_898 = arith.constant dense<0.000000e+00> : vector<256x128xf32>
      %dot_general3A_899 = tpu.matmul %convert_element_type3A_893, %select_n3A_403, %dot_general3A_898 {dimension_numbers = #tpu.dot_dimension_numbers<[0], [0], [1], [1], [0, 1, 1, 1], [], []>, transpose_lhs_hint = false} : vector<2048x256xf32>, vector<2048x128xf32>, vector<256x128xf32> -> vector<256x128xf32>
      %dot_general3A_900 = arith.constant dense<0.000000e+00> : vector<256x128xf32>
      %dot_general3A_901 = tpu.matmul %convert_element_type3A_897, %select_n3A_435, %dot_general3A_900 {dimension_numbers = #tpu.dot_dimension_numbers<[0], [0], [1], [1], [0, 1, 1, 1], [], []>, transpose_lhs_hint = false} : vector<2048x256xf32>, vector<2048x128xf32>, vector<256x128xf32> -> vector<256x128xf32>
      %add3A_902 = arith.addf %dot_general3A_899, %dot_general3A_901 : vector<256x128xf32>
      %slice3A_903 = vector.extract_strided_slice %add3A_902 {offsets = [0, 2], sizes = [256, 1], strides = [1, 1]} : vector<256x128xf32> to vector<256x1xf32>
      %slice3A_904 = vector.extract_strided_slice %add3A_902 {offsets = [0, 0], sizes = [256, 1], strides = [1, 1]} : vector<256x128xf32> to vector<256x1xf32>
      %mul3A_905 = arith.constant 2.560000e+02 : f32
      %mul3A_906 = vector.broadcast %mul3A_905 : f32 to vector<256x1xf32>
      %mul3A_907 = arith.mulf %slice3A_904, %mul3A_906 : vector<256x1xf32>
      %slice3A_908 = vector.extract_strided_slice %add3A_902 {offsets = [0, 1], sizes = [256, 1], strides = [1, 1]} : vector<256x128xf32> to vector<256x1xf32>
      %add3A_909 = arith.addf %mul3A_907, %slice3A_908 : vector<256x1xf32>
      %gt3A_910 = arith.constant 5.000000e-01 : f32
      %gt3A_911 = vector.broadcast %gt3A_910 : f32 to vector<256x1xf32>
      %gt3A_912 = arith.cmpf ogt, %slice3A_903, %gt3A_911 : vector<256x1xf32>
      %convert_element_type3A_913 = arith.fptosi %add3A_909 : vector<256x1xf32> to vector<256x1xi32>
      %jit3A_914 = arith.constant 0 : i32
      %broadcast_in_dim3A_915 = vector.broadcast %jit3A_914 : i32 to vector<256x1xi32>
      %select_n3A_916 = arith.select %gt3A_912, %convert_element_type3A_913, %broadcast_in_dim3A_915 : vector<256x1xi1>, vector<256x1xi32>
      %gt3A_917 = arith.constant 5.000000e-01 : f32
      %gt3A_918 = vector.broadcast %gt3A_917 : f32 to vector<256x1xf32>
      %gt3A_919 = arith.cmpf ogt, %slice3A_903, %gt3A_918 : vector<256x1xf32>
      %slice3A_920 = vector.extract_strided_slice %add3A_902 {offsets = [0, 3], sizes = [256, 1], strides = [1, 1]} : vector<256x128xf32> to vector<256x1xf32>
      %slice3A_921 = vector.extract_strided_slice %add3A_902 {offsets = [0, 4], sizes = [256, 1], strides = [1, 1]} : vector<256x128xf32> to vector<256x1xf32>
      %add3A_922 = arith.addf %slice3A_920, %slice3A_921 : vector<256x1xf32>
      %jit3A_923 = arith.constant 0.000000e+00 : f32
      %broadcast_in_dim3A_924 = vector.broadcast %jit3A_923 : f32 to vector<256x1xf32>
      %select_n3A_925 = arith.select %gt3A_919, %add3A_922, %broadcast_in_dim3A_924 : vector<256x1xi1>, vector<256x1xf32>
      %broadcast_in_dim3A_926 = vector.shape_cast %select_n3A_916 : vector<256x1xi32> to vector<256x1xi32>
      %broadcast_in_dim3A_927 = vector.broadcast %broadcast_in_dim3A_926 : vector<256x1xi32> to vector<256x128xi32>
      %swap3A_928 = arith.constant 2304 : index
      %swap3A_929 = arith.constant 0 : index
      %swap3A_930 = vector.load %arg3[%swap3A_928, %swap3A_929] : memref<2816x128xi32, #tpu.memory_space<vmem>>, vector<256x128xi32>
      tpu.vector_store %arg3[%swap3A_928, %swap3A_929], %broadcast_in_dim3A_927 {strides = array<i32>} : memref<2816x128xi32, #tpu.memory_space<vmem>>, vector<256x128xi32>,
      %broadcast_in_dim3A_931 = vector.shape_cast %select_n3A_925 : vector<256x1xf32> to vector<256x1xf32>
      %broadcast_in_dim3A_932 = vector.broadcast %broadcast_in_dim3A_931 : vector<256x1xf32> to vector<256x128xf32>
      %swap3A_933 = arith.constant 2304 : index
      %swap3A_934 = arith.constant 0 : index
      %swap3A_935 = vector.load %arg4[%swap3A_933, %swap3A_934] : memref<2816x128xf32, #tpu.memory_space<vmem>>, vector<256x128xf32>
      tpu.vector_store %arg4[%swap3A_933, %swap3A_934], %broadcast_in_dim3A_932 {strides = array<i32>} : memref<2816x128xf32, #tpu.memory_space<vmem>>, vector<256x128xf32>,
      %iota3A_936 = tpu.iota {dimensions = array<i32: 1>} : vector<2048x256xi32>
      %add3A_937 = arith.constant 2560 : i32
      %add3A_938 = vector.broadcast %add3A_937 : i32 to vector<2048x256xi32>
      %add3A_939 = arith.addi %iota3A_936, %add3A_938 : vector<2048x256xi32>
      %eq3A_940 = vector.broadcast %select_n3A_368 : vector<2048x1xi32> to vector<2048x256xi32>
      %eq3A_941 = arith.cmpi eq, %add3A_939, %eq3A_940 : vector<2048x256xi32>
      %convert_element_type3A_942 = arith.extui %eq3A_941 : vector<2048x256xi1> to vector<2048x256xi32>
      %convert_element_type3A_943 = arith.sitofp %convert_element_type3A_942 : vector<2048x256xi32> to vector<2048x256xf32>
      %eq3A_944 = vector.broadcast %select_n3A_371 : vector<2048x1xi32> to vector<2048x256xi32>
      %eq3A_945 = arith.cmpi eq, %add3A_939, %eq3A_944 : vector<2048x256xi32>
      %convert_element_type3A_946 = arith.extui %eq3A_945 : vector<2048x256xi1> to vector<2048x256xi32>
      %convert_element_type3A_947 = arith.sitofp %convert_element_type3A_946 : vector<2048x256xi32> to vector<2048x256xf32>
      %dot_general3A_948 = arith.constant dense<0.000000e+00> : vector<256x128xf32>
      %dot_general3A_949 = tpu.matmul %convert_element_type3A_943, %select_n3A_403, %dot_general3A_948 {dimension_numbers = #tpu.dot_dimension_numbers<[0], [0], [1], [1], [0, 1, 1, 1], [], []>, transpose_lhs_hint = false} : vector<2048x256xf32>, vector<2048x128xf32>, vector<256x128xf32> -> vector<256x128xf32>
      %dot_general3A_950 = arith.constant dense<0.000000e+00> : vector<256x128xf32>
      %dot_general3A_951 = tpu.matmul %convert_element_type3A_947, %select_n3A_435, %dot_general3A_950 {dimension_numbers = #tpu.dot_dimension_numbers<[0], [0], [1], [1], [0, 1, 1, 1], [], []>, transpose_lhs_hint = false} : vector<2048x256xf32>, vector<2048x128xf32>, vector<256x128xf32> -> vector<256x128xf32>
      %add3A_952 = arith.addf %dot_general3A_949, %dot_general3A_951 : vector<256x128xf32>
      %slice3A_953 = vector.extract_strided_slice %add3A_952 {offsets = [0, 2], sizes = [256, 1], strides = [1, 1]} : vector<256x128xf32> to vector<256x1xf32>
      %slice3A_954 = vector.extract_strided_slice %add3A_952 {offsets = [0, 0], sizes = [256, 1], strides = [1, 1]} : vector<256x128xf32> to vector<256x1xf32>
      %mul3A_955 = arith.constant 2.560000e+02 : f32
      %mul3A_956 = vector.broadcast %mul3A_955 : f32 to vector<256x1xf32>
      %mul3A_957 = arith.mulf %slice3A_954, %mul3A_956 : vector<256x1xf32>
      %slice3A_958 = vector.extract_strided_slice %add3A_952 {offsets = [0, 1], sizes = [256, 1], strides = [1, 1]} : vector<256x128xf32> to vector<256x1xf32>
      %add3A_959 = arith.addf %mul3A_957, %slice3A_958 : vector<256x1xf32>
      %gt3A_960 = arith.constant 5.000000e-01 : f32
      %gt3A_961 = vector.broadcast %gt3A_960 : f32 to vector<256x1xf32>
      %gt3A_962 = arith.cmpf ogt, %slice3A_953, %gt3A_961 : vector<256x1xf32>
      %convert_element_type3A_963 = arith.fptosi %add3A_959 : vector<256x1xf32> to vector<256x1xi32>
      %jit3A_964 = arith.constant 0 : i32
      %broadcast_in_dim3A_965 = vector.broadcast %jit3A_964 : i32 to vector<256x1xi32>
      %select_n3A_966 = arith.select %gt3A_962, %convert_element_type3A_963, %broadcast_in_dim3A_965 : vector<256x1xi1>, vector<256x1xi32>
      %gt3A_967 = arith.constant 5.000000e-01 : f32
      %gt3A_968 = vector.broadcast %gt3A_967 : f32 to vector<256x1xf32>
      %gt3A_969 = arith.cmpf ogt, %slice3A_953, %gt3A_968 : vector<256x1xf32>
      %slice3A_970 = vector.extract_strided_slice %add3A_952 {offsets = [0, 3], sizes = [256, 1], strides = [1, 1]} : vector<256x128xf32> to vector<256x1xf32>
      %slice3A_971 = vector.extract_strided_slice %add3A_952 {offsets = [0, 4], sizes = [256, 1], strides = [1, 1]} : vector<256x128xf32> to vector<256x1xf32>
      %add3A_972 = arith.addf %slice3A_970, %slice3A_971 : vector<256x1xf32>
      %jit3A_973 = arith.constant 0.000000e+00 : f32
      %broadcast_in_dim3A_974 = vector.broadcast %jit3A_973 : f32 to vector<256x1xf32>
      %select_n3A_975 = arith.select %gt3A_969, %add3A_972, %broadcast_in_dim3A_974 : vector<256x1xi1>, vector<256x1xf32>
      %broadcast_in_dim3A_976 = vector.shape_cast %select_n3A_966 : vector<256x1xi32> to vector<256x1xi32>
      %broadcast_in_dim3A_977 = vector.broadcast %broadcast_in_dim3A_976 : vector<256x1xi32> to vector<256x128xi32>
      %swap3A_978 = arith.constant 2560 : index
      %swap3A_979 = arith.constant 0 : index
      %swap3A_980 = vector.load %arg3[%swap3A_978, %swap3A_979] : memref<2816x128xi32, #tpu.memory_space<vmem>>, vector<256x128xi32>
      tpu.vector_store %arg3[%swap3A_978, %swap3A_979], %broadcast_in_dim3A_977 {strides = array<i32>} : memref<2816x128xi32, #tpu.memory_space<vmem>>, vector<256x128xi32>,
      %broadcast_in_dim3A_981 = vector.shape_cast %select_n3A_975 : vector<256x1xf32> to vector<256x1xf32>
      %broadcast_in_dim3A_982 = vector.broadcast %broadcast_in_dim3A_981 : vector<256x1xf32> to vector<256x128xf32>
      %swap3A_983 = arith.constant 2560 : index
      %swap3A_984 = arith.constant 0 : index
      %swap3A_985 = vector.load %arg4[%swap3A_983, %swap3A_984] : memref<2816x128xf32, #tpu.memory_space<vmem>>, vector<256x128xf32>
      tpu.vector_store %arg4[%swap3A_983, %swap3A_984], %broadcast_in_dim3A_982 {strides = array<i32>} : memref<2816x128xf32, #tpu.memory_space<vmem>>, vector<256x128xf32>,
      %get3A_986 = arith.constant 0 : index
      %get3A_987 = arith.constant 0 : index
      %get3A_988 = vector.load %arg10[%get3A_986, %get3A_987] : memref<1x128xf32, #tpu.memory_space<vmem>>, vector<1x128xf32>
      %div3A_989 = arith.constant 2.048000e+03 : f32
      %div3A_990 = vector.broadcast %div3A_989 : f32 to vector<1x128xf32>
      %div3A_991 = arith.divf %get3A_988, %div3A_990 : vector<1x128xf32>
      %div3A_992 = arith.constant 4.096000e+03 : f32
      %div3A_993 = vector.broadcast %div3A_992 : f32 to vector<1x128xf32>
      %div3A_994 = arith.divf %add3A_250, %div3A_993 : vector<1x128xf32>
      %mul3A_995 = arith.mulf %div3A_994, %div3A_991 : vector<1x128xf32>
      %reduce_sum3A_996 = arith.constant dense<0.000000e+00> : vector<1xf32>
      %reduce_sum3A_997 = vector.multi_reduction <add>, %mul3A_995, %reduce_sum3A_996 [1] : vector<1x128xf32> to vector<1xf32>
      %broadcast_in_dim3A_998 = vector.shape_cast %reduce_sum3A_997 : vector<1xf32> to vector<1x1xf32>
      %mul3A_999 = arith.constant 8.000000e+00 : f32
      %mul3A_1000 = vector.broadcast %mul3A_999 : f32 to vector<1x1xf32>
      %mul3A_1001 = arith.mulf %mul3A_1000, %broadcast_in_dim3A_998 : vector<1x1xf32>
      %mul3A_1002 = arith.constant 0.00999999977 : f32
      %mul3A_1003 = vector.broadcast %mul3A_1002 : f32 to vector<1x1xf32>
      %mul3A_1004 = arith.mulf %mul3A_1001, %mul3A_1003 : vector<1x1xf32>
      %broadcast_in_dim3A_1005 = vector.shape_cast %mul3A_1004 : vector<1x1xf32> to vector<1x1xf32>
      %broadcast_in_dim3A_1006 = vector.broadcast %broadcast_in_dim3A_1005 : vector<1x1xf32> to vector<8x128xf32>
      %swap3A_1007 = arith.constant 0 : index
      %swap3A_1008 = arith.constant 0 : index
      %swap3A_1009 = vector.load %arg7[%swap3A_1007, %swap3A_1008] : memref<8x128xf32, #tpu.memory_space<vmem>>, vector<8x128xf32>
      tpu.vector_store %arg7[%swap3A_1007, %swap3A_1008], %broadcast_in_dim3A_1006 {strides = array<i32>} : memref<8x128xf32, #tpu.memory_space<vmem>>, vector<8x128xf32>,
    } else {
    }
    return
  }
  func.func @transform_0(%arg0: i32) -> (i32, i32) {
    %c0_i32 = arith.constant 0 : i32
    %c0_i32_0 = arith.constant 0 : i32
    return %arg0, %c0_i32 : i32, i32
  }
  func.func @transform_1(%arg0: i32) -> (i32, i32) {
    %c0_i32 = arith.constant 0 : i32
    %c0_i32_0 = arith.constant 0 : i32
    %c0_i32_1 = arith.constant 0 : i32
    return %c0_i32, %c0_i32_0 : i32, i32
  }
  func.func @transform_2(%arg0: i32) -> (i32, i32) {
    %c0_i32 = arith.constant 0 : i32
    %c0_i32_0 = arith.constant 0 : i32
    %c0_i32_1 = arith.constant 0 : i32
    return %c0_i32, %c0_i32_0 : i32, i32
  }
  func.func @transform_3(%arg0: i32) -> (i32, i32) {
    %c0_i32 = arith.constant 0 : i32
    %c0_i32_0 = arith.constant 0 : i32
    %c0_i32_1 = arith.constant 0 : i32
    return %c0_i32, %c0_i32_0 : i32, i32
  }
  func.func @transform_4(%arg0: i32) -> (i32, i32) {
    %c0_i32 = arith.constant 0 : i32
    %c0_i32_0 = arith.constant 0 : i32
    %c0_i32_1 = arith.constant 0 : i32
    return %c0_i32, %c0_i32_0 : i32, i32
  }
  func.func @transform_5(%arg0: i32) -> (i32, i32) {
    %c0_i32 = arith.constant 0 : i32
    %c0_i32_0 = arith.constant 0 : i32
    %c0_i32_1 = arith.constant 0 : i32
    return %c0_i32, %c0_i32_0 : i32, i32
  }
  func.func @transform_6(%arg0: i32) -> (i32, i32) {
    %c0_i32 = arith.constant 0 : i32
    %c0_i32_0 = arith.constant 0 : i32
    %c0_i32_1 = arith.constant 0 : i32
    return %c0_i32, %c0_i32_0 : i32, i32
  }
}

module attributes {stable_mosaic.version = 14 : i64} {
  func.func @_ffn_body(%arg0: i32, %arg1: i32, %arg2: memref<352x1024xf32, #tpu.memory_space<vmem>>, %arg3: memref<1x1024x512xf32, #tpu.memory_space<vmem>>, %arg4: memref<1x1024x512xf32, #tpu.memory_space<vmem>>, %arg5: memref<1x512x1024xf32, #tpu.memory_space<vmem>>, %arg6: memref<352x1xf32, #tpu.memory_space<vmem>>, %arg7: memref<352x1024xf32, #tpu.memory_space<vmem>>, %arg8: memref<352x1024xf32, #tpu.memory_space<vmem>>) attributes {dimension_semantics = [#tpu.dimension_semantics<arbitrary>, #tpu.dimension_semantics<arbitrary>], iteration_bounds = array<i64: 8, 8>, scalar_prefetch = 0 : i64, scratch_operands = 1 : i64, tpu.core_type = #tpu.core_type<tc>, window_params = [{transform_indices = @transform_0, window_bounds = array<i64: 352, 1024>}, {transform_indices = @transform_1, window_bounds = array<i64: 1, 1024, 512>}, {transform_indices = @transform_2, window_bounds = array<i64: 1, 1024, 512>}, {transform_indices = @transform_3, window_bounds = array<i64: 1, 512, 1024>}, {transform_indices = @transform_4, window_bounds = array<i64: 352, 1>}, {transform_indices = @transform_5, window_bounds = array<i64: 352, 1024>}]} {
    %get3A = arith.constant 0 : index
    %get3A_0 = arith.constant 0 : index
    %get3A_1 = vector.load %arg2[%get3A, %get3A_0] : memref<352x1024xf32, #tpu.memory_space<vmem>>, vector<352x1024xf32>
    %get3A_2 = arith.constant 0 : index
    %get3A_3 = arith.constant 0 : index
    %get3A_4 = arith.constant 0 : index
    %get3A_5 = vector.load %arg3[%get3A_2, %get3A_3, %get3A_4] : memref<1x1024x512xf32, #tpu.memory_space<vmem>>, vector<1x1024x512xf32>
    %get3A_6 = vector.shape_cast %get3A_5 : vector<1x1024x512xf32> to vector<1024x512xf32>
    %dot_general3A = arith.constant dense<0.000000e+00> : vector<352x512xf32>
    %dot_general3A_7 = tpu.matmul %get3A_1, %get3A_6, %dot_general3A {dimension_numbers = #tpu.dot_dimension_numbers<[1], [0], [0], [1], [0, 0, 1, 1], [], []>, transpose_lhs_hint = false} : vector<352x1024xf32>, vector<1024x512xf32>, vector<352x512xf32> -> vector<352x512xf32>
    %get3A_8 = arith.constant 0 : index
    %get3A_9 = arith.constant 0 : index
    %get3A_10 = arith.constant 0 : index
    %get3A_11 = vector.load %arg4[%get3A_8, %get3A_9, %get3A_10] : memref<1x1024x512xf32, #tpu.memory_space<vmem>>, vector<1x1024x512xf32>
    %get3A_12 = vector.shape_cast %get3A_11 : vector<1x1024x512xf32> to vector<1024x512xf32>
    %dot_general3A_13 = arith.constant dense<0.000000e+00> : vector<352x512xf32>
    %dot_general3A_14 = tpu.matmul %get3A_1, %get3A_12, %dot_general3A_13 {dimension_numbers = #tpu.dot_dimension_numbers<[1], [0], [0], [1], [0, 0, 1, 1], [], []>, transpose_lhs_hint = false} : vector<352x1024xf32>, vector<1024x512xf32>, vector<352x512xf32> -> vector<352x512xf32>
    %logistic3A = arith.negf %dot_general3A_7 : vector<352x512xf32>
    %logistic3A_15 = math.exp %logistic3A : vector<352x512xf32>
    %logistic3A_16 = arith.constant 1.000000e+00 : f32
    %logistic3A_17 = vector.broadcast %logistic3A_16 : f32 to vector<352x512xf32>
    %logistic3A_18 = arith.addf %logistic3A_17, %logistic3A_15 : vector<352x512xf32>
    %logistic3A_19 = arith.divf %logistic3A_17, %logistic3A_18 : vector<352x512xf32>
    %mul3A = arith.mulf %dot_general3A_7, %logistic3A_19 : vector<352x512xf32>
    %mul3A_20 = arith.mulf %mul3A, %dot_general3A_14 : vector<352x512xf32>
    %get3A_21 = arith.constant 0 : index
    %get3A_22 = arith.constant 0 : index
    %get3A_23 = arith.constant 0 : index
    %get3A_24 = vector.load %arg5[%get3A_21, %get3A_22, %get3A_23] : memref<1x512x1024xf32, #tpu.memory_space<vmem>>, vector<1x512x1024xf32>
    %get3A_25 = vector.shape_cast %get3A_24 : vector<1x512x1024xf32> to vector<512x1024xf32>
    %dot_general3A_26 = arith.constant dense<0.000000e+00> : vector<352x1024xf32>
    %dot_general3A_27 = tpu.matmul %mul3A_20, %get3A_25, %dot_general3A_26 {dimension_numbers = #tpu.dot_dimension_numbers<[1], [0], [0], [1], [0, 0, 1, 1], [], []>, transpose_lhs_hint = false} : vector<352x512xf32>, vector<512x1024xf32>, vector<352x1024xf32> -> vector<352x1024xf32>
    %eq3A = arith.constant 0 : i32
    %eq3A_28 = arith.cmpi eq, %arg1, %eq3A : i32
    %convert_element_type3A = arith.extui %eq3A_28 : i1 to i32
    %cond3A = arith.constant 0 : i32
    %cond3A_29 = arith.cmpi ne, %convert_element_type3A, %cond3A : i32
    scf.if %cond3A_29 {
      %swap3A = arith.constant 0 : index
      %swap3A_39 = arith.constant 0 : index
      %swap3A_40 = vector.load %arg8[%swap3A, %swap3A_39] : memref<352x1024xf32, #tpu.memory_space<vmem>>, vector<352x1024xf32>
      tpu.vector_store %arg8[%swap3A, %swap3A_39], %dot_general3A_27 {strides = array<i32>} : memref<352x1024xf32, #tpu.memory_space<vmem>>, vector<352x1024xf32>,
    } else {
    }
    %gt3A = arith.constant 0 : i32
    %gt3A_30 = arith.cmpi sgt, %arg1, %gt3A : i32
    %convert_element_type3A_31 = arith.extui %gt3A_30 : i1 to i32
    %cond3A_32 = arith.constant 0 : i32
    %cond3A_33 = arith.cmpi ne, %convert_element_type3A_31, %cond3A_32 : i32
    scf.if %cond3A_33 {
      %get3A_39 = arith.constant 0 : index
      %get3A_40 = arith.constant 0 : index
      %get3A_41 = vector.load %arg8[%get3A_39, %get3A_40] : memref<352x1024xf32, #tpu.memory_space<vmem>>, vector<352x1024xf32>
      %add3A = arith.addf %get3A_41, %dot_general3A_27 : vector<352x1024xf32>
      %swap3A = arith.constant 0 : index
      %swap3A_42 = arith.constant 0 : index
      %swap3A_43 = vector.load %arg8[%swap3A, %swap3A_42] : memref<352x1024xf32, #tpu.memory_space<vmem>>, vector<352x1024xf32>
      tpu.vector_store %arg8[%swap3A, %swap3A_42], %add3A {strides = array<i32>} : memref<352x1024xf32, #tpu.memory_space<vmem>>, vector<352x1024xf32>,
    } else {
    }
    %eq3A_34 = arith.constant 7 : i32
    %eq3A_35 = arith.cmpi eq, %arg1, %eq3A_34 : i32
    %convert_element_type3A_36 = arith.extui %eq3A_35 : i1 to i32
    %cond3A_37 = arith.constant 0 : i32
    %cond3A_38 = arith.cmpi ne, %convert_element_type3A_36, %cond3A_37 : i32
    scf.if %cond3A_38 {
      %get3A_39 = arith.constant 0 : index
      %get3A_40 = arith.constant 0 : index
      %get3A_41 = vector.load %arg8[%get3A_39, %get3A_40] : memref<352x1024xf32, #tpu.memory_space<vmem>>, vector<352x1024xf32>
      %get3A_42 = arith.constant 0 : index
      %get3A_43 = arith.constant 0 : index
      %get3A_44 = vector.load %arg6[%get3A_42, %get3A_43] : memref<352x1xf32, #tpu.memory_space<vmem>>, vector<352x1xf32>
      %mul3A_45 = vector.broadcast %get3A_44 : vector<352x1xf32> to vector<352x1024xf32>
      %mul3A_46 = arith.mulf %get3A_41, %mul3A_45 : vector<352x1024xf32>
      %swap3A = arith.constant 0 : index
      %swap3A_47 = arith.constant 0 : index
      %swap3A_48 = vector.load %arg7[%swap3A, %swap3A_47] : memref<352x1024xf32, #tpu.memory_space<vmem>>, vector<352x1024xf32>
      tpu.vector_store %arg7[%swap3A, %swap3A_47], %mul3A_46 {strides = array<i32>} : memref<352x1024xf32, #tpu.memory_space<vmem>>, vector<352x1024xf32>,
    } else {
    }
    return
  }
  func.func @transform_0(%arg0: i32, %arg1: i32) -> (i32, i32) {
    %c0_i32 = arith.constant 0 : i32
    %c0_i32_0 = arith.constant 0 : i32
    return %arg0, %c0_i32 : i32, i32
  }
  func.func @transform_1(%arg0: i32, %arg1: i32) -> (i32, i32, i32) {
    %c0_i32 = arith.constant 0 : i32
    %c0_i32_0 = arith.constant 0 : i32
    return %arg0, %c0_i32, %arg1 : i32, i32, i32
  }
  func.func @transform_2(%arg0: i32, %arg1: i32) -> (i32, i32, i32) {
    %c0_i32 = arith.constant 0 : i32
    %c0_i32_0 = arith.constant 0 : i32
    return %arg0, %c0_i32, %arg1 : i32, i32, i32
  }
  func.func @transform_3(%arg0: i32, %arg1: i32) -> (i32, i32, i32) {
    %c0_i32 = arith.constant 0 : i32
    %c0_i32_0 = arith.constant 0 : i32
    return %arg0, %arg1, %c0_i32 : i32, i32, i32
  }
  func.func @transform_4(%arg0: i32, %arg1: i32) -> (i32, i32) {
    %c0_i32 = arith.constant 0 : i32
    %c0_i32_0 = arith.constant 0 : i32
    return %arg0, %c0_i32 : i32, i32
  }
  func.func @transform_5(%arg0: i32, %arg1: i32) -> (i32, i32) {
    %c0_i32 = arith.constant 0 : i32
    %c0_i32_0 = arith.constant 0 : i32
    return %arg0, %c0_i32 : i32, i32
  }
}

</mosaic_0001>

<sc_bundles>
// kernel: kernel.6.cloned.1.call-start
scs
__scs_entry_jumppad:
0x0: {  	(pc) =	sbr.rel $0x88, $3  }
0x1: {  	(tag) =	ssettag $0x0;
	lr =	simm.s32 $0x1  }
0x2: {  	[smem:$0x3F9C] =	sst lr;
	_ =	strace $0xD0000000  }
0x3: {  	_ = 	snop  }
0x4: {  	_ = 	snop  }
0x5: {  	_ = 	snop  }
0x6: {  	_ = 	snop  }
0x7: {  	_ = 	snop  }
__scs_overlays_trampoline_lowered:
0x8: {  	[smem:$0x3FAB] =	sst s0  }
0x9: {  	[smem:$0x3FAC] =	sst s1  }
0xa: {  	[smem:$0x3FAD] =	sst s2  }
0xb: {  	[smem:$0x3FAE] =	sst s3  }
0xc: {  	[smem:$0x3FAF] =	sst s4  }
0xd: {  	[smem:$0x3FB0] =	sst s5  }
0xe: {  	[smem:$0x3FB1] =	sst s6  }
0xf: {  	[smem:$0x3FB2] =	sst s7  }
0x10: {  	[smem:$0x3FB3] =	sst s8  }
0x11: {  	[smem:$0x3FB4] =	sst s9;
	s0 =	simm.s32 @!p0 $0x0  }
0x12: {  	s1 =	sld [smem:$0x3F9A];
	s0 =	simm.s32 @p0 $0x1  }
0x13: {  	[smem:$0x3FB5] =	sst s0;
	s0 =	simm.s32 @!p1 $0x0  }
0x14: {  	s2 =	sld [smem:$0x3F99];
	s0 =	simm.s32 @p1 $0x1  }
0x15: {  	[smem:$0x3FB6] =	sst s0;
	s0 =	simm.s32 @!p2 $0x0  }
0x16: {  	s3 =	sld [smem:$0x3FDB];
	s0 =	simm.s32 @p2 $0x1  }
0x17: {  	s4 =	simm.s32 $0x1BF5;
	[smem:$0x3FB8] =	sst s0  }
0x18: {  	s0 =	sld [smem:$0x3F9B];
	_ =	swait.ge [sflag:s4], $0x0  }
0x19: {  	s7 =	sld [smem:$0x3F9C]  }
0x1a: {  	s8 =	sadd.s32 $0xFFFFE003, lr  }
0x1b: {  	s9 =	sadd.s32 $0xFFFFFEF7, lr;
	s5 =	simm.s32 $0xFFFFFFFF;
	p2 =	slt.u32 s8, $0xFFFFF086  }
0x1c: {  	p1 =	slt.u32 s9, $0xF7A;
	s5 =	simm.s32 @!p2 $0x0  }
0x1d: {  	s5 =	simm.s32 @p1 $0x1;
	p0 =	seq.s32 s7, s2  }
0x1e: {  	s7 =	smul.u32 @!p0 $0xF7A, s2;
	p2 =	seq.s32 @!p0 s5, $0x0  }
0x1f: {  	s9 =	smul.u32 $0xF7A, s1;
	s8 =	simm.s32 @!p0 $0x1BF5;
	p2 =	por !p2, p0  }
0x20: {  	[sflag:s8] =	ssyncset.s32 @!p0 $0xFFFFF086;
	s6 =	sadd.s32 @!p0 s3, s7;
	s7 =	simm.s32 @!p0 $0x108  }
0x21: {  	s3 =	sadd.s32 s3, s9;
	s6 =	sadd.s32 @!p0 $0x88, s6;
	s7 =	simm.s32 @p2 $0x1082  }
0x22: {  	[simem:s7], [sflag:s8] =	dma.local @!p0 [hbm:s6], $0xF7A  }
0x23: {  	s9 =	sor.u32 $0xD0000000, s2;
	s6 =	simm.s32 $0x108;
	_ =	swait.ge @!p0 [sflag:s8], $0x0  }
0x24: {  	s3 =	sadd.s32 $0x88, s3;
	s6 =	simm.s32 @!p1 $0x1082;
	[sflag:s4] =	ssyncset.s32 $0xFFFFF086  }
0x25: {  	[simem:s6], [sflag:s4] =	dma.local [hbm:s3], $0xF7A  }
0x26: {  	[smem:$0x3F9C] =	sst s1;
	(tag) =	ssettag s2;
	_ =	strace s9  }
0x27: {  	s1 =	sld [smem:$0x3FAC]  }
0x28: {  	s2 =	sld [smem:$0x3FAD]  }
0x29: {  	s4 =	sld [smem:$0x3FAF]  }
0x2a: {  	p0 =	seq.s32 s5, $0x0;
	s5 =	sld [smem:$0x3FB0]  }
0x2b: {  	s6 =	sld [smem:$0x3FB1]  }
0x2c: {  	s7 =	sld [smem:$0x3FB2]  }
0x2d: {  	s3 =	simm.s32 $0x108;
	s8 =	sld [smem:$0x3FB3]  }
0x2e: {  	s3 =	simm.s32 @!p0 $0x1082;
	s9 =	sld [smem:$0x3FB4]  }
0x2f: {  	lr =	sadd.s32 s0, s3;
	s0 =	sld [smem:$0x3FAB]  }
0x30: {  	s3 =	sld [smem:$0x3FAE]  }
0x31: {  	[smem:$0x3FB7] =	sst s10  }
0x32: {  	s10 =	sld [smem:$0x3FB5];
	_ =	sdelay $0x3  }
0x33: {  	p0 =	seq.s32 s10, $0x1;
	s10 =	sld [smem:$0x3FB7];
	_ =	sdelay $0x3  }
0x34: {  	[smem:$0x3FB7] =	sst s10  }
0x35: {  	s10 =	sld [smem:$0x3FB6];
	_ =	sdelay $0x3  }
0x36: {  	p1 =	seq.s32 s10, $0x1;
	s10 =	sld [smem:$0x3FB7];
	_ =	sdelay $0x3  }
0x37: {  	[smem:$0x3FB7] =	sst s10  }
0x38: {  	s10 =	sld [smem:$0x3FB8]  }
0x39: {  	_ = 	snop;
	(pc) =	sbr.ind lr, $3  }
0x3a: {  	_ = 	snop  }
0x3b: {  	_ = 	snop  }
0x3c: {  	p2 =	seq.s32 s10, $0x1;
	s10 =	sld [smem:$0x3FB7]  }
0x3d: {  	_ =	shalt  }
0x3e: {  	_ =	shalt  }
0x3f: {  	_ =	shalt  }
0x40: {  	_ =	shalt  }
0x41: {  	_ =	shalt  }
0x42: {  	_ =	shalt  }
0x43: {  	_ =	shalt  }
0x44: {  	_ =	shalt  }
0x45: {  	_ =	shalt  }
0x46: {  	_ =	shalt  }
0x47: {  	_ =	shalt  }
0x48: {  	_ =	shalt  }
0x49: {  	_ =	shalt  }
0x4a: {  	_ =	shalt  }
0x4b: {  	_ =	shalt  }
0x4c: {  	_ =	shalt  }
0x4d: {  	_ =	shalt  }
0x4e: {  	_ =	shalt  }
0x4f: {  	_ =	shalt  }
0x50: {  	_ =	shalt  }
0x51: {  	_ =	shalt  }
0x52: {  	_ =	shalt  }
0x53: {  	_ =	shalt  }
0x54: {  	_ =	shalt  }
0x55: {  	_ =	shalt  }
0x56: {  	_ =	shalt  }
0x57: {  	_ =	shalt  }
0x58: {  	_ =	shalt  }
0x59: {  	_ =	shalt  }
0x5a: {  	_ =	shalt  }
0x5b: {  	_ =	shalt  }
0x5c: {  	_ =	shalt  }
0x5d: {  	_ =	shalt  }
0x5e: {  	_ =	shalt  }
0x5f: {  	_ =	shalt  }
0x60: {  	_ =	shalt  }
0x61: {  	_ =	shalt  }
0x62: {  	_ =	shalt  }
0x63: {  	_ =	shalt  }
0x64: {  	_ =	shalt  }
0x65: {  	_ =	shalt  }
0x66: {  	_ =	shalt  }
0x67: {  	_ =	shalt  }
0x68: {  	_ =	shalt  }
0x69: {  	_ =	shalt  }
0x6a: {  	_ =	shalt  }
0x6b: {  	_ =	shalt  }
0x6c: {  	_ =	shalt  }
0x6d: {  	_ =	shalt  }
0x6e: {  	_ =	shalt  }
0x6f: {  	_ =	shalt  }
0x70: {  	_ =	shalt  }
0x71: {  	_ =	shalt  }
0x72: {  	_ =	shalt  }
0x73: {  	_ =	shalt  }
0x74: {  	_ =	shalt  }
0x75: {  	_ =	shalt  }
0x76: {  	_ =	shalt  }
0x77: {  	_ =	shalt  }
0x78: {  	_ =	shalt  }
0x79: {  	_ =	shalt  }
0x7a: {  	_ =	shalt  }
0x7b: {  	_ =	shalt  }
0x7c: {  	_ =	shalt  }
0x7d: {  	_ =	shalt  }
0x7e: {  	_ =	shalt  }
0x7f: {  	_ =	shalt  }
0x80: {  	_ =	shalt  }
0x81: {  	_ =	shalt  }
0x82: {  	_ =	shalt  }
0x83: {  	_ =	shalt  }
0x84: {  	_ =	shalt  }
0x85: {  	_ =	shalt  }
0x86: {  	_ =	shalt  }
0x87: {  	_ =	shalt  }
.Lfunc_end0:
.L_simem_size_0:
called_computation_lowered:
.L_overlay_start_0:
0x88: {  	s2 =	sld [smem:$0x3FD9]  }
0x89: {  	s3 =	sld [smem:$0x3FFE];
	_ =	sdelay $0x1  }
0x8a: {  	s1 =	srdreg.scid  }
0x8b: {  	s0 =	sand.u32 $0x1, s1  }
0x8c: {  	s14 =	sshll.u32 s0, $0xA;
	s2 =	sadd.s32 s3, s2  }
0x8d: {  	s2 =	sadd.s32 s2, s14  }
0x8e: {  	[smem:$0x3FC3] =	sst s2  }
0x8f: {  	_ = 	snop  }
0x90: {  	s2 =	sld [smem:$0x3FD0];
	_ =	sdelay $0x2  }
0x91: {  	s4 =	simm.s32 $0xA;
	s5 =	simm.s32 $0x10;
	s15 =	sld [smem:$0x3FC9]  }
0x92: {  	[smem:s5], [sflag:s4] =	dma.local [hbm:s2], $0x1  }
0x93: {  	_ =	swait.eq [sflag:s4], $0x1  }
0x94: {  	[sflag:s4] =	ssyncset.done $0x0  }
0x95: {  	[sflag:s4] =	ssyncadd.s32 $0xFFFFFFFF  }
0x96: {  	s16 =	sld [smem:$0x10];
	(tm) =	ssettm $0x1  }
0x97: {  	s17 =	sld [smem:$0x3FFB];
	_ =	sdelay $0x3  }
0x98: {  	_ =	strace s17  }
0x99: {  	s4 =	sld [smem:$0x3FFC];
	_ =	sdelay $0x3  }
0x9a: {  	_ =	strace s4  }
0x9b: {  	s4 =	sld [smem:$0x3FFD];
	_ =	sdelay $0x3  }
0x9c: {  	_ =	strace s4  }
0x9d: {  	_ =	strace $0x8FFFFFFF  }
0x9e: {  	s18 =	sld [smem:$0x3FDB];
	_ =	sdelay $0x1  }
0x9f: {  	s19 =	simm.s32 $_scs_section_size  }
0xa0: {  	s6 =	simm.s32 $_size__tile_overlayer_lowered;
	s7 =	simm.s32 $_tile_overlayer_lowered  }
0xa1: {  	s22 =	simm.s32 $0x1BFF;
	s21 =	sshll.u32 s7, $0x1;
	s4 =	sadd.s32 s19, s18  }
0xa2: {  	s8 =	simm.s32 $0x0;
	s20 =	sshll.u32 s6, $0x1;
	s6 =	sadd.s32 s21, s4  }
0xa3: {  	[timem:s8], [sflag:s22] =	dma.local [hbm:s6], s20  }
0xa4: {  	_ =	swait.ge [sflag:s22], s20  }
0xa5: {  	s5 =	ssub.s32 $0x0, s20;
	[sflag:s22] =	ssyncset.done $0x0  }
0xa6: {  	[sflag:s22] =	ssyncadd.s32 s5;
	_ =	sdelay $0x1  }
0xa7: {  	s23 =	simm.s32 $0x1B8B  }
0xa8: {  	_ =	swait.ge [sflag:s23], $0x1  }
0xa9: {  	[sflag:s23] =	ssyncset.done $0x0  }
0xaa: {  	s25 =	simm.s32 $0x1B8E;
	s24 =	sld [smem:$0x3FFE];
	[sflag:s23] =	ssyncadd.s32 $0xFFFFFFFF  }
0xab: {  	s26 =	simm.s32 $execute0_lowered;
	[smem:$0x3FD2] =	sst s25  }
0xac: {  	s6 =	sshll.u32 s26, $0x1;
	_ =	strace $0x80000046;
	[dreg:$0x1] =	wrdreg $0xFFFFFFFF  }
0xad: {  	s28 =	simm.s32 $_size_execute0_lowered;
	s4 =	sadd.s32 s4, s6;
	[dreg:$0x0] =	wrdreg $0x0  }
0xae: {  	s6 =	sshll.u32 s28, $0x1;
	[dreg:$0x2] =	wrdreg s4  }
0xaf: {  	[dreg:$0x3] =	wrdreg s6  }
0xb0: {  	[dreg:$0x4] =	wrdreg $0xC0  }
0xb1: {  	_ =	task [dreg:s8], $0x5FFFF  }
0xb2: {  	[dreg:$0x1] =	wrdreg $0xFFFFFFFF  }
0xb3: {  	[dreg:$0x0] =	wrdreg $0x60  }
0xb4: {  	[dreg:$0x2] =	wrdreg s15  }
0xb5: {  	[dreg:$0x3] =	wrdreg s16  }
0xb6: {  	[dreg:$0x4] =	wrdreg s24  }
0xb7: {  	[dreg:$0x5] =	wrdreg $0x9  }
0xb8: {  	_ =	task.clear_ibuf [dreg:s8], $0x6FFFF;
	_ =	strace $0x90000046  }
0xb9: {  	s29 =	simm.s32 $0x9;
	_ =	strace $0x80000048  }
0xba: {  	_ =	swait.ge [sflag:s29], $0x1  }
0xbb: {  	[sflag:s29] =	ssyncadd.s32 $0xFFFFFFFF  }
0xbc: {  	_ =	strace $0x90000048  }
0xbd: {  	_ =	sfence  }
0xbe: {  	s30 =	sld [smem:$0x0];
	_ =	sdelay $0x2  }
0xbf: {  	s31 =	sshll.u32 s1, $0xD;
	s1 =	sshrl.u32 s1, $0x2  }
0xc0: {  	s3 =	sand.u32 $0x4000, s31;
	s1 =	sadd.s32 s1, s30  }
0xc1: {  	s0 =	sor.u32 s3, s0;
	s1 =	sshll.u32 s1, $0x11  }
0xc2: {  	s0 =	sor.u32 s1, s0  }
0xc3: {  	s0 =	sadd.s32 $0x8F2B, s0  }
0xc4: {  	[sflag:s0] =	ssyncadd.remote.s32 $0x1  }
0xc5: {  	_ =	sfence.sel $0xFFFF  }
0xc6: {  	[dreg:$0x0] =	wrdreg $0xFFFFFFFF;
	(pc) =	sbr.abs _section_cstart, $3  }
0xc7: {  	[dreg:$0x1] =	wrdreg $0xFFFFFFFF  }
0xc8: {  	_ =	task.clear_ibuf [dreg:s8], $0x2FFFF;
	_ =	strace $0x9FFFFFFF  }
0xc9: {  	(tm) =	ssettm $0x7FFFFFFF  }
tec
execute0_lowered:
.L_overlay_start_1:
0x0: {  	(tag) =	ssettag $0x1  }
0x1: {  	s2 =	srdreg.scid  }
0x2: {  	s0 =	stileid.u32;
	s1 =	rddreg [dreg:$0x0]  }
0x3: {  	s4 =	rddreg [dreg:$0x1];
	s2 =	sand.u32 $0x1, s2;
	s3 =	sshll.u32 s0, $0x1  }
0x4: {  	s6 =	rddreg [dreg:$0x2];
	s5 =	sor.u32 s2, s3;
	s3 =	simm.s32 $0x0  }
0x5: {  	s0 =	simm.s32 $0x880;
	[smem:$0x7FF] =	sst s3  }
0x6: {  	s8 =	simm.s32 $0x2880;
	_ =	strace $0x80000047;
	[dreg:$0x6] =	wrdreg s0  }
0x7: {  	s9 =	simm.s32 $0x3080;
	[dreg:$0xa] =	wrdreg s8  }
0x8: {  	s10 =	simm.s32 $0x3880;
	[dreg:$0xb] =	wrdreg s9  }
0x9: {  	s11 =	simm.s32 $0x4080;
	[dreg:$0xc] =	wrdreg s10  }
0xa: {  	s12 =	simm.s32 $0x4880;
	[dreg:$0xd] =	wrdreg s11  }
0xb: {  	s13 =	simm.s32 $0x5080;
	[dreg:$0xe] =	wrdreg s12  }
0xc: {  	s14 =	simm.s32 $0x5880;
	[dreg:$0xf] =	wrdreg s13  }
0xd: {  	s15 =	simm.s32 $0x6080;
	[dreg:$0x10] =	wrdreg s14  }
0xe: {  	s16 =	simm.s32 $0x6880;
	s17 =	simm.s32 $0x7080;
	[dreg:$0x11] =	wrdreg s15  }
0xf: {  	s18 =	simm.s32 $0x7880;
	s19 =	simm.s32 $0x8080;
	[dreg:$0x12] =	wrdreg s16  }
0x10: {  	s21 =	simm.s32 $0x8880;
	s22 =	simm.s32 $0x9080;
	[dreg:$0x13] =	wrdreg s17  }
0x11: {  	s23 =	simm.s32 $0x9880;
	s24 =	simm.s32 $0xA080;
	[dreg:$0x14] =	wrdreg s18  }
0x12: {  	s25 =	simm.s32 $0xB080;
	s28 =	simm.s32 $0x14880;
	[dreg:$0x15] =	wrdreg s19  }
0x13: {  	s29 =	simm.s32 $0x15080;
	s30 =	simm.s32 $0x15880;
	[dreg:$0x16] =	wrdreg s21  }
0x14: {  	s31 =	simm.s32 $0x1;
	s2 =	ssub.s32 $0x2, s2;
	[dreg:$0x17] =	wrdreg s22  }
0x15: {  	s7 =	smul.u32 $0x2C00, s5;
	s20 =	sshrl.u32 s2, $0x1;
	[dreg:$0x18] =	wrdreg s23  }
0x16: {  	s5 =	smul.u32 $0xB, s5;
	s2 =	ssub.s32 s2, s20;
	[dreg:$0x19] =	wrdreg s24  }
0x17: {  	s8 =	simm.s32 $0xA880;
	[dreg:$0x1b] =	wrdreg s25;
	s9 =	simm.s32 $0x80  }
0x18: {  	s11 =	simm.s32 $0xC880;
	s12 =	simm.s32 $0xD080;
	s13 =	simm.s32 $0xD880  }
0x19: {  	s14 =	simm.s32 $0xE080;
	s15 =	simm.s32 $0xE880;
	s16 =	simm.s32 $0xF080  }
0x1a: {  	s17 =	simm.s32 $0xF880;
	s18 =	simm.s32 $0x10080;
	s19 =	simm.s32 $0x10880  }
0x1b: {  	s20 =	simm.s32 $0x11080;
	s21 =	simm.s32 $0x11880;
	s22 =	simm.s32 $0x12080  }
0x1c: {  	s23 =	simm.s32 $0x12880;
	s24 =	simm.s32 $0x13080;
	s25 =	simm.s32 $0x13880  }
0x1d: {  	s6 =	sadd.s32 s7, s6;
	s4 =	sadd.s32 s4, s5;
	[dreg:$0x1a] =	wrdreg s8  }
0x1e: {  	s5 =	simm.s32 $0x1080;
	s7 =	simm.s32 $0x2080;
	[dreg:$0x4] =	wrdreg s4  }
0x1f: {  	s8 =	simm.s32 $0x3;
	s26 =	sadd.s32 $0x800, s6;
	[dreg:$0x7] =	wrdreg s5  }
0x20: {  	s6 =	simm.s32 $0x1880;
	[dreg:$0x9] =	wrdreg s7;
	s4 =	sadd.s32 $0x100, s1  }
0x21: {  	v2 =	vlaneseq.u32;
	s5 =	sadd.s32 $0x200, s1;
	s7 =	smax.u32 s2, $0x1;
	[dreg:$0x5] =	wrdreg s26  }
0x22: {  	vm0 =	vmmov $0xffff;
	v1 =	vshrl.u32 v2, $0x3;
	s2 =	simm.s32 $0x2;
	[dreg:$0x8] =	wrdreg s6;
	s26 =	simm.s32 $0xB880  }
0x23: {  	v0 =	vand.u32 $0x7, v2;
	v2 =	vor.u32 $0x8, v2;
	v1 =	vmul.u32 $0x8, v1;
	s6 =	sadd.s32 $0x300, s1;
	[dreg:$0x1c] =	wrdreg s26;
	s26 =	simm.s32 $0x14080  }
.LBB2_1:
0x24: {  	s0 =	rddreg [dreg:$0x4]  }
0x25: {  	[tilespmem:s3], [sflag:$0x3] =	stream.linear.gather [hbm4b:s0+s3], $0x58, $0x38;
	[tilespmem:$0x16080] =	vst v63  }
0x26: {  	_ =	swait.ge [sflag:s8], $0x58  }
0x27: {  	[sflag:s8] =	ssyncset.done $0x0  }
0x28: {  	[sflag:s8] =	ssyncadd.s32 $0xFFFFFFA8  }
0x29: {  	v3 =	vld [tilespmem:$0x0];
	_ =	sdelay $0x4  }
0x2a: {  	v4 =	vshll.u32 v3, $0x3  }
0x2b: {  	v3 =	vand.u32 $0x7, v3;
	v4 =	vand.u32 $0xFFFFFFC0, v4  }
0x2c: {  	v3 =	vor.u32 v3, v4  }
0x2d: {  	v4 =	vperm.xlane v3, v0;
	_ =	sdelay $0x1  }
0x2e: {  	v4 =	vadd.s32 v1, v4;
	_ =	sdelay $0x4  }
0x2f: {  	[tilespmem:s9], [sflag:$0x1] =	stream.indirect_vreg.gather [hbm4b:s1+s3], $0x80, v4, vm0, $0xb8;
	[tilespmem:$0x16080] =	vst v63  }
0x30: {  	s0 =	rddreg [dreg:$0x6];
	v3 =	vperm.xlane v3, v2  }
0x31: {  	[tilespmem:s0], [sflag:$0x1] =	stream.indirect_vreg.gather [hbm4b:s4+s3], $0x80, v4, vm0, $0xb8;
	[tilespmem:$0x16080] =	vst v63  }
0x32: {  	s10 =	rddreg [dreg:$0x7];
	v3 =	vadd.s32 v1, v3  }
0x33: {  	[tilespmem:s10], [sflag:$0x1] =	stream.indirect_vreg.gather [hbm4b:s5+s3], $0x80, v4, vm0, $0xb8;
	[tilespmem:$0x16080] =	vst v63  }
0x34: {  	s0 =	rddreg [dreg:$0x8]  }
0x35: {  	[tilespmem:s0], [sflag:$0x1] =	stream.indirect_vreg.gather [hbm4b:s6+s3], $0x80, v4, vm0, $0xb8;
	[tilespmem:$0x16080] =	vst v63  }
0x36: {  	s10 =	rddreg [dreg:$0x9]  }
0x37: {  	[tilespmem:s10], [sflag:$0x1] =	stream.indirect_vreg.gather [hbm4b:s1+s3], $0x80, v3, vm0, $0xb8;
	[tilespmem:$0x16080] =	vst v63  }
0x38: {  	s0 =	rddreg [dreg:$0xa]  }
0x39: {  	[tilespmem:s0], [sflag:$0x1] =	stream.indirect_vreg.gather [hbm4b:s4+s3], $0x80, v3, vm0, $0xb8;
	[tilespmem:$0x16080] =	vst v63  }
0x3a: {  	s10 =	rddreg [dreg:$0xb]  }
0x3b: {  	[tilespmem:s10], [sflag:$0x1] =	stream.indirect_vreg.gather [hbm4b:s5+s3], $0x80, v3, vm0, $0xb8;
	[tilespmem:$0x16080] =	vst v63  }
0x3c: {  	s0 =	rddreg [dreg:$0xc]  }
0x3d: {  	[tilespmem:s0], [sflag:$0x1] =	stream.indirect_vreg.gather [hbm4b:s6+s3], $0x80, v3, vm0, $0xb8;
	[tilespmem:$0x16080] =	vst v63  }
0x3e: {  	v3 =	vld [tilespmem:$0x10];
	_ =	sdelay $0x4  }
0x3f: {  	v59 =	vshll.u32 v3, $0x3  }
0x40: {  	v3 =	vand.u32 $0x7, v3;
	v4 =	vand.u32 $0xFFFFFFC0, v59  }
0x41: {  	v3 =	vor.u32 v3, v4  }
0x42: {  	v4 =	vperm.xlane v3, v0;
	_ =	sdelay $0x1  }
0x43: {  	v4 =	vadd.s32 v1, v4;
	_ =	sdelay $0x3  }
0x44: {  	s0 =	rddreg [dreg:$0xd]  }
0x45: {  	[tilespmem:s0], [sflag:$0x1] =	stream.indirect_vreg.gather [hbm4b:s1+s3], $0x80, v4, vm0, $0xb8;
	[tilespmem:$0x16080] =	vst v63  }
0x46: {  	s10 =	rddreg [dreg:$0xe];
	v3 =	vperm.xlane v3, v2  }
0x47: {  	[tilespmem:s10], [sflag:$0x1] =	stream.indirect_vreg.gather [hbm4b:s4+s3], $0x80, v4, vm0, $0xb8;
	[tilespmem:$0x16080] =	vst v63  }
0x48: {  	v3 =	vadd.s32 v1, v3;
	s0 =	rddreg [dreg:$0xf]  }
0x49: {  	[tilespmem:s0], [sflag:$0x1] =	stream.indirect_vreg.gather [hbm4b:s5+s3], $0x80, v4, vm0, $0xb8;
	[tilespmem:$0x16080] =	vst v63  }
0x4a: {  	s10 =	rddreg [dreg:$0x10]  }
0x4b: {  	[tilespmem:s10], [sflag:$0x1] =	stream.indirect_vreg.gather [hbm4b:s6+s3], $0x80, v4, vm0, $0xb8;
	[tilespmem:$0x16080] =	vst v63  }
0x4c: {  	s0 =	rddreg [dreg:$0x11]  }
0x4d: {  	[tilespmem:s0], [sflag:$0x1] =	stream.indirect_vreg.gather [hbm4b:s1+s3], $0x80, v3, vm0, $0xb8;
	[tilespmem:$0x16080] =	vst v63  }
0x4e: {  	s10 =	rddreg [dreg:$0x12]  }
0x4f: {  	[tilespmem:s10], [sflag:$0x1] =	stream.indirect_vreg.gather [hbm4b:s4+s3], $0x80, v3, vm0, $0xb8;
	[tilespmem:$0x16080] =	vst v63  }
0x50: {  	s0 =	rddreg [dreg:$0x13]  }
0x51: {  	[tilespmem:s0], [sflag:$0x1] =	stream.indirect_vreg.gather [hbm4b:s5+s3], $0x80, v3, vm0, $0xb8;
	[tilespmem:$0x16080] =	vst v63  }
0x52: {  	s10 =	rddreg [dreg:$0x14]  }
0x53: {  	[tilespmem:s10], [sflag:$0x1] =	stream.indirect_vreg.gather [hbm4b:s6+s3], $0x80, v3, vm0, $0xb8;
	[tilespmem:$0x16080] =	vst v63  }
0x54: {  	v3 =	vld [tilespmem:$0x20];
	_ =	sdelay $0x4  }
0x55: {  	v60 =	vshll.u32 v3, $0x3  }
0x56: {  	v3 =	vand.u32 $0x7, v3;
	v4 =	vand.u32 $0xFFFFFFC0, v60  }
0x57: {  	v3 =	vor.u32 v3, v4  }
0x58: {  	v4 =	vperm.xlane v3, v0;
	_ =	sdelay $0x1  }
0x59: {  	v4 =	vadd.s32 v1, v4;
	_ =	sdelay $0x3  }
0x5a: {  	s0 =	rddreg [dreg:$0x15]  }
0x5b: {  	[tilespmem:s0], [sflag:$0x1] =	stream.indirect_vreg.gather [hbm4b:s1+s3], $0x80, v4, vm0, $0xb8;
	[tilespmem:$0x16080] =	vst v63  }
0x5c: {  	s10 =	rddreg [dreg:$0x16];
	v3 =	vperm.xlane v3, v2  }
0x5d: {  	[tilespmem:s10], [sflag:$0x1] =	stream.indirect_vreg.gather [hbm4b:s4+s3], $0x80, v4, vm0, $0xb8;
	[tilespmem:$0x16080] =	vst v63  }
0x5e: {  	v3 =	vadd.s32 v1, v3;
	s0 =	rddreg [dreg:$0x17]  }
0x5f: {  	[tilespmem:s0], [sflag:$0x1] =	stream.indirect_vreg.gather [hbm4b:s5+s3], $0x80, v4, vm0, $0xb8;
	[tilespmem:$0x16080] =	vst v63  }
0x60: {  	s10 =	rddreg [dreg:$0x18]  }
0x61: {  	[tilespmem:s10], [sflag:$0x1] =	stream.indirect_vreg.gather [hbm4b:s6+s3], $0x80, v4, vm0, $0xb8;
	[tilespmem:$0x16080] =	vst v63  }
0x62: {  	s0 =	rddreg [dreg:$0x19]  }
0x63: {  	[tilespmem:s0], [sflag:$0x1] =	stream.indirect_vreg.gather [hbm4b:s1+s3], $0x80, v3, vm0, $0xb8;
	[tilespmem:$0x16080] =	vst v63  }
0x64: {  	s10 =	rddreg [dreg:$0x1a]  }
0x65: {  	[tilespmem:s10], [sflag:$0x1] =	stream.indirect_vreg.gather [hbm4b:s4+s3], $0x80, v3, vm0, $0xb8;
	[tilespmem:$0x16080] =	vst v63  }
0x66: {  	s0 =	rddreg [dreg:$0x1b]  }
0x67: {  	[tilespmem:s0], [sflag:$0x1] =	stream.indirect_vreg.gather [hbm4b:s5+s3], $0x80, v3, vm0, $0xb8;
	[tilespmem:$0x16080] =	vst v63  }
0x68: {  	s10 =	rddreg [dreg:$0x1c]  }
0x69: {  	[tilespmem:s10], [sflag:$0x1] =	stream.indirect_vreg.gather [hbm4b:s6+s3], $0x80, v3, vm0, $0xb8;
	[tilespmem:$0x16080] =	vst v63  }
0x6a: {  	v3 =	vld [tilespmem:$0x30];
	_ =	sdelay $0x4  }
0x6b: {  	v61 =	vshll.u32 v3, $0x3  }
0x6c: {  	v3 =	vand.u32 $0x7, v3;
	v4 =	vand.u32 $0xFFFFFFC0, v61  }
0x6d: {  	v3 =	vor.u32 v3, v4  }
0x6e: {  	v4 =	vperm.xlane v3, v0;
	_ =	sdelay $0x1  }
0x6f: {  	v4 =	vadd.s32 v1, v4;
	_ =	sdelay $0x3  }
0x70: {  	s10 =	simm.s32 $0xC080  }
0x71: {  	[tilespmem:s10], [sflag:$0x1] =	stream.indirect_vreg.gather [hbm4b:s1+s3], $0x80, v4, vm0, $0xb8;
	[tilespmem:$0x16080] =	vst v63  }
0x72: {  	v3 =	vperm.xlane v3, v2  }
0x73: {  	[tilespmem:s11], [sflag:$0x1] =	stream.indirect_vreg.gather [hbm4b:s4+s3], $0x80, v4, vm0, $0xb8;
	[tilespmem:$0x16080] =	vst v63  }
0x74: {  	v3 =	vadd.s32 v1, v3  }
0x75: {  	[tilespmem:s12], [sflag:$0x1] =	stream.indirect_vreg.gather [hbm4b:s5+s3], $0x80, v4, vm0, $0xb8;
	[tilespmem:$0x16080] =	vst v63  }
0x76: {  	_ = 	snop  }
0x77: {  	[tilespmem:s13], [sflag:$0x1] =	stream.indirect_vreg.gather [hbm4b:s6+s3], $0x80, v4, vm0, $0xb8;
	[tilespmem:$0x16080] =	vst v63  }
0x78: {  	_ = 	snop  }
0x79: {  	[tilespmem:s14], [sflag:$0x1] =	stream.indirect_vreg.gather [hbm4b:s1+s3], $0x80, v3, vm0, $0xb8;
	[tilespmem:$0x16080] =	vst v63  }
0x7a: {  	_ = 	snop  }
0x7b: {  	[tilespmem:s15], [sflag:$0x1] =	stream.indirect_vreg.gather [hbm4b:s4+s3], $0x80, v3, vm0, $0xb8;
	[tilespmem:$0x16080] =	vst v63  }
0x7c: {  	_ = 	snop  }
0x7d: {  	[tilespmem:s16], [sflag:$0x1] =	stream.indirect_vreg.gather [hbm4b:s5+s3], $0x80, v3, vm0, $0xb8;
	[tilespmem:$0x16080] =	vst v63  }
0x7e: {  	_ = 	snop  }
0x7f: {  	[tilespmem:s17], [sflag:$0x1] =	stream.indirect_vreg.gather [hbm4b:s6+s3], $0x80, v3, vm0, $0xb8;
	[tilespmem:$0x16080] =	vst v63  }
0x80: {  	v3 =	vld [tilespmem:$0x40];
	_ =	sdelay $0x4  }
0x81: {  	v62 =	vshll.u32 v3, $0x3  }
0x82: {  	v3 =	vand.u32 $0x7, v3;
	v4 =	vand.u32 $0xFFFFFFC0, v62  }
0x83: {  	v3 =	vor.u32 v3, v4  }
0x84: {  	v4 =	vperm.xlane v3, v0;
	_ =	sdelay $0x1  }
0x85: {  	v4 =	vadd.s32 v1, v4;
	_ =	sdelay $0x4  }
0x86: {  	[tilespmem:s18], [sflag:$0x1] =	stream.indirect_vreg.gather [hbm4b:s1+s3], $0x80, v4, vm0, $0xb8;
	[tilespmem:$0x16080] =	vst v63  }
0x87: {  	v3 =	vperm.xlane v3, v2  }
0x88: {  	[tilespmem:s19], [sflag:$0x1] =	stream.indirect_vreg.gather [hbm4b:s4+s3], $0x80, v4, vm0, $0xb8;
	[tilespmem:$0x16080] =	vst v63  }
0x89: {  	v3 =	vadd.s32 v1, v3  }
0x8a: {  	[tilespmem:s20], [sflag:$0x1] =	stream.indirect_vreg.gather [hbm4b:s5+s3], $0x80, v4, vm0, $0xb8;
	[tilespmem:$0x16080] =	vst v63  }
0x8b: {  	_ = 	snop  }
0x8c: {  	[tilespmem:s21], [sflag:$0x1] =	stream.indirect_vreg.gather [hbm4b:s6+s3], $0x80, v4, vm0, $0xb8;
	[tilespmem:$0x16080] =	vst v63  }
0x8d: {  	_ = 	snop  }
0x8e: {  	[tilespmem:s22], [sflag:$0x1] =	stream.indirect_vreg.gather [hbm4b:s1+s3], $0x80, v3, vm0, $0xb8;
	[tilespmem:$0x16080] =	vst v63  }
0x8f: {  	_ = 	snop  }
0x90: {  	[tilespmem:s23], [sflag:$0x1] =	stream.indirect_vreg.gather [hbm4b:s4+s3], $0x80, v3, vm0, $0xb8;
	[tilespmem:$0x16080] =	vst v63  }
0x91: {  	_ = 	snop  }
0x92: {  	[tilespmem:s24], [sflag:$0x1] =	stream.indirect_vreg.gather [hbm4b:s5+s3], $0x80, v3, vm0, $0xb8;
	[tilespmem:$0x16080] =	vst v63  }
0x93: {  	_ = 	snop  }
0x94: {  	[tilespmem:s25], [sflag:$0x1] =	stream.indirect_vreg.gather [hbm4b:s6+s3], $0x80, v3, vm0, $0xb8;
	[tilespmem:$0x16080] =	vst v63  }
0x95: {  	v3 =	vld.msk [tilespmem:$0x50], $0xff;
	_ =	sdelay $0x4  }
0x96: {  	v63 =	vshll.u32 v3, $0x3  }
0x97: {  	v3 =	vand.u32 $0x7, v3;
	v4 =	vand.u32 $0xFFFFFFC0, v63  }
0x98: {  	v3 =	vor.u32 v3, v4  }
0x99: {  	v3 =	vperm.xlane v3, v0;
	_ =	sdelay $0x1  }
0x9a: {  	v3 =	vadd.s32 v1, v3;
	_ =	sdelay $0x4  }
0x9b: {  	[tilespmem:s26], [sflag:$0x1] =	stream.indirect_vreg.gather [hbm4b:s1+s3], $0x80, v3, vm0, $0xb8;
	[tilespmem:$0x16080] =	vst v63  }
0x9c: {  	_ = 	snop  }
0x9d: {  	[tilespmem:s28], [sflag:$0x1] =	stream.indirect_vreg.gather [hbm4b:s4+s3], $0x80, v3, vm0, $0xb8;
	[tilespmem:$0x16080] =	vst v63  }
0x9e: {  	_ = 	snop  }
0x9f: {  	[tilespmem:s29], [sflag:$0x1] =	stream.indirect_vreg.gather [hbm4b:s5+s3], $0x80, v3, vm0, $0xb8;
	[tilespmem:$0x16080] =	vst v63  }
0xa0: {  	_ = 	snop  }
0xa1: {  	[tilespmem:s30], [sflag:$0x1] =	stream.indirect_vreg.gather [hbm4b:s6+s3], $0x80, v3, vm0, $0xb8;
	[tilespmem:$0x16080] =	vst v63  }
0xa2: {  	_ =	swait.ge [sflag:s31], $0x16000  }
0xa3: {  	p0 =	sne.s32 s7, $0x1;
	[sflag:s31] =	ssyncset.done $0x0  }
.Ltmp0:
0xa4: {  	s10 =	rddreg [dreg:$0x5];
	[sflag:s31] =	ssyncadd.s32 $0xFFFEA000;
	(pc) =	sbr.rel @p0 .LBB2_1-.Ltmp0, $4  }
0xa5: {  	[hbm4b:s10+s3] =	stream.linear.scatter [tilespmem:s9], [sflag:$0x2], $0x16000, $0x38;
	[tilespmem:$0x16080] =	vst v63  }
0xa6: {  	_ =	swait.ge [sflag:s2], $0x16000  }
0xa7: {  	[sflag:s2] =	ssyncset.done $0x0  }
0xa8: {  	s7 =	sadd.s32 $0xFFFFFFFF, s7;
	[sflag:s2] =	ssyncadd.s32 $0xFFFEA000  }
0xa9: {  	_ =	sfence.sel $0x180000  }
0xaa: {  	[bflag:$0x0] =	sbarrier.arrive $0xFFFF  }
0xab: {  	_ =	strace $0x90000047  }
0xac: {  	s0 =	stileid.u32;
	[bflag:$0x2] =	sbarrier.arrive $0xFFFF  }
0xad: {  	p0 =	sne.s32 s0, $0x0;
	s0 =	rddreg [dreg:$0x3]  }
0xae: {  	s0 =	sadd.s32 @!p0 $0x100000, s0  }
0xaf: {  	[sflag:s0] =	ssyncadd.tile.s32 @!p0 $0x1;
	_ =	shalt  }
.Lfunc_end2:
_tile_overlayer_lowered:
.L_overlay_start_2:
0xb0: {  	(tag) =	ssettag $0x2  }
0xb1: {  	s0 =	rddreg [dreg:$0x0];
	s2 =	stileid.u32  }
0xb2: {  	s1 =	rddreg [dreg:$0x1];
	p0 =	sne.s32 s2, $0x0  }
0xb3: {  	s3 =	rddreg [dreg:$0x2];
	[bflag:$0x3] =	sbarrier.arrive $0xFFFF;
	s2 =	simm.s32 @!p0 $0x1C03  }
0xb4: {  	[timem:s3], [sflag:s2] =	dma.local @!p0 [hbm:s0], s1  }
0xb5: {  	s0 =	simm.s32 @!p0 $0x3  }
0xb6: {  	_ =	swait.ge @!p0 [sflag:s0], s1  }
0xb7: {  	s1 =	ssub.s32 @!p0 $0x0, s1;
	[sflag:s0] =	ssyncset.done @!p0 $0x0  }
0xb8: {  	[sflag:s0] =	ssyncadd.s32 @!p0 s1  }
0xb9: {  	[bflag:$0x3] =	sbarrier.arrive $0xFFFF  }
0xba: {  	_ =	shalt  }

// kernel: kernel.9.cloned.1.call-start
scs
__scs_entry_jumppad:
0x0: {  	(pc) =	sbr.rel $0x88, $3  }
0x1: {  	(tag) =	ssettag $0x0;
	lr =	simm.s32 $0x1  }
0x2: {  	[smem:$0x3F9C] =	sst lr;
	_ =	strace $0xD0000000  }
0x3: {  	_ = 	snop  }
0x4: {  	_ = 	snop  }
0x5: {  	_ = 	snop  }
0x6: {  	_ = 	snop  }
0x7: {  	_ = 	snop  }
__scs_overlays_trampoline_lowered:
0x8: {  	[smem:$0x3FAB] =	sst s0  }
0x9: {  	[smem:$0x3FAC] =	sst s1  }
0xa: {  	[smem:$0x3FAD] =	sst s2  }
0xb: {  	[smem:$0x3FAE] =	sst s3  }
0xc: {  	[smem:$0x3FAF] =	sst s4  }
0xd: {  	[smem:$0x3FB0] =	sst s5  }
0xe: {  	[smem:$0x3FB1] =	sst s6  }
0xf: {  	[smem:$0x3FB2] =	sst s7  }
0x10: {  	[smem:$0x3FB3] =	sst s8  }
0x11: {  	[smem:$0x3FB4] =	sst s9;
	s0 =	simm.s32 @!p0 $0x0  }
0x12: {  	s1 =	sld [smem:$0x3F9A];
	s0 =	simm.s32 @p0 $0x1  }
0x13: {  	[smem:$0x3FB5] =	sst s0;
	s0 =	simm.s32 @!p1 $0x0  }
0x14: {  	s2 =	sld [smem:$0x3F99];
	s0 =	simm.s32 @p1 $0x1  }
0x15: {  	[smem:$0x3FB6] =	sst s0;
	s0 =	simm.s32 @!p2 $0x0  }
0x16: {  	s3 =	sld [smem:$0x3FDB];
	s0 =	simm.s32 @p2 $0x1  }
0x17: {  	s4 =	simm.s32 $0x1BF5;
	[smem:$0x3FB8] =	sst s0  }
0x18: {  	s0 =	sld [smem:$0x3F9B];
	_ =	swait.ge [sflag:s4], $0x0  }
0x19: {  	s7 =	sld [smem:$0x3F9C]  }
0x1a: {  	s8 =	sadd.s32 $0xFFFFE003, lr  }
0x1b: {  	s9 =	sadd.s32 $0xFFFFFEF7, lr;
	s5 =	simm.s32 $0xFFFFFFFF;
	p2 =	slt.u32 s8, $0xFFFFF086  }
0x1c: {  	p1 =	slt.u32 s9, $0xF7A;
	s5 =	simm.s32 @!p2 $0x0  }
0x1d: {  	s5 =	simm.s32 @p1 $0x1;
	p0 =	seq.s32 s7, s2  }
0x1e: {  	s7 =	smul.u32 @!p0 $0xF7A, s2;
	p2 =	seq.s32 @!p0 s5, $0x0  }
0x1f: {  	s9 =	smul.u32 $0xF7A, s1;
	s8 =	simm.s32 @!p0 $0x1BF5;
	p2 =	por !p2, p0  }
0x20: {  	[sflag:s8] =	ssyncset.s32 @!p0 $0xFFFFF086;
	s6 =	sadd.s32 @!p0 s3, s7;
	s7 =	simm.s32 @!p0 $0x108  }
0x21: {  	s3 =	sadd.s32 s3, s9;
	s6 =	sadd.s32 @!p0 $0x88, s6;
	s7 =	simm.s32 @p2 $0x1082  }
0x22: {  	[simem:s7], [sflag:s8] =	dma.local @!p0 [hbm:s6], $0xF7A  }
0x23: {  	s9 =	sor.u32 $0xD0000000, s2;
	s6 =	simm.s32 $0x108;
	_ =	swait.ge @!p0 [sflag:s8], $0x0  }
0x24: {  	s3 =	sadd.s32 $0x88, s3;
	s6 =	simm.s32 @!p1 $0x1082;
	[sflag:s4] =	ssyncset.s32 $0xFFFFF086  }
0x25: {  	[simem:s6], [sflag:s4] =	dma.local [hbm:s3], $0xF7A  }
0x26: {  	[smem:$0x3F9C] =	sst s1;
	(tag) =	ssettag s2;
	_ =	strace s9  }
0x27: {  	s1 =	sld [smem:$0x3FAC]  }
0x28: {  	s2 =	sld [smem:$0x3FAD]  }
0x29: {  	s4 =	sld [smem:$0x3FAF]  }
0x2a: {  	p0 =	seq.s32 s5, $0x0;
	s5 =	sld [smem:$0x3FB0]  }
0x2b: {  	s6 =	sld [smem:$0x3FB1]  }
0x2c: {  	s7 =	sld [smem:$0x3FB2]  }
0x2d: {  	s3 =	simm.s32 $0x108;
	s8 =	sld [smem:$0x3FB3]  }
0x2e: {  	s3 =	simm.s32 @!p0 $0x1082;
	s9 =	sld [smem:$0x3FB4]  }
0x2f: {  	lr =	sadd.s32 s0, s3;
	s0 =	sld [smem:$0x3FAB]  }
0x30: {  	s3 =	sld [smem:$0x3FAE]  }
0x31: {  	[smem:$0x3FB7] =	sst s10  }
0x32: {  	s10 =	sld [smem:$0x3FB5];
	_ =	sdelay $0x3  }
0x33: {  	p0 =	seq.s32 s10, $0x1;
	s10 =	sld [smem:$0x3FB7];
	_ =	sdelay $0x3  }
0x34: {  	[smem:$0x3FB7] =	sst s10  }
0x35: {  	s10 =	sld [smem:$0x3FB6];
	_ =	sdelay $0x3  }
0x36: {  	p1 =	seq.s32 s10, $0x1;
	s10 =	sld [smem:$0x3FB7];
	_ =	sdelay $0x3  }
0x37: {  	[smem:$0x3FB7] =	sst s10  }
0x38: {  	s10 =	sld [smem:$0x3FB8]  }
0x39: {  	_ = 	snop;
	(pc) =	sbr.ind lr, $3  }
0x3a: {  	_ = 	snop  }
0x3b: {  	_ = 	snop  }
0x3c: {  	p2 =	seq.s32 s10, $0x1;
	s10 =	sld [smem:$0x3FB7]  }
0x3d: {  	_ =	shalt  }
0x3e: {  	_ =	shalt  }
0x3f: {  	_ =	shalt  }
0x40: {  	_ =	shalt  }
0x41: {  	_ =	shalt  }
0x42: {  	_ =	shalt  }
0x43: {  	_ =	shalt  }
0x44: {  	_ =	shalt  }
0x45: {  	_ =	shalt  }
0x46: {  	_ =	shalt  }
0x47: {  	_ =	shalt  }
0x48: {  	_ =	shalt  }
0x49: {  	_ =	shalt  }
0x4a: {  	_ =	shalt  }
0x4b: {  	_ =	shalt  }
0x4c: {  	_ =	shalt  }
0x4d: {  	_ =	shalt  }
0x4e: {  	_ =	shalt  }
0x4f: {  	_ =	shalt  }
0x50: {  	_ =	shalt  }
0x51: {  	_ =	shalt  }
0x52: {  	_ =	shalt  }
0x53: {  	_ =	shalt  }
0x54: {  	_ =	shalt  }
0x55: {  	_ =	shalt  }
0x56: {  	_ =	shalt  }
0x57: {  	_ =	shalt  }
0x58: {  	_ =	shalt  }
0x59: {  	_ =	shalt  }
0x5a: {  	_ =	shalt  }
0x5b: {  	_ =	shalt  }
0x5c: {  	_ =	shalt  }
0x5d: {  	_ =	shalt  }
0x5e: {  	_ =	shalt  }
0x5f: {  	_ =	shalt  }
0x60: {  	_ =	shalt  }
0x61: {  	_ =	shalt  }
0x62: {  	_ =	shalt  }
0x63: {  	_ =	shalt  }
0x64: {  	_ =	shalt  }
0x65: {  	_ =	shalt  }
0x66: {  	_ =	shalt  }
0x67: {  	_ =	shalt  }
0x68: {  	_ =	shalt  }
0x69: {  	_ =	shalt  }
0x6a: {  	_ =	shalt  }
0x6b: {  	_ =	shalt  }
0x6c: {  	_ =	shalt  }
0x6d: {  	_ =	shalt  }
0x6e: {  	_ =	shalt  }
0x6f: {  	_ =	shalt  }
0x70: {  	_ =	shalt  }
0x71: {  	_ =	shalt  }
0x72: {  	_ =	shalt  }
0x73: {  	_ =	shalt  }
0x74: {  	_ =	shalt  }
0x75: {  	_ =	shalt  }
0x76: {  	_ =	shalt  }
0x77: {  	_ =	shalt  }
0x78: {  	_ =	shalt  }
0x79: {  	_ =	shalt  }
0x7a: {  	_ =	shalt  }
0x7b: {  	_ =	shalt  }
0x7c: {  	_ =	shalt  }
0x7d: {  	_ =	shalt  }
0x7e: {  	_ =	shalt  }
0x7f: {  	_ =	shalt  }
0x80: {  	_ =	shalt  }
0x81: {  	_ =	shalt  }
0x82: {  	_ =	shalt  }
0x83: {  	_ =	shalt  }
0x84: {  	_ =	shalt  }
0x85: {  	_ =	shalt  }
0x86: {  	_ =	shalt  }
0x87: {  	_ =	shalt  }
.Lfunc_end0:
.L_simem_size_0:
called_computation.1_lowered:
.L_overlay_start_0:
0x88: {  	s2 =	sld [smem:$0x3FD9]  }
0x89: {  	s3 =	sld [smem:$0x3FFE];
	_ =	sdelay $0x1  }
0x8a: {  	s1 =	srdreg.scid  }
0x8b: {  	s0 =	sand.u32 $0x1, s1  }
0x8c: {  	s14 =	sshll.u32 s0, $0xA;
	s2 =	sadd.s32 s3, s2  }
0x8d: {  	s2 =	sadd.s32 s2, s14  }
0x8e: {  	[smem:$0x3FC3] =	sst s2  }
0x8f: {  	_ = 	snop  }
0x90: {  	s2 =	sld [smem:$0x3FD0];
	_ =	sdelay $0x2  }
0x91: {  	s15 =	simm.s32 $0xA;
	s4 =	simm.s32 $0x10  }
0x92: {  	[smem:s4], [sflag:s15] =	dma.local [hbm:s2], $0x1  }
0x93: {  	_ =	swait.eq [sflag:s15], $0x1  }
0x94: {  	[sflag:s15] =	ssyncset.done $0x0  }
0x95: {  	[sflag:s15] =	ssyncadd.s32 $0xFFFFFFFF  }
0x96: {  	s16 =	sld [smem:$0x10];
	(tm) =	ssettm $0x1  }
0x97: {  	s17 =	sld [smem:$0x3FFB];
	_ =	sdelay $0x3  }
0x98: {  	_ =	strace s17  }
0x99: {  	s3 =	sld [smem:$0x3FFC];
	_ =	sdelay $0x3  }
0x9a: {  	_ =	strace s3  }
0x9b: {  	s3 =	sld [smem:$0x3FFD];
	_ =	sdelay $0x3  }
0x9c: {  	_ =	strace s3  }
0x9d: {  	_ =	strace $0x8FFFFFFF  }
0x9e: {  	s18 =	sld [smem:$0x3FDB];
	_ =	sdelay $0x1  }
0x9f: {  	s19 =	simm.s32 $_scs_section_size  }
0xa0: {  	s5 =	simm.s32 $_size__tile_overlayer_lowered;
	s6 =	simm.s32 $_tile_overlayer_lowered  }
0xa1: {  	s22 =	simm.s32 $0x1BFF;
	s21 =	sshll.u32 s6, $0x1;
	s3 =	sadd.s32 s19, s18  }
0xa2: {  	s7 =	simm.s32 $0x0;
	s20 =	sshll.u32 s5, $0x1;
	s5 =	sadd.s32 s21, s3  }
0xa3: {  	[timem:s7], [sflag:s22] =	dma.local [hbm:s5], s20  }
0xa4: {  	_ =	swait.ge [sflag:s22], s20  }
0xa5: {  	s4 =	ssub.s32 $0x0, s20;
	[sflag:s22] =	ssyncset.done $0x0  }
0xa6: {  	[sflag:s22] =	ssyncadd.s32 s4;
	_ =	sdelay $0x1  }
0xa7: {  	s23 =	simm.s32 $0x1B8B  }
0xa8: {  	_ =	swait.ge [sflag:s23], $0x1  }
0xa9: {  	[sflag:s23] =	ssyncset.done $0x0  }
0xaa: {  	s25 =	simm.s32 $0x1B8E;
	s24 =	sld [smem:$0x3FFE];
	[sflag:s23] =	ssyncadd.s32 $0xFFFFFFFF  }
0xab: {  	s26 =	simm.s32 $execute0_lowered;
	[smem:$0x3FD2] =	sst s25  }
0xac: {  	s5 =	sshll.u32 s26, $0x1;
	_ =	strace $0x80000049;
	[dreg:$0x1] =	wrdreg $0xFFFFFFFF  }
0xad: {  	s28 =	simm.s32 $_size_execute0_lowered;
	s3 =	sadd.s32 s3, s5;
	[dreg:$0x0] =	wrdreg $0x0  }
0xae: {  	s5 =	sshll.u32 s28, $0x1;
	[dreg:$0x2] =	wrdreg s3  }
0xaf: {  	[dreg:$0x3] =	wrdreg s5  }
0xb0: {  	[dreg:$0x4] =	wrdreg $0xC0  }
0xb1: {  	_ =	task [dreg:s7], $0x5FFFF  }
0xb2: {  	[dreg:$0x1] =	wrdreg $0xFFFFFFFF  }
0xb3: {  	[dreg:$0x0] =	wrdreg $0x60  }
0xb4: {  	[dreg:$0x2] =	wrdreg s24  }
0xb5: {  	[dreg:$0x3] =	wrdreg s16  }
0xb6: {  	[dreg:$0x4] =	wrdreg $0x9  }
0xb7: {  	_ =	task.clear_ibuf [dreg:s7], $0x5FFFF;
	_ =	strace $0x90000049  }
0xb8: {  	s29 =	simm.s32 $0x9;
	_ =	strace $0x8000004B  }
0xb9: {  	_ =	swait.ge [sflag:s29], $0x1  }
0xba: {  	[sflag:s29] =	ssyncadd.s32 $0xFFFFFFFF  }
0xbb: {  	_ =	strace $0x9000004B  }
0xbc: {  	_ =	sfence  }
0xbd: {  	s30 =	sld [smem:$0x0];
	_ =	sdelay $0x2  }
0xbe: {  	s31 =	sshll.u32 s1, $0xD;
	s1 =	sshrl.u32 s1, $0x2  }
0xbf: {  	s3 =	sand.u32 $0x4000, s31;
	s1 =	sadd.s32 s1, s30  }
0xc0: {  	s0 =	sor.u32 s3, s0;
	s1 =	sshll.u32 s1, $0x11  }
0xc1: {  	s0 =	sor.u32 s1, s0  }
0xc2: {  	s0 =	sadd.s32 $0x8F2B, s0  }
0xc3: {  	[sflag:s0] =	ssyncadd.remote.s32 $0x1  }
0xc4: {  	_ =	sfence.sel $0xFFFF  }
0xc5: {  	[dreg:$0x0] =	wrdreg $0xFFFFFFFF;
	(pc) =	sbr.abs _section_cstart, $3  }
0xc6: {  	[dreg:$0x1] =	wrdreg $0xFFFFFFFF  }
0xc7: {  	_ =	task.clear_ibuf [dreg:s7], $0x2FFFF;
	_ =	strace $0x9FFFFFFF  }
0xc8: {  	(tm) =	ssettm $0x7FFFFFFF  }
0xc9: {  	_ =	shalt  }
tec
execute0_lowered:
.L_overlay_start_1:
0x0: {  	(tag) =	ssettag $0x1  }
0x1: {  	s0 =	rddreg [dreg:$0x0]  }
0x2: {  	s1 =	rddreg [dreg:$0x1]  }
0x3: {  	s3 =	srdreg.scid;
	s4 =	stileid.u32;
	s2 =	simm.s32 $0x0  }
0x4: {  	s11 =	simm.s32 $0x3;
	s31 =	simm.s32 $0x9080;
	s12 =	simm.s32 $0xB080  }
0x5: {  	s13 =	simm.s32 $0xB880;
	s14 =	simm.s32 $0xC080;
	s15 =	simm.s32 $0xC880  }
0x6: {  	s16 =	simm.s32 $0xD080;
	s10 =	simm.s32 $0xE080;
	s17 =	simm.s32 $0xE880  }
0x7: {  	s18 =	simm.s32 $0xF080;
	s19 =	simm.s32 $0xF880;
	s20 =	simm.s32 $0x1  }
0x8: {  	s21 =	simm.s32 $0x10080;
	s22 =	simm.s32 $0x2;
	s23 =	simm.s32 $0x0  }
0x9: {  	s3 =	sand.u32 $0x1, s3;
	s4 =	sshll.u32 s4, $0x1;
	[smem:$0x7FF] =	sst s2  }
0xa: {  	s4 =	sor.u32 s3, s4;
	s5 =	ssub.s32 $0x2, s3;
	_ =	strace $0x8000004A  }
0xb: {  	s3 =	sadd.s32 $0x800, s0;
	s6 =	sshll.u32 s4, $0x4;
	s7 =	sshrl.u32 s5, $0x1  }
0xc: {  	s4 =	sshll.u32 s4, $0xD;
	s6 =	sadd.s32 s6, s0;
	s9 =	ssub.s32 s5, s7  }
0xd: {  	s5 =	sadd.s32 $0x900, s0;
	s7 =	sadd.s32 $0xB00, s0;
	s29 =	sadd.s32 s1, s4  }
0xe: {  	s1 =	simm.s32 $0xA080;
	s28 =	sadd.s32 $0x58800, s6;
	[dreg:$0x4] =	wrdreg s29  }
0xf: {  	v2 =	vlaneseq.u32;
	s6 =	sadd.s32 $0xA00, s0;
	s0 =	sadd.s32 $0x1000, s29;
	[dreg:$0x3] =	wrdreg s28  }
0x10: {  	vm0 =	vmmov $0xffff;
	v1 =	vshrl.u32 v2, $0x3;
	s4 =	simm.s32 $0xA880;
	s30 =	smax.u32 s9, $0x1;
	[dreg:$0x5] =	wrdreg s0  }
0x11: {  	v0 =	vand.u32 $0x7, v2;
	v2 =	vor.u32 $0x8, v2;
	v1 =	vmul.u32 $0x8, v1;
	s9 =	simm.s32 $0xD880;
	[dreg:$0x6] =	wrdreg s30;
	s0 =	simm.s32 $0x9880  }
.LBB2_1:
0x12: {  	s8 =	rddreg [dreg:$0x3]  }
0x13: {  	[tilespmem:s2], [sflag:$0x3] =	stream.linear.gather [hbm4b:s8+s2], $0x80, $0x38;
	[tilespmem:$0x18080] =	vst v63  }
0x14: {  	_ =	swait.ge [sflag:s11], $0x80  }
0x15: {  	[sflag:s11] =	ssyncset.done $0x0  }
0x16: {  	[sflag:s11] =	ssyncadd.s32 $0xFFFFFF80  }
0x17: {  	v3 =	vld [tilespmem:$0x0];
	_ =	sdelay $0x4  }
0x18: {  	v4 =	vshll.u32 v3, $0x3  }
0x19: {  	v3 =	vand.u32 $0x7, v3;
	v4 =	vand.u32 $0xFFFFFFC0, v4  }
0x1a: {  	v3 =	vor.u32 v3, v4  }
0x1b: {  	v4 =	vperm.xlane v3, v0;
	_ =	sdelay $0x1  }
0x1c: {  	v4 =	vadd.s32 v1, v4;
	_ =	sdelay $0x3  }
0x1d: {  	s25 =	simm.s32 $0x80  }
0x1e: {  	[tilespmem:s25], [sflag:$0x1] =	stream.indirect_vreg.gather [hbm4b:s3+s2], $0x80, v4, vm0, $0xb8;
	[tilespmem:$0x18080] =	vst v63  }
0x1f: {  	s26 =	simm.s32 $0x880;
	v3 =	vperm.xlane v3, v2  }
0x20: {  	[tilespmem:s26], [sflag:$0x1] =	stream.indirect_vreg.gather [hbm4b:s5+s2], $0x80, v4, vm0, $0xb8;
	[tilespmem:$0x18080] =	vst v63  }
0x21: {  	s29 =	simm.s32 $0x1080;
	v3 =	vadd.s32 v1, v3  }
0x22: {  	[tilespmem:s29], [sflag:$0x1] =	stream.indirect_vreg.gather [hbm4b:s6+s2], $0x80, v4, vm0, $0xb8;
	[tilespmem:$0x18080] =	vst v63  }
0x23: {  	s30 =	simm.s32 $0x1880  }
0x24: {  	[tilespmem:s30], [sflag:$0x1] =	stream.indirect_vreg.gather [hbm4b:s7+s2], $0x80, v4, vm0, $0xb8;
	[tilespmem:$0x18080] =	vst v63  }
0x25: {  	s24 =	simm.s32 $0x2080  }
0x26: {  	[tilespmem:s24], [sflag:$0x1] =	stream.indirect_vreg.gather [hbm4b:s3+s2], $0x80, v3, vm0, $0xb8;
	[tilespmem:$0x18080] =	vst v63  }
0x27: {  	s25 =	simm.s32 $0x2880  }
0x28: {  	[tilespmem:s25], [sflag:$0x1] =	stream.indirect_vreg.gather [hbm4b:s5+s2], $0x80, v3, vm0, $0xb8;
	[tilespmem:$0x18080] =	vst v63  }
0x29: {  	s26 =	simm.s32 $0x3080  }
0x2a: {  	[tilespmem:s26], [sflag:$0x1] =	stream.indirect_vreg.gather [hbm4b:s6+s2], $0x80, v3, vm0, $0xb8;
	[tilespmem:$0x18080] =	vst v63  }
0x2b: {  	s29 =	simm.s32 $0x3880  }
0x2c: {  	[tilespmem:s29], [sflag:$0x1] =	stream.indirect_vreg.gather [hbm4b:s7+s2], $0x80, v3, vm0, $0xb8;
	[tilespmem:$0x18080] =	vst v63  }
0x2d: {  	v3 =	vld [tilespmem:$0x10];
	_ =	sdelay $0x4  }
0x2e: {  	v4 =	vshll.u32 v3, $0x3  }
0x2f: {  	v3 =	vand.u32 $0x7, v3;
	v4 =	vand.u32 $0xFFFFFFC0, v4  }
0x30: {  	v3 =	vor.u32 v3, v4  }
0x31: {  	v4 =	vperm.xlane v3, v0;
	_ =	sdelay $0x1  }
0x32: {  	v4 =	vadd.s32 v1, v4;
	_ =	sdelay $0x3  }
0x33: {  	s30 =	simm.s32 $0x4080  }
0x34: {  	[tilespmem:s30], [sflag:$0x1] =	stream.indirect_vreg.gather [hbm4b:s3+s2], $0x80, v4, vm0, $0xb8;
	[tilespmem:$0x18080] =	vst v63  }
0x35: {  	s24 =	simm.s32 $0x4880;
	v3 =	vperm.xlane v3, v2  }
0x36: {  	[tilespmem:s24], [sflag:$0x1] =	stream.indirect_vreg.gather [hbm4b:s5+s2], $0x80, v4, vm0, $0xb8;
	[tilespmem:$0x18080] =	vst v63  }
0x37: {  	s25 =	simm.s32 $0x5080;
	v3 =	vadd.s32 v1, v3  }
0x38: {  	[tilespmem:s25], [sflag:$0x1] =	stream.indirect_vreg.gather [hbm4b:s6+s2], $0x80, v4, vm0, $0xb8;
	[tilespmem:$0x18080] =	vst v63  }
0x39: {  	s26 =	simm.s32 $0x5880  }
0x3a: {  	[tilespmem:s26], [sflag:$0x1] =	stream.indirect_vreg.gather [hbm4b:s7+s2], $0x80, v4, vm0, $0xb8;
	[tilespmem:$0x18080] =	vst v63  }
0x3b: {  	s29 =	simm.s32 $0x6080  }
0x3c: {  	[tilespmem:s29], [sflag:$0x1] =	stream.indirect_vreg.gather [hbm4b:s3+s2], $0x80, v3, vm0, $0xb8;
	[tilespmem:$0x18080] =	vst v63  }
0x3d: {  	s30 =	simm.s32 $0x6880  }
0x3e: {  	[tilespmem:s30], [sflag:$0x1] =	stream.indirect_vreg.gather [hbm4b:s5+s2], $0x80, v3, vm0, $0xb8;
	[tilespmem:$0x18080] =	vst v63  }
0x3f: {  	s24 =	simm.s32 $0x7080  }
0x40: {  	[tilespmem:s24], [sflag:$0x1] =	stream.indirect_vreg.gather [hbm4b:s6+s2], $0x80, v3, vm0, $0xb8;
	[tilespmem:$0x18080] =	vst v63  }
0x41: {  	s25 =	simm.s32 $0x7880  }
0x42: {  	[tilespmem:s25], [sflag:$0x1] =	stream.indirect_vreg.gather [hbm4b:s7+s2], $0x80, v3, vm0, $0xb8;
	[tilespmem:$0x18080] =	vst v63  }
0x43: {  	v3 =	vld [tilespmem:$0x20];
	_ =	sdelay $0x4  }
0x44: {  	v4 =	vshll.u32 v3, $0x3  }
0x45: {  	v3 =	vand.u32 $0x7, v3;
	v4 =	vand.u32 $0xFFFFFFC0, v4  }
0x46: {  	v3 =	vor.u32 v3, v4  }
0x47: {  	v4 =	vperm.xlane v3, v0;
	_ =	sdelay $0x1  }
0x48: {  	v4 =	vadd.s32 v1, v4;
	_ =	sdelay $0x3  }
0x49: {  	s26 =	simm.s32 $0x8080  }
0x4a: {  	[tilespmem:s26], [sflag:$0x1] =	stream.indirect_vreg.gather [hbm4b:s3+s2], $0x80, v4, vm0, $0xb8;
	[tilespmem:$0x18080] =	vst v63  }
0x4b: {  	s29 =	simm.s32 $0x8880;
	v3 =	vperm.xlane v3, v2  }
0x4c: {  	[tilespmem:s29], [sflag:$0x1] =	stream.indirect_vreg.gather [hbm4b:s5+s2], $0x80, v4, vm0, $0xb8;
	[tilespmem:$0x18080] =	vst v63  }
0x4d: {  	v3 =	vadd.s32 v1, v3  }
0x4e: {  	[tilespmem:s31], [sflag:$0x1] =	stream.indirect_vreg.gather [hbm4b:s6+s2], $0x80, v4, vm0, $0xb8;
	[tilespmem:$0x18080] =	vst v63  }
0x4f: {  	_ = 	snop  }
0x50: {  	[tilespmem:s0], [sflag:$0x1] =	stream.indirect_vreg.gather [hbm4b:s7+s2], $0x80, v4, vm0, $0xb8;
	[tilespmem:$0x18080] =	vst v63  }
0x51: {  	_ = 	snop  }
0x52: {  	[tilespmem:s1], [sflag:$0x1] =	stream.indirect_vreg.gather [hbm4b:s3+s2], $0x80, v3, vm0, $0xb8;
	[tilespmem:$0x18080] =	vst v63  }
0x53: {  	_ = 	snop  }
0x54: {  	[tilespmem:s4], [sflag:$0x1] =	stream.indirect_vreg.gather [hbm4b:s5+s2], $0x80, v3, vm0, $0xb8;
	[tilespmem:$0x18080] =	vst v63  }
0x55: {  	_ = 	snop  }
0x56: {  	[tilespmem:s12], [sflag:$0x1] =	stream.indirect_vreg.gather [hbm4b:s6+s2], $0x80, v3, vm0, $0xb8;
	[tilespmem:$0x18080] =	vst v63  }
0x57: {  	_ = 	snop  }
0x58: {  	[tilespmem:s13], [sflag:$0x1] =	stream.indirect_vreg.gather [hbm4b:s7+s2], $0x80, v3, vm0, $0xb8;
	[tilespmem:$0x18080] =	vst v63  }
0x59: {  	v3 =	vld [tilespmem:$0x30];
	_ =	sdelay $0x4  }
0x5a: {  	v4 =	vshll.u32 v3, $0x3  }
0x5b: {  	v3 =	vand.u32 $0x7, v3;
	v4 =	vand.u32 $0xFFFFFFC0, v4  }
0x5c: {  	v3 =	vor.u32 v3, v4  }
0x5d: {  	v4 =	vperm.xlane v3, v0;
	_ =	sdelay $0x1  }
0x5e: {  	v4 =	vadd.s32 v1, v4;
	_ =	sdelay $0x4  }
0x5f: {  	[tilespmem:s14], [sflag:$0x1] =	stream.indirect_vreg.gather [hbm4b:s3+s2], $0x80, v4, vm0, $0xb8;
	[tilespmem:$0x18080] =	vst v63  }
0x60: {  	v3 =	vperm.xlane v3, v2  }
0x61: {  	[tilespmem:s15], [sflag:$0x1] =	stream.indirect_vreg.gather [hbm4b:s5+s2], $0x80, v4, vm0, $0xb8;
	[tilespmem:$0x18080] =	vst v63  }
0x62: {  	v3 =	vadd.s32 v1, v3  }
0x63: {  	[tilespmem:s16], [sflag:$0x1] =	stream.indirect_vreg.gather [hbm4b:s6+s2], $0x80, v4, vm0, $0xb8;
	[tilespmem:$0x18080] =	vst v63  }
0x64: {  	_ = 	snop  }
0x65: {  	[tilespmem:s9], [sflag:$0x1] =	stream.indirect_vreg.gather [hbm4b:s7+s2], $0x80, v4, vm0, $0xb8;
	[tilespmem:$0x18080] =	vst v63  }
0x66: {  	_ = 	snop  }
0x67: {  	[tilespmem:s10], [sflag:$0x1] =	stream.indirect_vreg.gather [hbm4b:s3+s2], $0x80, v3, vm0, $0xb8;
	[tilespmem:$0x18080] =	vst v63  }
0x68: {  	_ = 	snop  }
0x69: {  	[tilespmem:s17], [sflag:$0x1] =	stream.indirect_vreg.gather [hbm4b:s5+s2], $0x80, v3, vm0, $0xb8;
	[tilespmem:$0x18080] =	vst v63  }
0x6a: {  	_ = 	snop  }
0x6b: {  	[tilespmem:s18], [sflag:$0x1] =	stream.indirect_vreg.gather [hbm4b:s6+s2], $0x80, v3, vm0, $0xb8;
	[tilespmem:$0x18080] =	vst v63  }
0x6c: {  	s24 =	simm.s32 $0x0;
	s25 =	simm.s32 $0x0  }
0x6d: {  	[tilespmem:s19], [sflag:$0x1] =	stream.indirect_vreg.gather [hbm4b:s7+s2], $0x80, v3, vm0, $0xb8;
	[tilespmem:$0x18080] =	vst v63  }
0x6e: {  	s24 =	sand.u32 $0x300, s24;
	s25 =	sand.u32 $0xE000, s25;
	_ =	swait.ge [sflag:s20], $0x10000  }
0x6f: {  	s24 =	sor.u32 s24, s25;
	s26 =	sand.u32 $0x1C00, s2;
	[sflag:s20] =	ssyncset.done $0x0  }
0x70: {  	s24 =	sor.u32 s26, s24;
	[sflag:s20] =	ssyncadd.s32 $0xFFFF0000  }
0x71: {  	v4 =	vld [tilespmem:s24+$0xF0]  }
0x72: {  	v5 =	vld [tilespmem:s24+$0x170]  }
0x73: {  	v6 =	vld [tilespmem:s24+$0x80]  }
0x74: {  	v8 =	vld [tilespmem:s24+$0x100]  }
0x75: {  	s28 =	simm.s32 $0x0;
	s30 =	simm.s32 $0x0;
	v9 =	vld [tilespmem:s24+$0x90]  }
0x76: {  	s28 =	sand.u32 $0x380, s28;
	s25 =	sand.u32 $0x6000, s30;
	v10 =	vld [tilespmem:s24+$0x110]  }
0x77: {  	s25 =	sor.u32 s28, s25;
	v3 =	vld [tilespmem:s24+$0xA0]  }
0x78: {  	s28 =	sor.u32 s26, s25;
	v7 =	vld [tilespmem:s24+$0x120];
	v5 =	vadd.f32 v5, v4  }
0x79: {  	s25 =	sadd.s32 $0x10080, s28;
	v8 =	vadd.f32 v8, v6;
	v4 =	vld [tilespmem:s24+$0xB0]  }
0x7a: {  	v6 =	vld [tilespmem:s24+$0x130];
	[tilespmem:s25+$0x70] =	vst v5  }
0x7b: {  	s26 =	simm.s32 $0x0;
	[tilespmem:s28+$0x10080] =	vst v8;
	v8 =	vadd.f32 v10, v9;
	v5 =	vld [tilespmem:s24+$0xC0];
	s28 =	simm.s32 $0x0  }
.LBB2_2:
0x7c: {  	s26 =	sadd.s32 $0x8, s26;
	v9 =	vld [tilespmem:s24+$0x140]  }
0x7d: {  	s29 =	sshll.u32 s26, $0x2;
	s8 =	sshll.u32 s26, $0x5;
	p0 =	slt.u32 s26, $0x7F8;
	[tilespmem:s25+$0x10] =	vst v8;
	v3 =	vadd.f32 v7, v3;
	v7 =	vld [tilespmem:s24+$0xD0]  }
0x7e: {  	s28 =	sadd.s32 $0x400, s28;
	s8 =	sand.u32 $0xE000, s8;
	s29 =	sand.u32 $0x300, s29;
	v8 =	vld [tilespmem:s24+$0x150]  }
0x7f: {  	s30 =	sand.u32 $0x1C00, s28;
	s8 =	sor.u32 s29, s8;
	[tilespmem:s25+$0x20] =	vst v3;
	v3 =	vadd.f32 v6, v4;
	v4 =	vld [tilespmem:s24+$0xE0]  }
0x80: {  	v6 =	vld [tilespmem:s24+$0x160];
	s24 =	sor.u32 s30, s8  }
0x81: {  	v10 =	vld [tilespmem:s24+$0xF0];
	[tilespmem:s25+$0x30] =	vst v3;
	v3 =	vadd.f32 v9, v5  }
0x82: {  	v5 =	vld [tilespmem:s24+$0x170]  }
0x83: {  	v9 =	vld [tilespmem:s24+$0x80];
	[tilespmem:s25+$0x40] =	vst v3;
	v3 =	vadd.f32 v8, v7  }
0x84: {  	s29 =	sshll.u32 s26, $0x1;
	s8 =	sshll.u32 s26, $0x4;
	v8 =	vld [tilespmem:s24+$0x100]  }
0x85: {  	s29 =	sand.u32 $0x380, s29;
	s8 =	sand.u32 $0x6000, s8;
	v11 =	vld [tilespmem:s24+$0x90];
	[tilespmem:s25+$0x50] =	vst v3;
	v4 =	vadd.f32 v6, v4  }
0x86: {  	s8 =	sor.u32 s29, s8;
	v12 =	vld [tilespmem:s24+$0x110]  }
.Ltmp0:
0x87: {  	s8 =	sor.u32 s30, s8;
	v3 =	vld [tilespmem:s24+$0xA0];
	v5 =	vadd.f32 v5, v10;
	[tilespmem:s25+$0x60] =	vst v4;
	(pc) =	sbr.rel @p0 .LBB2_2-.Ltmp0, $4  }
0x88: {  	s25 =	sadd.s32 $0x10080, s8;
	v7 =	vld [tilespmem:s24+$0x120]  }
0x89: {  	v8 =	vadd.f32 v8, v9;
	v4 =	vld [tilespmem:s24+$0xB0];
	[tilespmem:s25+$0x70] =	vst v5  }
0x8a: {  	v6 =	vld [tilespmem:s24+$0x130]  }
0x8b: {  	[tilespmem:s8+$0x10080] =	vst v8;
	v8 =	vadd.f32 v12, v11;
	v5 =	vld [tilespmem:s24+$0xC0]  }
0x8c: {  	v9 =	vld [tilespmem:s24+$0x140]  }
0x8d: {  	v10 =	vld [tilespmem:s24+$0xD0]  }
0x8e: {  	v11 =	vld [tilespmem:s24+$0x150]  }
0x8f: {  	v12 =	vld [tilespmem:s24+$0xE0]  }
0x90: {  	v13 =	vld [tilespmem:s24+$0x160]  }
0x91: {  	v3 =	vadd.f32 v7, v3  }
0x92: {  	[tilespmem:s25+$0x10] =	vst v8;
	v4 =	vadd.f32 v6, v4  }
0x93: {  	[tilespmem:s25+$0x20] =	vst v3;
	v3 =	vadd.f32 v9, v5  }
0x94: {  	[tilespmem:s25+$0x30] =	vst v4;
	v4 =	vadd.f32 v11, v10  }
0x95: {  	[tilespmem:s25+$0x40] =	vst v3;
	v3 =	vadd.f32 v13, v12  }
0x96: {  	[tilespmem:s25+$0x50] =	vst v4  }
0x97: {  	[tilespmem:s25+$0x60] =	vst v3  }
0x98: {  	v3 =	vld [tilespmem:$0x40];
	_ =	sdelay $0x4  }
0x99: {  	v4 =	vshll.u32 v3, $0x3  }
0x9a: {  	v3 =	vand.u32 $0x7, v3;
	v4 =	vand.u32 $0xFFFFFFC0, v4  }
0x9b: {  	v3 =	vor.u32 v3, v4  }
0x9c: {  	v4 =	vperm.xlane v3, v0;
	_ =	sdelay $0x1  }
0x9d: {  	v4 =	vadd.s32 v1, v4;
	_ =	sdelay $0x3  }
0x9e: {  	s24 =	simm.s32 $0x0;
	s8 =	simm.s32 $0x80  }
0x9f: {  	[tilespmem:s8], [sflag:$0x1] =	stream.indirect_vreg.gather [hbm4b:s3+s24], $0x80, v4, vm0, $0xb8;
	[tilespmem:$0x18080] =	vst v63  }
0xa0: {  	s30 =	simm.s32 $0x880;
	v3 =	vperm.xlane v3, v2  }
0xa1: {  	[tilespmem:s30], [sflag:$0x1] =	stream.indirect_vreg.gather [hbm4b:s5+s24], $0x80, v4, vm0, $0xb8;
	[tilespmem:$0x18080] =	vst v63  }
0xa2: {  	s25 =	simm.s32 $0x1080;
	v3 =	vadd.s32 v1, v3  }
0xa3: {  	[tilespmem:s25], [sflag:$0x1] =	stream.indirect_vreg.gather [hbm4b:s6+s24], $0x80, v4, vm0, $0xb8;
	[tilespmem:$0x18080] =	vst v63  }
0xa4: {  	s26 =	simm.s32 $0x1880  }
0xa5: {  	[tilespmem:s26], [sflag:$0x1] =	stream.indirect_vreg.gather [hbm4b:s7+s24], $0x80, v4, vm0, $0xb8;
	[tilespmem:$0x18080] =	vst v63  }
0xa6: {  	s29 =	simm.s32 $0x2080  }
0xa7: {  	[tilespmem:s29], [sflag:$0x1] =	stream.indirect_vreg.gather [hbm4b:s3+s24], $0x80, v3, vm0, $0xb8;
	[tilespmem:$0x18080] =	vst v63  }
0xa8: {  	s30 =	simm.s32 $0x2880  }
0xa9: {  	[tilespmem:s30], [sflag:$0x1] =	stream.indirect_vreg.gather [hbm4b:s5+s24], $0x80, v3, vm0, $0xb8;
	[tilespmem:$0x18080] =	vst v63  }
0xaa: {  	s25 =	simm.s32 $0x3080  }
0xab: {  	[tilespmem:s25], [sflag:$0x1] =	stream.indirect_vreg.gather [hbm4b:s6+s24], $0x80, v3, vm0, $0xb8;
	[tilespmem:$0x18080] =	vst v63  }
0xac: {  	s26 =	simm.s32 $0x3880  }
0xad: {  	[tilespmem:s26], [sflag:$0x1] =	stream.indirect_vreg.gather [hbm4b:s7+s24], $0x80, v3, vm0, $0xb8;
	[tilespmem:$0x18080] =	vst v63  }
0xae: {  	v3 =	vld [tilespmem:$0x50];
	_ =	sdelay $0x4  }
0xaf: {  	v4 =	vshll.u32 v3, $0x3  }
0xb0: {  	v3 =	vand.u32 $0x7, v3;
	v4 =	vand.u32 $0xFFFFFFC0, v4  }
0xb1: {  	v3 =	vor.u32 v3, v4  }
0xb2: {  	v4 =	vperm.xlane v3, v0;
	_ =	sdelay $0x1  }
0xb3: {  	v4 =	vadd.s32 v1, v4;
	_ =	sdelay $0x3  }
0xb4: {  	s29 =	simm.s32 $0x4080  }
0xb5: {  	[tilespmem:s29], [sflag:$0x1] =	stream.indirect_vreg.gather [hbm4b:s3+s24], $0x80, v4, vm0, $0xb8;
	[tilespmem:$0x18080] =	vst v63  }
0xb6: {  	s30 =	simm.s32 $0x4880;
	v3 =	vperm.xlane v3, v2  }
0xb7: {  	[tilespmem:s30], [sflag:$0x1] =	stream.indirect_vreg.gather [hbm4b:s5+s24], $0x80, v4, vm0, $0xb8;
	[tilespmem:$0x18080] =	vst v63  }
0xb8: {  	s25 =	simm.s32 $0x5080;
	v3 =	vadd.s32 v1, v3  }
0xb9: {  	[tilespmem:s25], [sflag:$0x1] =	stream.indirect_vreg.gather [hbm4b:s6+s24], $0x80, v4, vm0, $0xb8;
	[tilespmem:$0x18080] =	vst v63  }
0xba: {  	s26 =	simm.s32 $0x5880  }
0xbb: {  	[tilespmem:s26], [sflag:$0x1] =	stream.indirect_vreg.gather [hbm4b:s7+s24], $0x80, v4, vm0, $0xb8;
	[tilespmem:$0x18080] =	vst v63  }
0xbc: {  	s29 =	simm.s32 $0x6080  }
0xbd: {  	[tilespmem:s29], [sflag:$0x1] =	stream.indirect_vreg.gather [hbm4b:s3+s24], $0x80, v3, vm0, $0xb8;
	[tilespmem:$0x18080] =	vst v63  }
0xbe: {  	s30 =	simm.s32 $0x6880  }
0xbf: {  	[tilespmem:s30], [sflag:$0x1] =	stream.indirect_vreg.gather [hbm4b:s5+s24], $0x80, v3, vm0, $0xb8;
	[tilespmem:$0x18080] =	vst v63  }
0xc0: {  	s25 =	simm.s32 $0x7080  }
0xc1: {  	[tilespmem:s25], [sflag:$0x1] =	stream.indirect_vreg.gather [hbm4b:s6+s24], $0x80, v3, vm0, $0xb8;
	[tilespmem:$0x18080] =	vst v63  }
0xc2: {  	s26 =	simm.s32 $0x7880  }
0xc3: {  	[tilespmem:s26], [sflag:$0x1] =	stream.indirect_vreg.gather [hbm4b:s7+s24], $0x80, v3, vm0, $0xb8;
	[tilespmem:$0x18080] =	vst v63  }
0xc4: {  	v3 =	vld [tilespmem:$0x60];
	_ =	sdelay $0x4  }
0xc5: {  	v4 =	vshll.u32 v3, $0x3  }
0xc6: {  	v3 =	vand.u32 $0x7, v3;
	v4 =	vand.u32 $0xFFFFFFC0, v4  }
0xc7: {  	v3 =	vor.u32 v3, v4  }
0xc8: {  	v4 =	vperm.xlane v3, v0;
	_ =	sdelay $0x1  }
0xc9: {  	v4 =	vadd.s32 v1, v4;
	_ =	sdelay $0x3  }
0xca: {  	s29 =	simm.s32 $0x8080  }
0xcb: {  	[tilespmem:s29], [sflag:$0x1] =	stream.indirect_vreg.gather [hbm4b:s3+s24], $0x80, v4, vm0, $0xb8;
	[tilespmem:$0x18080] =	vst v63  }
0xcc: {  	s30 =	simm.s32 $0x8880;
	v3 =	vperm.xlane v3, v2  }
0xcd: {  	[tilespmem:s30], [sflag:$0x1] =	stream.indirect_vreg.gather [hbm4b:s5+s24], $0x80, v4, vm0, $0xb8;
	[tilespmem:$0x18080] =	vst v63  }
0xce: {  	v3 =	vadd.s32 v1, v3  }
0xcf: {  	[tilespmem:s31], [sflag:$0x1] =	stream.indirect_vreg.gather [hbm4b:s6+s24], $0x80, v4, vm0, $0xb8;
	[tilespmem:$0x18080] =	vst v63  }
0xd0: {  	_ = 	snop  }
0xd1: {  	[tilespmem:s0], [sflag:$0x1] =	stream.indirect_vreg.gather [hbm4b:s7+s24], $0x80, v4, vm0, $0xb8;
	[tilespmem:$0x18080] =	vst v63  }
0xd2: {  	_ = 	snop  }
0xd3: {  	[tilespmem:s1], [sflag:$0x1] =	stream.indirect_vreg.gather [hbm4b:s3+s24], $0x80, v3, vm0, $0xb8;
	[tilespmem:$0x18080] =	vst v63  }
0xd4: {  	_ = 	snop  }
0xd5: {  	[tilespmem:s4], [sflag:$0x1] =	stream.indirect_vreg.gather [hbm4b:s5+s24], $0x80, v3, vm0, $0xb8;
	[tilespmem:$0x18080] =	vst v63  }
0xd6: {  	_ = 	snop  }
0xd7: {  	[tilespmem:s12], [sflag:$0x1] =	stream.indirect_vreg.gather [hbm4b:s6+s24], $0x80, v3, vm0, $0xb8;
	[tilespmem:$0x18080] =	vst v63  }
0xd8: {  	_ = 	snop  }
0xd9: {  	[tilespmem:s13], [sflag:$0x1] =	stream.indirect_vreg.gather [hbm4b:s7+s24], $0x80, v3, vm0, $0xb8;
	[tilespmem:$0x18080] =	vst v63  }
0xda: {  	v3 =	vld [tilespmem:$0x70];
	_ =	sdelay $0x4  }
0xdb: {  	v4 =	vshll.u32 v3, $0x3  }
0xdc: {  	v3 =	vand.u32 $0x7, v3;
	v4 =	vand.u32 $0xFFFFFFC0, v4  }
0xdd: {  	v3 =	vor.u32 v3, v4  }
0xde: {  	v4 =	vperm.xlane v3, v0;
	_ =	sdelay $0x1  }
0xdf: {  	v4 =	vadd.s32 v1, v4;
	_ =	sdelay $0x4  }
0xe0: {  	[tilespmem:s14], [sflag:$0x1] =	stream.indirect_vreg.gather [hbm4b:s3+s24], $0x80, v4, vm0, $0xb8;
	[tilespmem:$0x18080] =	vst v63  }
0xe1: {  	v3 =	vperm.xlane v3, v2  }
0xe2: {  	[tilespmem:s15], [sflag:$0x1] =	stream.indirect_vreg.gather [hbm4b:s5+s24], $0x80, v4, vm0, $0xb8;
	[tilespmem:$0x18080] =	vst v63  }
0xe3: {  	v3 =	vadd.s32 v1, v3  }
0xe4: {  	[tilespmem:s16], [sflag:$0x1] =	stream.indirect_vreg.gather [hbm4b:s6+s24], $0x80, v4, vm0, $0xb8;
	[tilespmem:$0x18080] =	vst v63  }
0xe5: {  	_ = 	snop  }
0xe6: {  	[tilespmem:s9], [sflag:$0x1] =	stream.indirect_vreg.gather [hbm4b:s7+s24], $0x80, v4, vm0, $0xb8;
	[tilespmem:$0x18080] =	vst v63  }
0xe7: {  	_ = 	snop  }
0xe8: {  	[tilespmem:s10], [sflag:$0x1] =	stream.indirect_vreg.gather [hbm4b:s3+s24], $0x80, v3, vm0, $0xb8;
	[tilespmem:$0x18080] =	vst v63  }
0xe9: {  	_ = 	snop  }
0xea: {  	[tilespmem:s17], [sflag:$0x1] =	stream.indirect_vreg.gather [hbm4b:s5+s24], $0x80, v3, vm0, $0xb8;
	[tilespmem:$0x18080] =	vst v63  }
0xeb: {  	_ = 	snop  }
0xec: {  	[tilespmem:s18], [sflag:$0x1] =	stream.indirect_vreg.gather [hbm4b:s6+s24], $0x80, v3, vm0, $0xb8;
	[tilespmem:$0x18080] =	vst v63  }
0xed: {  	_ = 	snop  }
0xee: {  	[tilespmem:s19], [sflag:$0x1] =	stream.indirect_vreg.gather [hbm4b:s7+s24], $0x80, v3, vm0, $0xb8;
	[tilespmem:$0x18080] =	vst v63  }
0xef: {  	s25 =	rddreg [dreg:$0x4]  }
0xf0: {  	[hbm4b:s25+s24] =	stream.linear.scatter [tilespmem:s21], [sflag:$0x2], $0x8000, $0x38;
	[tilespmem:$0x18080] =	vst v63  }
0xf1: {  	_ =	swait.ge [sflag:s20], $0x10000  }
0xf2: {  	[sflag:s20] =	ssyncset.done $0x0  }
0xf3: {  	s26 =	simm.s32 $0x0;
	s29 =	simm.s32 $0x0;
	[sflag:s20] =	ssyncadd.s32 $0xFFFF0000  }
0xf4: {  	s8 =	sand.u32 $0x300, s26;
	s25 =	sand.u32 $0xE000, s29;
	_ =	swait.ge [sflag:s22], $0x8000  }
0xf5: {  	s26 =	sand.u32 $0x1C00, s24;
	s8 =	sor.u32 s8, s25;
	[sflag:s22] =	ssyncset.done $0x0  }
0xf6: {  	s25 =	sor.u32 s26, s8;
	[sflag:s22] =	ssyncadd.s32 $0xFFFF8000  }
0xf7: {  	v4 =	vld [tilespmem:s25+$0xF0]  }
0xf8: {  	v5 =	vld [tilespmem:s25+$0x80]  }
0xf9: {  	v6 =	vld [tilespmem:s25+$0x100]  }
0xfa: {  	v8 =	vld [tilespmem:s25+$0x170]  }
0xfb: {  	v9 =	vld [tilespmem:s25+$0x90]  }
0xfc: {  	s28 =	simm.s32 $0x0;
	s30 =	simm.s32 $0x0;
	v10 =	vld [tilespmem:s25+$0x110]  }
0xfd: {  	s28 =	sand.u32 $0x380, s28;
	s8 =	sand.u32 $0x6000, s30;
	v3 =	vld [tilespmem:s25+$0xA0]  }
0xfe: {  	s8 =	sor.u32 s28, s8;
	v7 =	vld [tilespmem:s25+$0x120];
	v5 =	vadd.f32 v6, v5  }
0xff: {  	s8 =	sor.u32 s26, s8;
	v8 =	vadd.f32 v8, v4;
	v4 =	vld [tilespmem:s25+$0xB0]  }
0x100: {  	s26 =	sadd.s32 $0x10080, s8;
	v6 =	vld [tilespmem:s25+$0x130];
	[tilespmem:s8+$0x10080] =	vst v5  }
0x101: {  	s28 =	simm.s32 $0x0;
	[tilespmem:s26+$0x70] =	vst v8;
	v8 =	vadd.f32 v10, v9;
	v5 =	vld [tilespmem:s25+$0xC0]  }
.LBB2_4:
0x102: {  	s28 =	sadd.s32 $0x8, s28;
	v9 =	vld [tilespmem:s25+$0x140]  }
0x103: {  	s8 =	sshll.u32 s28, $0x2;
	s29 =	sshll.u32 s28, $0x5;
	p0 =	slt.u32 s28, $0x7F8;
	[tilespmem:s26+$0x10] =	vst v8;
	v3 =	vadd.f32 v7, v3;
	v7 =	vld [tilespmem:s25+$0xD0]  }
0x104: {  	s24 =	sadd.s32 $0x400, s24;
	s29 =	sand.u32 $0xE000, s29;
	s8 =	sand.u32 $0x300, s8;
	v8 =	vld [tilespmem:s25+$0x150]  }
0x105: {  	s30 =	sand.u32 $0x1C00, s24;
	s8 =	sor.u32 s8, s29;
	[tilespmem:s26+$0x20] =	vst v3;
	v3 =	vadd.f32 v6, v4;
	v4 =	vld [tilespmem:s25+$0xE0]  }
0x106: {  	v6 =	vld [tilespmem:s25+$0x160];
	s25 =	sor.u32 s30, s8  }
0x107: {  	v10 =	vld [tilespmem:s25+$0xF0];
	[tilespmem:s26+$0x30] =	vst v3;
	v3 =	vadd.f32 v9, v5  }
0x108: {  	v5 =	vld [tilespmem:s25+$0x170]  }
0x109: {  	v9 =	vld [tilespmem:s25+$0x80];
	[tilespmem:s26+$0x40] =	vst v3;
	v3 =	vadd.f32 v8, v7  }
0x10a: {  	s29 =	sshll.u32 s28, $0x1;
	s8 =	sshll.u32 s28, $0x4;
	v8 =	vld [tilespmem:s25+$0x100]  }
0x10b: {  	s29 =	sand.u32 $0x380, s29;
	s8 =	sand.u32 $0x6000, s8;
	v11 =	vld [tilespmem:s25+$0x90];
	[tilespmem:s26+$0x50] =	vst v3;
	v4 =	vadd.f32 v6, v4  }
0x10c: {  	s8 =	sor.u32 s29, s8;
	v12 =	vld [tilespmem:s25+$0x110]  }
.Ltmp1:
0x10d: {  	s8 =	sor.u32 s30, s8;
	v3 =	vld [tilespmem:s25+$0xA0];
	v5 =	vadd.f32 v5, v10;
	[tilespmem:s26+$0x60] =	vst v4;
	(pc) =	sbr.rel @p0 .LBB2_4-.Ltmp1, $4  }
0x10e: {  	s26 =	sadd.s32 $0x10080, s8;
	v7 =	vld [tilespmem:s25+$0x120]  }
0x10f: {  	v8 =	vadd.f32 v8, v9;
	v4 =	vld [tilespmem:s25+$0xB0];
	[tilespmem:s26+$0x70] =	vst v5  }
0x110: {  	v6 =	vld [tilespmem:s25+$0x130]  }
0x111: {  	[tilespmem:s8+$0x10080] =	vst v8;
	v8 =	vadd.f32 v12, v11;
	v5 =	vld [tilespmem:s25+$0xC0]  }
0x112: {  	v9 =	vld [tilespmem:s25+$0x140]  }
0x113: {  	v10 =	vld [tilespmem:s25+$0xD0]  }
0x114: {  	v11 =	vld [tilespmem:s25+$0x150]  }
0x115: {  	v12 =	vld [tilespmem:s25+$0xE0]  }
0x116: {  	v13 =	vld [tilespmem:s25+$0x160]  }
0x117: {  	v3 =	vadd.f32 v7, v3  }
0x118: {  	[tilespmem:s26+$0x10] =	vst v8;
	v4 =	vadd.f32 v6, v4  }
0x119: {  	[tilespmem:s26+$0x20] =	vst v3;
	v3 =	vadd.f32 v9, v5  }
0x11a: {  	[tilespmem:s26+$0x30] =	vst v4;
	v63 =	vadd.f32 v11, v10  }
0x11b: {  	[tilespmem:s26+$0x40] =	vst v3;
	v3 =	vadd.f32 v13, v12  }
0x11c: {  	[tilespmem:s26+$0x50] =	vst v63  }
0x11d: {  	[tilespmem:s26+$0x60] =	vst v3  }
0x11e: {  	s8 =	rddreg [dreg:$0x5]  }
0x11f: {  	[hbm4b:s8+s2] =	stream.linear.scatter [tilespmem:s21], [sflag:$0x2], $0x8000, $0x38;
	[tilespmem:$0x18080] =	vst v63  }
0x120: {  	_ =	swait.ge [sflag:s22], $0x8000  }
0x121: {  	s23 =	sadd.s32 $0x1, s23;
	s30 =	rddreg [dreg:$0x6]  }
0x122: {  	p0 =	sne.s32 s23, s30  }
.Ltmp2:
0x123: {  	_ = 	snop;
	(pc) =	sbr.rel @p0 .LBB2_1-.Ltmp2, $3  }
0x124: {  	_ =	sdelay $0x1  }
0x125: {  	[sflag:s22] =	ssyncset.done $0x0  }
0x126: {  	[sflag:s22] =	ssyncadd.s32 $0xFFFF8000  }
0x127: {  	_ =	sfence.sel $0x180000  }
0x128: {  	[bflag:$0x0] =	sbarrier.arrive $0xFFFF  }
0x129: {  	_ =	strace $0x9000004A  }
0x12a: {  	s0 =	stileid.u32;
	[bflag:$0x2] =	sbarrier.arrive $0xFFFF  }
0x12b: {  	p0 =	sne.s32 s0, $0x0;
	s0 =	rddreg [dreg:$0x2]  }
0x12c: {  	s0 =	sadd.s32 @!p0 $0x100000, s0  }
0x12d: {  	[sflag:s0] =	ssyncadd.tile.s32 @!p0 $0x1;
	_ =	shalt  }
.Lfunc_end2:
_tile_overlayer_lowered:
.L_overlay_start_2:
0x12e: {  	(tag) =	ssettag $0x2  }
0x12f: {  	s0 =	rddreg [dreg:$0x0];
	s2 =	stileid.u32  }
0x130: {  	s1 =	rddreg [dreg:$0x1];
	p0 =	sne.s32 s2, $0x0  }
0x131: {  	s3 =	rddreg [dreg:$0x2];
	[bflag:$0x3] =	sbarrier.arrive $0xFFFF;
	s2 =	simm.s32 @!p0 $0x1C03  }
0x132: {  	[timem:s3], [sflag:s2] =	dma.local @!p0 [hbm:s0], s1  }
0x133: {  	s0 =	simm.s32 @!p0 $0x3  }
0x134: {  	_ =	swait.ge @!p0 [sflag:s0], s1  }
0x135: {  	s1 =	ssub.s32 @!p0 $0x0, s1;
	[sflag:s0] =	ssyncset.done @!p0 $0x0  }
0x136: {  	[sflag:s0] =	ssyncadd.s32 @!p0 s1  }
0x137: {  	[bflag:$0x3] =	sbarrier.arrive $0xFFFF  }
0x138: {  	_ =	shalt  }

</sc_bundles>
